<compile_context>
chip_gen: v7x
topology: tpu7x:2x2x1
jax: 0.10.2.dev20260603
libtpu: 0.0.44.dev20260713+nightly
codegen_flags: <defaults>
</compile_context>

<pallas_src>
import jax
import jax.numpy as jnp
from jax import lax
from jax.experimental import pallas as pl
from jax.experimental.pallas import tpu as pltpu
from jax.experimental.pallas import tpu_sc as plsc

_MAX_DEGREE = 512
_HIDDEN = 128
_N = 100000

_NC = 2
_NS = 16
_NW = _NC * _NS

_CHUNK = 112
_NB = 4
_FULL = 3136
_LAST = 2784
_TAIL_BASE = 31 * _FULL + _LAST - 96
_TAIL = _N - _TAIL_BASE


def _body(deg_hbm, table_hbm, out_hbm,
          bounce, table_sh, idxa, wb0, wb1, wb2, wb3,
          sg, gs0, gs1, gs2, gs3, ws0, ws1, ws2, ws3, ts):
    c = lax.axis_index("c")
    s = lax.axis_index("s")
    wid = s * _NC + c
    base = wid * _FULL
    last = wid == _NW - 1

    wb = [wb0, wb1, wb2, wb3]
    gs = [gs0, gs1, gs2, gs3]
    ws = [ws0, ws1, ws2, ws3]

    rows_per = _MAX_DEGREE // _NS
    hstage = pltpu.async_copy(
        table_hbm.at[pl.ds(s * rows_per, rows_per)], bounce, sg)

    @pl.when(jnp.logical_not(last))
    def _():
        pltpu.sync_copy(deg_hbm.at[pl.ds(base, _FULL)], idxa)

    @pl.when(last)
    def _():
        pltpu.sync_copy(deg_hbm.at[pl.ds(base, _LAST)], idxa.at[pl.ds(0, _LAST)])
        pltpu.sync_copy(deg_hbm.at[pl.ds(_TAIL_BASE, _TAIL)],
                        idxa.at[pl.ds(_LAST, _TAIL)])

    hstage.wait()
    pltpu.sync_copy(bounce, table_sh.at[pl.ds(s * rows_per, rows_per)])

    def clamp(lo, hi):
        for i in range(lo, hi):
            sl = pl.ds(i * 16, 16)
            idxa[sl] = jnp.minimum(jnp.maximum(idxa[sl], 0), _MAX_DEGREE - 1)

    clamp(0, (_LAST + _TAIL) // 16)

    @pl.when(jnp.logical_not(last))
    def _():
        clamp((_LAST + _TAIL) // 16, _FULL // 16)

    plsc.subcore_barrier()

    def fire_gather(idx_off, b):
        return pltpu.async_copy(
            table_sh.at[idxa.at[pl.ds(idx_off, _CHUNK)]], wb[b], gs[b])

    def fire_write(row_off, b):
        return pltpu.async_copy(
            wb[b], out_hbm.at[pl.ds(row_off, _CHUNK)], ws[b])

    def drain_write(b):
        pltpu.make_async_copy(
            wb0, out_hbm.at[pl.ds(0, _CHUNK)], ws[b]).wait()

    gh = [fire_gather(b * _CHUNK, b) for b in range(_NB)]
    for b in range(_NB):
        gh[b].wait()
        fire_write(base + b * _CHUNK, b)

    n_quads = jnp.where(last, 6, 7)

    @pl.loop(1, n_quads)
    def _(t):
        off = t * _NB * _CHUNK
        hs = []
        for b in range(_NB):
            drain_write(b)
            hs.append(fire_gather(off + b * _CHUNK, b))
        for b in range(_NB):
            hs[b].wait()
            fire_write(base + off + b * _CHUNK, b)

    @pl.when(jnp.logical_not(last))
    def _():
        for b in range(_NB):
            drain_write(b)

    @pl.when(last)
    def _():
        drain_write(0)
        pltpu.async_copy(
            table_sh.at[idxa.at[pl.ds(_LAST, _TAIL)]],
            wb0.at[pl.ds(0, _TAIL)], gs0).wait()
        pltpu.async_copy(
            wb0.at[pl.ds(0, _TAIL)],
            out_hbm.at[pl.ds(_TAIL_BASE, _TAIL)], ts).wait()
        for b in range(1, _NB):
            drain_write(b)


@jax.jit
def _run(degrees, table):
    mesh = plsc.VectorSubcoreMesh(core_axis_name="c", subcore_axis_name="s")
    k = pl.kernel(
        _body,
        mesh=mesh,
        compiler_params=pltpu.CompilerParams(needs_layout_passes=False),
        out_type=jax.ShapeDtypeStruct((_N, _HIDDEN), jnp.float32),
        scratch_types=[
            pltpu.VMEM((_MAX_DEGREE // _NS, _HIDDEN), jnp.float32),
            pltpu.VMEM_SHARED((_MAX_DEGREE, _HIDDEN), jnp.float32),
            pltpu.VMEM((_FULL,), jnp.int32),
            pltpu.VMEM((_CHUNK, _HIDDEN), jnp.float32),
            pltpu.VMEM((_CHUNK, _HIDDEN), jnp.float32),
            pltpu.VMEM((_CHUNK, _HIDDEN), jnp.float32),
            pltpu.VMEM((_CHUNK, _HIDDEN), jnp.float32),
            pltpu.SemaphoreType.DMA,
            pltpu.SemaphoreType.DMA,
            pltpu.SemaphoreType.DMA,
            pltpu.SemaphoreType.DMA,
            pltpu.SemaphoreType.DMA,
            pltpu.SemaphoreType.DMA,
            pltpu.SemaphoreType.DMA,
            pltpu.SemaphoreType.DMA,
            pltpu.SemaphoreType.DMA,
            pltpu.SemaphoreType.DMA,
        ],
    )
    return k(degrees, table)


def kernel(degrees, degree_embedding):
    return _run(degrees.astype(jnp.int32), degree_embedding)

# --- scband reference (transcript-rebuilt; emitter-appended) ---
"""Pipeline reference for scband-degree-encoder-17308718203038 (READ-ONLY COPY).

The authoritative reference and input builder live on the scoring server;
editing this copy changes nothing except your own understanding.
"""

import jax, jax.numpy as jnp
import numpy as np

MAX_DEGREE = 512
HIDDEN_DIM = 128
N_NODES = 100000

def setup_inputs(seed: int = 0) -> dict:
    key = jax.random.key(seed)
    k1, k2 = jax.random.split(key)
    degrees = jax.random.randint(k1, (N_NODES,), 0, MAX_DEGREE, dtype=jnp.int64 if jax.config.read('jax_enable_x64') else jnp.int32)
    degree_embedding = jax.random.normal(k2, (MAX_DEGREE, HIDDEN_DIM), dtype=jnp.float32)
    return {"degrees": degrees, "degree_embedding": degree_embedding}

def reference(degrees, degree_embedding):
    # degrees.clamp(0, max_degree - 1) followed by embedding lookup
    idx = jnp.clip(degrees, 0, MAX_DEGREE - 1)
    return jnp.take(degree_embedding, idx, axis=0)

if __name__ == "__main__":
    import jax
    _d = setup_inputs()
    print(jax.jit(kernel)(*tuple(_d.values())))

</pallas_src>

<mosaic_0001>
#map = affine_map<(d0, d1) -> (0)>
#map1 = affine_map<(d0, d1) -> (0, 0)>
module attributes {stable_mosaic.version = 14 : i64} {
  func.func @_body(%arg0: i32, %arg1: i32, %arg2: memref<100000xi32, #tpu.memory_space<hbm>>, %arg3: memref<512x128xf32, #tpu.memory_space<hbm>>, %arg4: memref<100000x128xf32, #tpu.memory_space<hbm>>, %arg5: memref<32x128xf32, #tpu.memory_space<vmem>>, %arg6: memref<512x128xf32, #tpu.memory_space<vmem_shared>>, %arg7: memref<3136xi32, #tpu.memory_space<vmem>>, %arg8: memref<112x128xf32, #tpu.memory_space<vmem>>, %arg9: memref<112x128xf32, #tpu.memory_space<vmem>>, %arg10: memref<112x128xf32, #tpu.memory_space<vmem>>, %arg11: memref<112x128xf32, #tpu.memory_space<vmem>>, %arg12: memref<!tpu.dma_semaphore, #tpu.memory_space<semaphore_mem>>, %arg13: memref<!tpu.dma_semaphore, #tpu.memory_space<semaphore_mem>>, %arg14: memref<!tpu.dma_semaphore, #tpu.memory_space<semaphore_mem>>, %arg15: memref<!tpu.dma_semaphore, #tpu.memory_space<semaphore_mem>>, %arg16: memref<!tpu.dma_semaphore, #tpu.memory_space<semaphore_mem>>, %arg17: memref<!tpu.dma_semaphore, #tpu.memory_space<semaphore_mem>>, %arg18: memref<!tpu.dma_semaphore, #tpu.memory_space<semaphore_mem>>, %arg19: memref<!tpu.dma_semaphore, #tpu.memory_space<semaphore_mem>>, %arg20: memref<!tpu.dma_semaphore, #tpu.memory_space<semaphore_mem>>, %arg21: memref<!tpu.dma_semaphore, #tpu.memory_space<semaphore_mem>>) attributes {dimension_semantics = [#tpu.dimension_semantics<core_parallel>, #tpu.dimension_semantics<subcore_parallel>], iteration_bounds = array<i64: 2, 16>, scalar_prefetch = 0 : i64, scratch_operands = 17 : i64, tpu.core_type = #tpu.core_type<sc_vector_subcore>, window_params = [{transform_indices = #map}, {transform_indices = #map1}, {transform_indices = #map1}]} {
    %mul3A = arith.constant 2 : i32
    %mul3A_0 = arith.muli %arg1, %mul3A : i32
    %add3A = arith.addi %mul3A_0, %arg0 : i32
    %mul3A_1 = arith.constant 3136 : i32
    %mul3A_2 = arith.muli %add3A, %mul3A_1 : i32
    %eq3A = arith.constant 31 : i32
    %eq3A_3 = arith.cmpi eq, %add3A, %eq3A : i32
    %mul3A_4 = arith.constant 32 : i32
    %mul3A_5 = arith.muli %arg1, %mul3A_4 : i32
    %dma_start3A = arith.constant 0 : i32
    %dma_start3A_6 = tpu.memref_slice %arg3[%mul3A_5, %dma_start3A] : memref<512x128xf32, #tpu.memory_space<hbm>> -> memref<32x128xf32, #tpu.memory_space<hbm>>
    %dma_start3A_7 = arith.constant 0 : i32
    %dma_start3A_8 = tpu.memref_slice %arg3[%mul3A_5, %dma_start3A_7] : memref<512x128xf32, #tpu.memory_space<hbm>> -> memref<32x128xf32, #tpu.memory_space<hbm>>
    tpu.enqueue_dma source(%dma_start3A_8 : memref<32x128xf32, #tpu.memory_space<hbm>>) target(%arg5 : memref<32x128xf32, #tpu.memory_space<vmem>>) target_semaphore(%arg12 : memref<!tpu.dma_semaphore, #tpu.memory_space<semaphore_mem>>)
    %not3A = arith.constant true
    %not3A_9 = arith.xori %eq3A_3, %not3A : i1
    %convert_element_type3A = arith.extui %not3A_9 : i1 to i32
    %cond3A = arith.constant 0 : i32
    %cond3A_10 = arith.cmpi ne, %convert_element_type3A, %cond3A : i32
    scf.if %cond3A_10 {
      "tpu.region"() ({
        %run_scoped3A = tpu.sem_alloc : memref<!tpu.dma_semaphore, #tpu.memory_space<semaphore_mem>>
        %dma_start3A_1909 = tpu.memref_slice %arg2[%mul3A_2] : memref<100000xi32, #tpu.memory_space<hbm>> -> memref<3136xi32, #tpu.memory_space<hbm>>
        %dma_start3A_1910 = tpu.memref_slice %arg2[%mul3A_2] : memref<100000xi32, #tpu.memory_space<hbm>> -> memref<3136xi32, #tpu.memory_space<hbm>>
        tpu.enqueue_dma source(%dma_start3A_1910 : memref<3136xi32, #tpu.memory_space<hbm>>) target(%arg7 : memref<3136xi32, #tpu.memory_space<vmem>>) target_semaphore(%run_scoped3A : memref<!tpu.dma_semaphore, #tpu.memory_space<semaphore_mem>>)
        %dma_wait3A_1911 = tpu.memref_slice %arg2[%mul3A_2] : memref<100000xi32, #tpu.memory_space<hbm>> -> memref<3136xi32, #tpu.memory_space<hbm>>
        %dma_wait3A_1912 = tpu.memref_slice %arg2[%mul3A_2] : memref<100000xi32, #tpu.memory_space<hbm>> -> memref<3136xi32, #tpu.memory_space<hbm>>
        tpu.wait_dma2 semaphore(%run_scoped3A : memref<!tpu.dma_semaphore, #tpu.memory_space<semaphore_mem>>) src(%dma_wait3A_1912 : memref<3136xi32, #tpu.memory_space<hbm>>) dst(%arg7 : memref<3136xi32, #tpu.memory_space<vmem>>)
        tpu.yield
      }) : () -> ()
    } else {
    }
    %convert_element_type3A_11 = arith.extui %eq3A_3 : i1 to i32
    %cond3A_12 = arith.constant 0 : i32
    %cond3A_13 = arith.cmpi ne, %convert_element_type3A_11, %cond3A_12 : i32
    scf.if %cond3A_13 {
      "tpu.region"() ({
        %run_scoped3A = tpu.sem_alloc : memref<!tpu.dma_semaphore, #tpu.memory_space<semaphore_mem>>
        %dma_start3A_1909 = arith.constant 0 : i32
        %dma_start3A_1910 = tpu.memref_slice %arg7[%dma_start3A_1909] : memref<3136xi32, #tpu.memory_space<vmem>> -> memref<2784xi32, #tpu.memory_space<vmem>>
        %dma_start3A_1911 = tpu.memref_slice %arg2[%mul3A_2] : memref<100000xi32, #tpu.memory_space<hbm>> -> memref<2784xi32, #tpu.memory_space<hbm>>
        %dma_start3A_1912 = arith.constant 0 : i32
        %dma_start3A_1913 = tpu.memref_slice %arg7[%dma_start3A_1912] : memref<3136xi32, #tpu.memory_space<vmem>> -> memref<2784xi32, #tpu.memory_space<vmem>>
        %dma_start3A_1914 = tpu.memref_slice %arg2[%mul3A_2] : memref<100000xi32, #tpu.memory_space<hbm>> -> memref<2784xi32, #tpu.memory_space<hbm>>
        tpu.enqueue_dma source(%dma_start3A_1914 : memref<2784xi32, #tpu.memory_space<hbm>>) target(%dma_start3A_1913 : memref<2784xi32, #tpu.memory_space<vmem>>) target_semaphore(%run_scoped3A : memref<!tpu.dma_semaphore, #tpu.memory_space<semaphore_mem>>)
        %dma_wait3A_1915 = arith.constant 0 : i32
        %dma_wait3A_1916 = tpu.memref_slice %arg7[%dma_wait3A_1915] : memref<3136xi32, #tpu.memory_space<vmem>> -> memref<2784xi32, #tpu.memory_space<vmem>>
        %dma_wait3A_1917 = tpu.memref_slice %arg2[%mul3A_2] : memref<100000xi32, #tpu.memory_space<hbm>> -> memref<2784xi32, #tpu.memory_space<hbm>>
        %dma_wait3A_1918 = arith.constant 0 : i32
        %dma_wait3A_1919 = tpu.memref_slice %arg7[%dma_wait3A_1918] : memref<3136xi32, #tpu.memory_space<vmem>> -> memref<2784xi32, #tpu.memory_space<vmem>>
        %dma_wait3A_1920 = tpu.memref_slice %arg2[%mul3A_2] : memref<100000xi32, #tpu.memory_space<hbm>> -> memref<2784xi32, #tpu.memory_space<hbm>>
        tpu.wait_dma2 semaphore(%run_scoped3A : memref<!tpu.dma_semaphore, #tpu.memory_space<semaphore_mem>>) src(%dma_wait3A_1920 : memref<2784xi32, #tpu.memory_space<hbm>>) dst(%dma_wait3A_1919 : memref<2784xi32, #tpu.memory_space<vmem>>)
        tpu.yield
      }) : () -> ()
      "tpu.region"() ({
        %run_scoped3A = tpu.sem_alloc : memref<!tpu.dma_semaphore, #tpu.memory_space<semaphore_mem>>
        %dma_start3A_1909 = arith.constant 2784 : i32
        %dma_start3A_1910 = tpu.memref_slice %arg7[%dma_start3A_1909] : memref<3136xi32, #tpu.memory_space<vmem>> -> memref<96xi32, #tpu.memory_space<vmem>>
        %dma_start3A_1911 = arith.constant 99904 : i32
        %dma_start3A_1912 = tpu.memref_slice %arg2[%dma_start3A_1911] : memref<100000xi32, #tpu.memory_space<hbm>> -> memref<96xi32, #tpu.memory_space<hbm>>
        %dma_start3A_1913 = arith.constant 2784 : i32
        %dma_start3A_1914 = tpu.memref_slice %arg7[%dma_start3A_1913] : memref<3136xi32, #tpu.memory_space<vmem>> -> memref<96xi32, #tpu.memory_space<vmem>>
        %dma_start3A_1915 = arith.constant 99904 : i32
        %dma_start3A_1916 = tpu.memref_slice %arg2[%dma_start3A_1915] : memref<100000xi32, #tpu.memory_space<hbm>> -> memref<96xi32, #tpu.memory_space<hbm>>
        tpu.enqueue_dma source(%dma_start3A_1916 : memref<96xi32, #tpu.memory_space<hbm>>) target(%dma_start3A_1914 : memref<96xi32, #tpu.memory_space<vmem>>) target_semaphore(%run_scoped3A : memref<!tpu.dma_semaphore, #tpu.memory_space<semaphore_mem>>)
        %dma_wait3A_1917 = arith.constant 2784 : i32
        %dma_wait3A_1918 = tpu.memref_slice %arg7[%dma_wait3A_1917] : memref<3136xi32, #tpu.memory_space<vmem>> -> memref<96xi32, #tpu.memory_space<vmem>>
        %dma_wait3A_1919 = arith.constant 99904 : i32
        %dma_wait3A_1920 = tpu.memref_slice %arg2[%dma_wait3A_1919] : memref<100000xi32, #tpu.memory_space<hbm>> -> memref<96xi32, #tpu.memory_space<hbm>>
        %dma_wait3A_1921 = arith.constant 2784 : i32
        %dma_wait3A_1922 = tpu.memref_slice %arg7[%dma_wait3A_1921] : memref<3136xi32, #tpu.memory_space<vmem>> -> memref<96xi32, #tpu.memory_space<vmem>>
        %dma_wait3A_1923 = arith.constant 99904 : i32
        %dma_wait3A_1924 = tpu.memref_slice %arg2[%dma_wait3A_1923] : memref<100000xi32, #tpu.memory_space<hbm>> -> memref<96xi32, #tpu.memory_space<hbm>>
        tpu.wait_dma2 semaphore(%run_scoped3A : memref<!tpu.dma_semaphore, #tpu.memory_space<semaphore_mem>>) src(%dma_wait3A_1924 : memref<96xi32, #tpu.memory_space<hbm>>) dst(%dma_wait3A_1922 : memref<96xi32, #tpu.memory_space<vmem>>)
        tpu.yield
      }) : () -> ()
    } else {
    }
    %dma_wait3A = arith.constant 0 : i32
    %dma_wait3A_14 = tpu.memref_slice %arg3[%mul3A_5, %dma_wait3A] : memref<512x128xf32, #tpu.memory_space<hbm>> -> memref<32x128xf32, #tpu.memory_space<hbm>>
    %dma_wait3A_15 = arith.constant 0 : i32
    %dma_wait3A_16 = tpu.memref_slice %arg3[%mul3A_5, %dma_wait3A_15] : memref<512x128xf32, #tpu.memory_space<hbm>> -> memref<32x128xf32, #tpu.memory_space<hbm>>
    tpu.wait_dma2 semaphore(%arg12 : memref<!tpu.dma_semaphore, #tpu.memory_space<semaphore_mem>>) src(%dma_wait3A_16 : memref<32x128xf32, #tpu.memory_space<hbm>>) dst(%arg5 : memref<32x128xf32, #tpu.memory_space<vmem>>)
    %mul3A_17 = arith.constant 32 : i32
    %mul3A_18 = arith.muli %arg1, %mul3A_17 : i32
    "tpu.region"() ({
      %run_scoped3A = tpu.sem_alloc : memref<!tpu.dma_semaphore, #tpu.memory_space<semaphore_mem>>
      %dma_start3A_1909 = arith.constant 0 : i32
      %dma_start3A_1910 = tpu.memref_slice %arg6[%mul3A_18, %dma_start3A_1909] : memref<512x128xf32, #tpu.memory_space<vmem_shared>> -> memref<32x128xf32, #tpu.memory_space<vmem_shared>>
      %dma_start3A_1911 = arith.constant 0 : i32
      %dma_start3A_1912 = tpu.memref_slice %arg6[%mul3A_18, %dma_start3A_1911] : memref<512x128xf32, #tpu.memory_space<vmem_shared>> -> memref<32x128xf32, #tpu.memory_space<vmem_shared>>
      tpu.enqueue_dma source(%arg5 : memref<32x128xf32, #tpu.memory_space<vmem>>) target(%dma_start3A_1912 : memref<32x128xf32, #tpu.memory_space<vmem_shared>>) target_semaphore(%run_scoped3A : memref<!tpu.dma_semaphore, #tpu.memory_space<semaphore_mem>>)
      %dma_wait3A_1913 = arith.constant 0 : i32
      %dma_wait3A_1914 = tpu.memref_slice %arg6[%mul3A_18, %dma_wait3A_1913] : memref<512x128xf32, #tpu.memory_space<vmem_shared>> -> memref<32x128xf32, #tpu.memory_space<vmem_shared>>
      %dma_wait3A_1915 = arith.constant 0 : i32
      %dma_wait3A_1916 = tpu.memref_slice %arg6[%mul3A_18, %dma_wait3A_1915] : memref<512x128xf32, #tpu.memory_space<vmem_shared>> -> memref<32x128xf32, #tpu.memory_space<vmem_shared>>
      tpu.wait_dma2 semaphore(%run_scoped3A : memref<!tpu.dma_semaphore, #tpu.memory_space<semaphore_mem>>) src(%arg5 : memref<32x128xf32, #tpu.memory_space<vmem>>) dst(%dma_wait3A_1916 : memref<32x128xf32, #tpu.memory_space<vmem_shared>>)
      tpu.yield
    }) : () -> ()
    %get3A = arith.constant 0 : index
    %get3A_19 = tpu.vector_load %arg7[%get3A] {strides = array<i32>} : memref<3136xi32, #tpu.memory_space<vmem>>, vector<16xi32>,
    %max3A = arith.constant 0 : i32
    %max3A_20 = vector.broadcast %max3A : i32 to vector<16xi32>
    %max3A_21 = arith.maxsi %get3A_19, %max3A_20 : vector<16xi32>
    %min3A = arith.constant 511 : i32
    %min3A_22 = vector.broadcast %min3A : i32 to vector<16xi32>
    %min3A_23 = arith.minsi %max3A_21, %min3A_22 : vector<16xi32>
    %swap3A = arith.constant 0 : index
    %swap3A_24 = tpu.vector_load %arg7[%swap3A] {strides = array<i32>} : memref<3136xi32, #tpu.memory_space<vmem>>, vector<16xi32>,
    tpu.vector_store %arg7[%swap3A], %min3A_23 {strides = array<i32>} : memref<3136xi32, #tpu.memory_space<vmem>>, vector<16xi32>,
    %get3A_25 = arith.constant 16 : index
    %get3A_26 = tpu.vector_load %arg7[%get3A_25] {strides = array<i32>} : memref<3136xi32, #tpu.memory_space<vmem>>, vector<16xi32>,
    %max3A_27 = arith.constant 0 : i32
    %max3A_28 = vector.broadcast %max3A_27 : i32 to vector<16xi32>
    %max3A_29 = arith.maxsi %get3A_26, %max3A_28 : vector<16xi32>
    %min3A_30 = arith.constant 511 : i32
    %min3A_31 = vector.broadcast %min3A_30 : i32 to vector<16xi32>
    %min3A_32 = arith.minsi %max3A_29, %min3A_31 : vector<16xi32>
    %swap3A_33 = arith.constant 16 : index
    %swap3A_34 = tpu.vector_load %arg7[%swap3A_33] {strides = array<i32>} : memref<3136xi32, #tpu.memory_space<vmem>>, vector<16xi32>,
    tpu.vector_store %arg7[%swap3A_33], %min3A_32 {strides = array<i32>} : memref<3136xi32, #tpu.memory_space<vmem>>, vector<16xi32>,
    %get3A_35 = arith.constant 32 : index
    %get3A_36 = tpu.vector_load %arg7[%get3A_35] {strides = array<i32>} : memref<3136xi32, #tpu.memory_space<vmem>>, vector<16xi32>,
    %max3A_37 = arith.constant 0 : i32
    %max3A_38 = vector.broadcast %max3A_37 : i32 to vector<16xi32>
    %max3A_39 = arith.maxsi %get3A_36, %max3A_38 : vector<16xi32>
    %min3A_40 = arith.constant 511 : i32
    %min3A_41 = vector.broadcast %min3A_40 : i32 to vector<16xi32>
    %min3A_42 = arith.minsi %max3A_39, %min3A_41 : vector<16xi32>
    %swap3A_43 = arith.constant 32 : index
    %swap3A_44 = tpu.vector_load %arg7[%swap3A_43] {strides = array<i32>} : memref<3136xi32, #tpu.memory_space<vmem>>, vector<16xi32>,
    tpu.vector_store %arg7[%swap3A_43], %min3A_42 {strides = array<i32>} : memref<3136xi32, #tpu.memory_space<vmem>>, vector<16xi32>,
    %get3A_45 = arith.constant 48 : index
    %get3A_46 = tpu.vector_load %arg7[%get3A_45] {strides = array<i32>} : memref<3136xi32, #tpu.memory_space<vmem>>, vector<16xi32>,
    %max3A_47 = arith.constant 0 : i32
    %max3A_48 = vector.broadcast %max3A_47 : i32 to vector<16xi32>
    %max3A_49 = arith.maxsi %get3A_46, %max3A_48 : vector<16xi32>
    %min3A_50 = arith.constant 511 : i32
    %min3A_51 = vector.broadcast %min3A_50 : i32 to vector<16xi32>
    %min3A_52 = arith.minsi %max3A_49, %min3A_51 : vector<16xi32>
    %swap3A_53 = arith.constant 48 : index
    %swap3A_54 = tpu.vector_load %arg7[%swap3A_53] {strides = array<i32>} : memref<3136xi32, #tpu.memory_space<vmem>>, vector<16xi32>,
    tpu.vector_store %arg7[%swap3A_53], %min3A_52 {strides = array<i32>} : memref<3136xi32, #tpu.memory_space<vmem>>, vector<16xi32>,
    %get3A_55 = arith.constant 64 : index
    %get3A_56 = tpu.vector_load %arg7[%get3A_55] {strides = array<i32>} : memref<3136xi32, #tpu.memory_space<vmem>>, vector<16xi32>,
    %max3A_57 = arith.constant 0 : i32
    %max3A_58 = vector.broadcast %max3A_57 : i32 to vector<16xi32>
    %max3A_59 = arith.maxsi %get3A_56, %max3A_58 : vector<16xi32>
    %min3A_60 = arith.constant 511 : i32
    %min3A_61 = vector.broadcast %min3A_60 : i32 to vector<16xi32>
    %min3A_62 = arith.minsi %max3A_59, %min3A_61 : vector<16xi32>
    %swap3A_63 = arith.constant 64 : index
    %swap3A_64 = tpu.vector_load %arg7[%swap3A_63] {strides = array<i32>} : memref<3136xi32, #tpu.memory_space<vmem>>, vector<16xi32>,
    tpu.vector_store %arg7[%swap3A_63], %min3A_62 {strides = array<i32>} : memref<3136xi32, #tpu.memory_space<vmem>>, vector<16xi32>,
    %get3A_65 = arith.constant 80 : index
    %get3A_66 = tpu.vector_load %arg7[%get3A_65] {strides = array<i32>} : memref<3136xi32, #tpu.memory_space<vmem>>, vector<16xi32>,
    %max3A_67 = arith.constant 0 : i32
    %max3A_68 = vector.broadcast %max3A_67 : i32 to vector<16xi32>
    %max3A_69 = arith.maxsi %get3A_66, %max3A_68 : vector<16xi32>
    %min3A_70 = arith.constant 511 : i32
    %min3A_71 = vector.broadcast %min3A_70 : i32 to vector<16xi32>
    %min3A_72 = arith.minsi %max3A_69, %min3A_71 : vector<16xi32>
    %swap3A_73 = arith.constant 80 : index
    %swap3A_74 = tpu.vector_load %arg7[%swap3A_73] {strides = array<i32>} : memref<3136xi32, #tpu.memory_space<vmem>>, vector<16xi32>,
    tpu.vector_store %arg7[%swap3A_73], %min3A_72 {strides = array<i32>} : memref<3136xi32, #tpu.memory_space<vmem>>, vector<16xi32>,
    %get3A_75 = arith.constant 96 : index
    %get3A_76 = tpu.vector_load %arg7[%get3A_75] {strides = array<i32>} : memref<3136xi32, #tpu.memory_space<vmem>>, vector<16xi32>,
    %max3A_77 = arith.constant 0 : i32
    %max3A_78 = vector.broadcast %max3A_77 : i32 to vector<16xi32>
    %max3A_79 = arith.maxsi %get3A_76, %max3A_78 : vector<16xi32>
    %min3A_80 = arith.constant 511 : i32
    %min3A_81 = vector.broadcast %min3A_80 : i32 to vector<16xi32>
    %min3A_82 = arith.minsi %max3A_79, %min3A_81 : vector<16xi32>
    %swap3A_83 = arith.constant 96 : index
    %swap3A_84 = tpu.vector_load %arg7[%swap3A_83] {strides = array<i32>} : memref<3136xi32, #tpu.memory_space<vmem>>, vector<16xi32>,
    tpu.vector_store %arg7[%swap3A_83], %min3A_82 {strides = array<i32>} : memref<3136xi32, #tpu.memory_space<vmem>>, vector<16xi32>,
    %get3A_85 = arith.constant 112 : index
    %get3A_86 = tpu.vector_load %arg7[%get3A_85] {strides = array<i32>} : memref<3136xi32, #tpu.memory_space<vmem>>, vector<16xi32>,
    %max3A_87 = arith.constant 0 : i32
    %max3A_88 = vector.broadcast %max3A_87 : i32 to vector<16xi32>
    %max3A_89 = arith.maxsi %get3A_86, %max3A_88 : vector<16xi32>
    %min3A_90 = arith.constant 511 : i32
    %min3A_91 = vector.broadcast %min3A_90 : i32 to vector<16xi32>
    %min3A_92 = arith.minsi %max3A_89, %min3A_91 : vector<16xi32>
    %swap3A_93 = arith.constant 112 : index
    %swap3A_94 = tpu.vector_load %arg7[%swap3A_93] {strides = array<i32>} : memref<3136xi32, #tpu.memory_space<vmem>>, vector<16xi32>,
    tpu.vector_store %arg7[%swap3A_93], %min3A_92 {strides = array<i32>} : memref<3136xi32, #tpu.memory_space<vmem>>, vector<16xi32>,
    %get3A_95 = arith.constant 128 : index
    %get3A_96 = tpu.vector_load %arg7[%get3A_95] {strides = array<i32>} : memref<3136xi32, #tpu.memory_space<vmem>>, vector<16xi32>,
    %max3A_97 = arith.constant 0 : i32
    %max3A_98 = vector.broadcast %max3A_97 : i32 to vector<16xi32>
    %max3A_99 = arith.maxsi %get3A_96, %max3A_98 : vector<16xi32>
    %min3A_100 = arith.constant 511 : i32
    %min3A_101 = vector.broadcast %min3A_100 : i32 to vector<16xi32>
    %min3A_102 = arith.minsi %max3A_99, %min3A_101 : vector<16xi32>
    %swap3A_103 = arith.constant 128 : index
    %swap3A_104 = tpu.vector_load %arg7[%swap3A_103] {strides = array<i32>} : memref<3136xi32, #tpu.memory_space<vmem>>, vector<16xi32>,
    tpu.vector_store %arg7[%swap3A_103], %min3A_102 {strides = array<i32>} : memref<3136xi32, #tpu.memory_space<vmem>>, vector<16xi32>,
    %get3A_105 = arith.constant 144 : index
    %get3A_106 = tpu.vector_load %arg7[%get3A_105] {strides = array<i32>} : memref<3136xi32, #tpu.memory_space<vmem>>, vector<16xi32>,
    %max3A_107 = arith.constant 0 : i32
    %max3A_108 = vector.broadcast %max3A_107 : i32 to vector<16xi32>
    %max3A_109 = arith.maxsi %get3A_106, %max3A_108 : vector<16xi32>
    %min3A_110 = arith.constant 511 : i32
    %min3A_111 = vector.broadcast %min3A_110 : i32 to vector<16xi32>
    %min3A_112 = arith.minsi %max3A_109, %min3A_111 : vector<16xi32>
    %swap3A_113 = arith.constant 144 : index
    %swap3A_114 = tpu.vector_load %arg7[%swap3A_113] {strides = array<i32>} : memref<3136xi32, #tpu.memory_space<vmem>>, vector<16xi32>,
    tpu.vector_store %arg7[%swap3A_113], %min3A_112 {strides = array<i32>} : memref<3136xi32, #tpu.memory_space<vmem>>, vector<16xi32>,
    %get3A_115 = arith.constant 160 : index
    %get3A_116 = tpu.vector_load %arg7[%get3A_115] {strides = array<i32>} : memref<3136xi32, #tpu.memory_space<vmem>>, vector<16xi32>,
    %max3A_117 = arith.constant 0 : i32
    %max3A_118 = vector.broadcast %max3A_117 : i32 to vector<16xi32>
    %max3A_119 = arith.maxsi %get3A_116, %max3A_118 : vector<16xi32>
    %min3A_120 = arith.constant 511 : i32
    %min3A_121 = vector.broadcast %min3A_120 : i32 to vector<16xi32>
    %min3A_122 = arith.minsi %max3A_119, %min3A_121 : vector<16xi32>
    %swap3A_123 = arith.constant 160 : index
    %swap3A_124 = tpu.vector_load %arg7[%swap3A_123] {strides = array<i32>} : memref<3136xi32, #tpu.memory_space<vmem>>, vector<16xi32>,
    tpu.vector_store %arg7[%swap3A_123], %min3A_122 {strides = array<i32>} : memref<3136xi32, #tpu.memory_space<vmem>>, vector<16xi32>,
    %get3A_125 = arith.constant 176 : index
    %get3A_126 = tpu.vector_load %arg7[%get3A_125] {strides = array<i32>} : memref<3136xi32, #tpu.memory_space<vmem>>, vector<16xi32>,
    %max3A_127 = arith.constant 0 : i32
    %max3A_128 = vector.broadcast %max3A_127 : i32 to vector<16xi32>
    %max3A_129 = arith.maxsi %get3A_126, %max3A_128 : vector<16xi32>
    %min3A_130 = arith.constant 511 : i32
    %min3A_131 = vector.broadcast %min3A_130 : i32 to vector<16xi32>
    %min3A_132 = arith.minsi %max3A_129, %min3A_131 : vector<16xi32>
    %swap3A_133 = arith.constant 176 : index
    %swap3A_134 = tpu.vector_load %arg7[%swap3A_133] {strides = array<i32>} : memref<3136xi32, #tpu.memory_space<vmem>>, vector<16xi32>,
    tpu.vector_store %arg7[%swap3A_133], %min3A_132 {strides = array<i32>} : memref<3136xi32, #tpu.memory_space<vmem>>, vector<16xi32>,
    %get3A_135 = arith.constant 192 : index
    %get3A_136 = tpu.vector_load %arg7[%get3A_135] {strides = array<i32>} : memref<3136xi32, #tpu.memory_space<vmem>>, vector<16xi32>,
    %max3A_137 = arith.constant 0 : i32
    %max3A_138 = vector.broadcast %max3A_137 : i32 to vector<16xi32>
    %max3A_139 = arith.maxsi %get3A_136, %max3A_138 : vector<16xi32>
    %min3A_140 = arith.constant 511 : i32
    %min3A_141 = vector.broadcast %min3A_140 : i32 to vector<16xi32>
    %min3A_142 = arith.minsi %max3A_139, %min3A_141 : vector<16xi32>
    %swap3A_143 = arith.constant 192 : index
    %swap3A_144 = tpu.vector_load %arg7[%swap3A_143] {strides = array<i32>} : memref<3136xi32, #tpu.memory_space<vmem>>, vector<16xi32>,
    tpu.vector_store %arg7[%swap3A_143], %min3A_142 {strides = array<i32>} : memref<3136xi32, #tpu.memory_space<vmem>>, vector<16xi32>,
    %get3A_145 = arith.constant 208 : index
    %get3A_146 = tpu.vector_load %arg7[%get3A_145] {strides = array<i32>} : memref<3136xi32, #tpu.memory_space<vmem>>, vector<16xi32>,
    %max3A_147 = arith.constant 0 : i32
    %max3A_148 = vector.broadcast %max3A_147 : i32 to vector<16xi32>
    %max3A_149 = arith.maxsi %get3A_146, %max3A_148 : vector<16xi32>
    %min3A_150 = arith.constant 511 : i32
    %min3A_151 = vector.broadcast %min3A_150 : i32 to vector<16xi32>
    %min3A_152 = arith.minsi %max3A_149, %min3A_151 : vector<16xi32>
    %swap3A_153 = arith.constant 208 : index
    %swap3A_154 = tpu.vector_load %arg7[%swap3A_153] {strides = array<i32>} : memref<3136xi32, #tpu.memory_space<vmem>>, vector<16xi32>,
    tpu.vector_store %arg7[%swap3A_153], %min3A_152 {strides = array<i32>} : memref<3136xi32, #tpu.memory_space<vmem>>, vector<16xi32>,
    %get3A_155 = arith.constant 224 : index
    %get3A_156 = tpu.vector_load %arg7[%get3A_155] {strides = array<i32>} : memref<3136xi32, #tpu.memory_space<vmem>>, vector<16xi32>,
    %max3A_157 = arith.constant 0 : i32
    %max3A_158 = vector.broadcast %max3A_157 : i32 to vector<16xi32>
    %max3A_159 = arith.maxsi %get3A_156, %max3A_158 : vector<16xi32>
    %min3A_160 = arith.constant 511 : i32
    %min3A_161 = vector.broadcast %min3A_160 : i32 to vector<16xi32>
    %min3A_162 = arith.minsi %max3A_159, %min3A_161 : vector<16xi32>
    %swap3A_163 = arith.constant 224 : index
    %swap3A_164 = tpu.vector_load %arg7[%swap3A_163] {strides = array<i32>} : memref<3136xi32, #tpu.memory_space<vmem>>, vector<16xi32>,
    tpu.vector_store %arg7[%swap3A_163], %min3A_162 {strides = array<i32>} : memref<3136xi32, #tpu.memory_space<vmem>>, vector<16xi32>,
    %get3A_165 = arith.constant 240 : index
    %get3A_166 = tpu.vector_load %arg7[%get3A_165] {strides = array<i32>} : memref<3136xi32, #tpu.memory_space<vmem>>, vector<16xi32>,
    %max3A_167 = arith.constant 0 : i32
    %max3A_168 = vector.broadcast %max3A_167 : i32 to vector<16xi32>
    %max3A_169 = arith.maxsi %get3A_166, %max3A_168 : vector<16xi32>
    %min3A_170 = arith.constant 511 : i32
    %min3A_171 = vector.broadcast %min3A_170 : i32 to vector<16xi32>
    %min3A_172 = arith.minsi %max3A_169, %min3A_171 : vector<16xi32>
    %swap3A_173 = arith.constant 240 : index
    %swap3A_174 = tpu.vector_load %arg7[%swap3A_173] {strides = array<i32>} : memref<3136xi32, #tpu.memory_space<vmem>>, vector<16xi32>,
    tpu.vector_store %arg7[%swap3A_173], %min3A_172 {strides = array<i32>} : memref<3136xi32, #tpu.memory_space<vmem>>, vector<16xi32>,
    %get3A_175 = arith.constant 256 : index
    %get3A_176 = tpu.vector_load %arg7[%get3A_175] {strides = array<i32>} : memref<3136xi32, #tpu.memory_space<vmem>>, vector<16xi32>,
    %max3A_177 = arith.constant 0 : i32
    %max3A_178 = vector.broadcast %max3A_177 : i32 to vector<16xi32>
    %max3A_179 = arith.maxsi %get3A_176, %max3A_178 : vector<16xi32>
    %min3A_180 = arith.constant 511 : i32
    %min3A_181 = vector.broadcast %min3A_180 : i32 to vector<16xi32>
    %min3A_182 = arith.minsi %max3A_179, %min3A_181 : vector<16xi32>
    %swap3A_183 = arith.constant 256 : index
    %swap3A_184 = tpu.vector_load %arg7[%swap3A_183] {strides = array<i32>} : memref<3136xi32, #tpu.memory_space<vmem>>, vector<16xi32>,
    tpu.vector_store %arg7[%swap3A_183], %min3A_182 {strides = array<i32>} : memref<3136xi32, #tpu.memory_space<vmem>>, vector<16xi32>,
    %get3A_185 = arith.constant 272 : index
    %get3A_186 = tpu.vector_load %arg7[%get3A_185] {strides = array<i32>} : memref<3136xi32, #tpu.memory_space<vmem>>, vector<16xi32>,
    %max3A_187 = arith.constant 0 : i32
    %max3A_188 = vector.broadcast %max3A_187 : i32 to vector<16xi32>
    %max3A_189 = arith.maxsi %get3A_186, %max3A_188 : vector<16xi32>
    %min3A_190 = arith.constant 511 : i32
    %min3A_191 = vector.broadcast %min3A_190 : i32 to vector<16xi32>
    %min3A_192 = arith.minsi %max3A_189, %min3A_191 : vector<16xi32>
    %swap3A_193 = arith.constant 272 : index
    %swap3A_194 = tpu.vector_load %arg7[%swap3A_193] {strides = array<i32>} : memref<3136xi32, #tpu.memory_space<vmem>>, vector<16xi32>,
    tpu.vector_store %arg7[%swap3A_193], %min3A_192 {strides = array<i32>} : memref<3136xi32, #tpu.memory_space<vmem>>, vector<16xi32>,
    %get3A_195 = arith.constant 288 : index
    %get3A_196 = tpu.vector_load %arg7[%get3A_195] {strides = array<i32>} : memref<3136xi32, #tpu.memory_space<vmem>>, vector<16xi32>,
    %max3A_197 = arith.constant 0 : i32
    %max3A_198 = vector.broadcast %max3A_197 : i32 to vector<16xi32>
    %max3A_199 = arith.maxsi %get3A_196, %max3A_198 : vector<16xi32>
    %min3A_200 = arith.constant 511 : i32
    %min3A_201 = vector.broadcast %min3A_200 : i32 to vector<16xi32>
    %min3A_202 = arith.minsi %max3A_199, %min3A_201 : vector<16xi32>
    %swap3A_203 = arith.constant 288 : index
    %swap3A_204 = tpu.vector_load %arg7[%swap3A_203] {strides = array<i32>} : memref<3136xi32, #tpu.memory_space<vmem>>, vector<16xi32>,
    tpu.vector_store %arg7[%swap3A_203], %min3A_202 {strides = array<i32>} : memref<3136xi32, #tpu.memory_space<vmem>>, vector<16xi32>,
    %get3A_205 = arith.constant 304 : index
    %get3A_206 = tpu.vector_load %arg7[%get3A_205] {strides = array<i32>} : memref<3136xi32, #tpu.memory_space<vmem>>, vector<16xi32>,
    %max3A_207 = arith.constant 0 : i32
    %max3A_208 = vector.broadcast %max3A_207 : i32 to vector<16xi32>
    %max3A_209 = arith.maxsi %get3A_206, %max3A_208 : vector<16xi32>
    %min3A_210 = arith.constant 511 : i32
    %min3A_211 = vector.broadcast %min3A_210 : i32 to vector<16xi32>
    %min3A_212 = arith.minsi %max3A_209, %min3A_211 : vector<16xi32>
    %swap3A_213 = arith.constant 304 : index
    %swap3A_214 = tpu.vector_load %arg7[%swap3A_213] {strides = array<i32>} : memref<3136xi32, #tpu.memory_space<vmem>>, vector<16xi32>,
    tpu.vector_store %arg7[%swap3A_213], %min3A_212 {strides = array<i32>} : memref<3136xi32, #tpu.memory_space<vmem>>, vector<16xi32>,
    %get3A_215 = arith.constant 320 : index
    %get3A_216 = tpu.vector_load %arg7[%get3A_215] {strides = array<i32>} : memref<3136xi32, #tpu.memory_space<vmem>>, vector<16xi32>,
    %max3A_217 = arith.constant 0 : i32
    %max3A_218 = vector.broadcast %max3A_217 : i32 to vector<16xi32>
    %max3A_219 = arith.maxsi %get3A_216, %max3A_218 : vector<16xi32>
    %min3A_220 = arith.constant 511 : i32
    %min3A_221 = vector.broadcast %min3A_220 : i32 to vector<16xi32>
    %min3A_222 = arith.minsi %max3A_219, %min3A_221 : vector<16xi32>
    %swap3A_223 = arith.constant 320 : index
    %swap3A_224 = tpu.vector_load %arg7[%swap3A_223] {strides = array<i32>} : memref<3136xi32, #tpu.memory_space<vmem>>, vector<16xi32>,
    tpu.vector_store %arg7[%swap3A_223], %min3A_222 {strides = array<i32>} : memref<3136xi32, #tpu.memory_space<vmem>>, vector<16xi32>,
    %get3A_225 = arith.constant 336 : index
    %get3A_226 = tpu.vector_load %arg7[%get3A_225] {strides = array<i32>} : memref<3136xi32, #tpu.memory_space<vmem>>, vector<16xi32>,
    %max3A_227 = arith.constant 0 : i32
    %max3A_228 = vector.broadcast %max3A_227 : i32 to vector<16xi32>
    %max3A_229 = arith.maxsi %get3A_226, %max3A_228 : vector<16xi32>
    %min3A_230 = arith.constant 511 : i32
    %min3A_231 = vector.broadcast %min3A_230 : i32 to vector<16xi32>
    %min3A_232 = arith.minsi %max3A_229, %min3A_231 : vector<16xi32>
    %swap3A_233 = arith.constant 336 : index
    %swap3A_234 = tpu.vector_load %arg7[%swap3A_233] {strides = array<i32>} : memref<3136xi32, #tpu.memory_space<vmem>>, vector<16xi32>,
    tpu.vector_store %arg7[%swap3A_233], %min3A_232 {strides = array<i32>} : memref<3136xi32, #tpu.memory_space<vmem>>, vector<16xi32>,
    %get3A_235 = arith.constant 352 : index
    %get3A_236 = tpu.vector_load %arg7[%get3A_235] {strides = array<i32>} : memref<3136xi32, #tpu.memory_space<vmem>>, vector<16xi32>,
    %max3A_237 = arith.constant 0 : i32
    %max3A_238 = vector.broadcast %max3A_237 : i32 to vector<16xi32>
    %max3A_239 = arith.maxsi %get3A_236, %max3A_238 : vector<16xi32>
    %min3A_240 = arith.constant 511 : i32
    %min3A_241 = vector.broadcast %min3A_240 : i32 to vector<16xi32>
    %min3A_242 = arith.minsi %max3A_239, %min3A_241 : vector<16xi32>
    %swap3A_243 = arith.constant 352 : index
    %swap3A_244 = tpu.vector_load %arg7[%swap3A_243] {strides = array<i32>} : memref<3136xi32, #tpu.memory_space<vmem>>, vector<16xi32>,
    tpu.vector_store %arg7[%swap3A_243], %min3A_242 {strides = array<i32>} : memref<3136xi32, #tpu.memory_space<vmem>>, vector<16xi32>,
    %get3A_245 = arith.constant 368 : index
    %get3A_246 = tpu.vector_load %arg7[%get3A_245] {strides = array<i32>} : memref<3136xi32, #tpu.memory_space<vmem>>, vector<16xi32>,
    %max3A_247 = arith.constant 0 : i32
    %max3A_248 = vector.broadcast %max3A_247 : i32 to vector<16xi32>
    %max3A_249 = arith.maxsi %get3A_246, %max3A_248 : vector<16xi32>
    %min3A_250 = arith.constant 511 : i32
    %min3A_251 = vector.broadcast %min3A_250 : i32 to vector<16xi32>
    %min3A_252 = arith.minsi %max3A_249, %min3A_251 : vector<16xi32>
    %swap3A_253 = arith.constant 368 : index
    %swap3A_254 = tpu.vector_load %arg7[%swap3A_253] {strides = array<i32>} : memref<3136xi32, #tpu.memory_space<vmem>>, vector<16xi32>,
    tpu.vector_store %arg7[%swap3A_253], %min3A_252 {strides = array<i32>} : memref<3136xi32, #tpu.memory_space<vmem>>, vector<16xi32>,
    %get3A_255 = arith.constant 384 : index
    %get3A_256 = tpu.vector_load %arg7[%get3A_255] {strides = array<i32>} : memref<3136xi32, #tpu.memory_space<vmem>>, vector<16xi32>,
    %max3A_257 = arith.constant 0 : i32
    %max3A_258 = vector.broadcast %max3A_257 : i32 to vector<16xi32>
    %max3A_259 = arith.maxsi %get3A_256, %max3A_258 : vector<16xi32>
    %min3A_260 = arith.constant 511 : i32
    %min3A_261 = vector.broadcast %min3A_260 : i32 to vector<16xi32>
    %min3A_262 = arith.minsi %max3A_259, %min3A_261 : vector<16xi32>
    %swap3A_263 = arith.constant 384 : index
    %swap3A_264 = tpu.vector_load %arg7[%swap3A_263] {strides = array<i32>} : memref<3136xi32, #tpu.memory_space<vmem>>, vector<16xi32>,
    tpu.vector_store %arg7[%swap3A_263], %min3A_262 {strides = array<i32>} : memref<3136xi32, #tpu.memory_space<vmem>>, vector<16xi32>,
    %get3A_265 = arith.constant 400 : index
    %get3A_266 = tpu.vector_load %arg7[%get3A_265] {strides = array<i32>} : memref<3136xi32, #tpu.memory_space<vmem>>, vector<16xi32>,
    %max3A_267 = arith.constant 0 : i32
    %max3A_268 = vector.broadcast %max3A_267 : i32 to vector<16xi32>
    %max3A_269 = arith.maxsi %get3A_266, %max3A_268 : vector<16xi32>
    %min3A_270 = arith.constant 511 : i32
    %min3A_271 = vector.broadcast %min3A_270 : i32 to vector<16xi32>
    %min3A_272 = arith.minsi %max3A_269, %min3A_271 : vector<16xi32>
    %swap3A_273 = arith.constant 400 : index
    %swap3A_274 = tpu.vector_load %arg7[%swap3A_273] {strides = array<i32>} : memref<3136xi32, #tpu.memory_space<vmem>>, vector<16xi32>,
    tpu.vector_store %arg7[%swap3A_273], %min3A_272 {strides = array<i32>} : memref<3136xi32, #tpu.memory_space<vmem>>, vector<16xi32>,
    %get3A_275 = arith.constant 416 : index
    %get3A_276 = tpu.vector_load %arg7[%get3A_275] {strides = array<i32>} : memref<3136xi32, #tpu.memory_space<vmem>>, vector<16xi32>,
    %max3A_277 = arith.constant 0 : i32
    %max3A_278 = vector.broadcast %max3A_277 : i32 to vector<16xi32>
    %max3A_279 = arith.maxsi %get3A_276, %max3A_278 : vector<16xi32>
    %min3A_280 = arith.constant 511 : i32
    %min3A_281 = vector.broadcast %min3A_280 : i32 to vector<16xi32>
    %min3A_282 = arith.minsi %max3A_279, %min3A_281 : vector<16xi32>
    %swap3A_283 = arith.constant 416 : index
    %swap3A_284 = tpu.vector_load %arg7[%swap3A_283] {strides = array<i32>} : memref<3136xi32, #tpu.memory_space<vmem>>, vector<16xi32>,
    tpu.vector_store %arg7[%swap3A_283], %min3A_282 {strides = array<i32>} : memref<3136xi32, #tpu.memory_space<vmem>>, vector<16xi32>,
    %get3A_285 = arith.constant 432 : index
    %get3A_286 = tpu.vector_load %arg7[%get3A_285] {strides = array<i32>} : memref<3136xi32, #tpu.memory_space<vmem>>, vector<16xi32>,
    %max3A_287 = arith.constant 0 : i32
    %max3A_288 = vector.broadcast %max3A_287 : i32 to vector<16xi32>
    %max3A_289 = arith.maxsi %get3A_286, %max3A_288 : vector<16xi32>
    %min3A_290 = arith.constant 511 : i32
    %min3A_291 = vector.broadcast %min3A_290 : i32 to vector<16xi32>
    %min3A_292 = arith.minsi %max3A_289, %min3A_291 : vector<16xi32>
    %swap3A_293 = arith.constant 432 : index
    %swap3A_294 = tpu.vector_load %arg7[%swap3A_293] {strides = array<i32>} : memref<3136xi32, #tpu.memory_space<vmem>>, vector<16xi32>,
    tpu.vector_store %arg7[%swap3A_293], %min3A_292 {strides = array<i32>} : memref<3136xi32, #tpu.memory_space<vmem>>, vector<16xi32>,
    %get3A_295 = arith.constant 448 : index
    %get3A_296 = tpu.vector_load %arg7[%get3A_295] {strides = array<i32>} : memref<3136xi32, #tpu.memory_space<vmem>>, vector<16xi32>,
    %max3A_297 = arith.constant 0 : i32
    %max3A_298 = vector.broadcast %max3A_297 : i32 to vector<16xi32>
    %max3A_299 = arith.maxsi %get3A_296, %max3A_298 : vector<16xi32>
    %min3A_300 = arith.constant 511 : i32
    %min3A_301 = vector.broadcast %min3A_300 : i32 to vector<16xi32>
    %min3A_302 = arith.minsi %max3A_299, %min3A_301 : vector<16xi32>
    %swap3A_303 = arith.constant 448 : index
    %swap3A_304 = tpu.vector_load %arg7[%swap3A_303] {strides = array<i32>} : memref<3136xi32, #tpu.memory_space<vmem>>, vector<16xi32>,
    tpu.vector_store %arg7[%swap3A_303], %min3A_302 {strides = array<i32>} : memref<3136xi32, #tpu.memory_space<vmem>>, vector<16xi32>,
    %get3A_305 = arith.constant 464 : index
    %get3A_306 = tpu.vector_load %arg7[%get3A_305] {strides = array<i32>} : memref<3136xi32, #tpu.memory_space<vmem>>, vector<16xi32>,
    %max3A_307 = arith.constant 0 : i32
    %max3A_308 = vector.broadcast %max3A_307 : i32 to vector<16xi32>
    %max3A_309 = arith.maxsi %get3A_306, %max3A_308 : vector<16xi32>
    %min3A_310 = arith.constant 511 : i32
    %min3A_311 = vector.broadcast %min3A_310 : i32 to vector<16xi32>
    %min3A_312 = arith.minsi %max3A_309, %min3A_311 : vector<16xi32>
    %swap3A_313 = arith.constant 464 : index
    %swap3A_314 = tpu.vector_load %arg7[%swap3A_313] {strides = array<i32>} : memref<3136xi32, #tpu.memory_space<vmem>>, vector<16xi32>,
    tpu.vector_store %arg7[%swap3A_313], %min3A_312 {strides = array<i32>} : memref<3136xi32, #tpu.memory_space<vmem>>, vector<16xi32>,
    %get3A_315 = arith.constant 480 : index
    %get3A_316 = tpu.vector_load %arg7[%get3A_315] {strides = array<i32>} : memref<3136xi32, #tpu.memory_space<vmem>>, vector<16xi32>,
    %max3A_317 = arith.constant 0 : i32
    %max3A_318 = vector.broadcast %max3A_317 : i32 to vector<16xi32>
    %max3A_319 = arith.maxsi %get3A_316, %max3A_318 : vector<16xi32>
    %min3A_320 = arith.constant 511 : i32
    %min3A_321 = vector.broadcast %min3A_320 : i32 to vector<16xi32>
    %min3A_322 = arith.minsi %max3A_319, %min3A_321 : vector<16xi32>
    %swap3A_323 = arith.constant 480 : index
    %swap3A_324 = tpu.vector_load %arg7[%swap3A_323] {strides = array<i32>} : memref<3136xi32, #tpu.memory_space<vmem>>, vector<16xi32>,
    tpu.vector_store %arg7[%swap3A_323], %min3A_322 {strides = array<i32>} : memref<3136xi32, #tpu.memory_space<vmem>>, vector<16xi32>,
    %get3A_325 = arith.constant 496 : index
    %get3A_326 = tpu.vector_load %arg7[%get3A_325] {strides = array<i32>} : memref<3136xi32, #tpu.memory_space<vmem>>, vector<16xi32>,
    %max3A_327 = arith.constant 0 : i32
    %max3A_328 = vector.broadcast %max3A_327 : i32 to vector<16xi32>
    %max3A_329 = arith.maxsi %get3A_326, %max3A_328 : vector<16xi32>
    %min3A_330 = arith.constant 511 : i32
    %min3A_331 = vector.broadcast %min3A_330 : i32 to vector<16xi32>
    %min3A_332 = arith.minsi %max3A_329, %min3A_331 : vector<16xi32>
    %swap3A_333 = arith.constant 496 : index
    %swap3A_334 = tpu.vector_load %arg7[%swap3A_333] {strides = array<i32>} : memref<3136xi32, #tpu.memory_space<vmem>>, vector<16xi32>,
    tpu.vector_store %arg7[%swap3A_333], %min3A_332 {strides = array<i32>} : memref<3136xi32, #tpu.memory_space<vmem>>, vector<16xi32>,
    %get3A_335 = arith.constant 512 : index
    %get3A_336 = tpu.vector_load %arg7[%get3A_335] {strides = array<i32>} : memref<3136xi32, #tpu.memory_space<vmem>>, vector<16xi32>,
    %max3A_337 = arith.constant 0 : i32
    %max3A_338 = vector.broadcast %max3A_337 : i32 to vector<16xi32>
    %max3A_339 = arith.maxsi %get3A_336, %max3A_338 : vector<16xi32>
    %min3A_340 = arith.constant 511 : i32
    %min3A_341 = vector.broadcast %min3A_340 : i32 to vector<16xi32>
    %min3A_342 = arith.minsi %max3A_339, %min3A_341 : vector<16xi32>
    %swap3A_343 = arith.constant 512 : index
    %swap3A_344 = tpu.vector_load %arg7[%swap3A_343] {strides = array<i32>} : memref<3136xi32, #tpu.memory_space<vmem>>, vector<16xi32>,
    tpu.vector_store %arg7[%swap3A_343], %min3A_342 {strides = array<i32>} : memref<3136xi32, #tpu.memory_space<vmem>>, vector<16xi32>,
    %get3A_345 = arith.constant 528 : index
    %get3A_346 = tpu.vector_load %arg7[%get3A_345] {strides = array<i32>} : memref<3136xi32, #tpu.memory_space<vmem>>, vector<16xi32>,
    %max3A_347 = arith.constant 0 : i32
    %max3A_348 = vector.broadcast %max3A_347 : i32 to vector<16xi32>
    %max3A_349 = arith.maxsi %get3A_346, %max3A_348 : vector<16xi32>
    %min3A_350 = arith.constant 511 : i32
    %min3A_351 = vector.broadcast %min3A_350 : i32 to vector<16xi32>
    %min3A_352 = arith.minsi %max3A_349, %min3A_351 : vector<16xi32>
    %swap3A_353 = arith.constant 528 : index
    %swap3A_354 = tpu.vector_load %arg7[%swap3A_353] {strides = array<i32>} : memref<3136xi32, #tpu.memory_space<vmem>>, vector<16xi32>,
    tpu.vector_store %arg7[%swap3A_353], %min3A_352 {strides = array<i32>} : memref<3136xi32, #tpu.memory_space<vmem>>, vector<16xi32>,
    %get3A_355 = arith.constant 544 : index
    %get3A_356 = tpu.vector_load %arg7[%get3A_355] {strides = array<i32>} : memref<3136xi32, #tpu.memory_space<vmem>>, vector<16xi32>,
    %max3A_357 = arith.constant 0 : i32
    %max3A_358 = vector.broadcast %max3A_357 : i32 to vector<16xi32>
    %max3A_359 = arith.maxsi %get3A_356, %max3A_358 : vector<16xi32>
    %min3A_360 = arith.constant 511 : i32
    %min3A_361 = vector.broadcast %min3A_360 : i32 to vector<16xi32>
    %min3A_362 = arith.minsi %max3A_359, %min3A_361 : vector<16xi32>
    %swap3A_363 = arith.constant 544 : index
    %swap3A_364 = tpu.vector_load %arg7[%swap3A_363] {strides = array<i32>} : memref<3136xi32, #tpu.memory_space<vmem>>, vector<16xi32>,
    tpu.vector_store %arg7[%swap3A_363], %min3A_362 {strides = array<i32>} : memref<3136xi32, #tpu.memory_space<vmem>>, vector<16xi32>,
    %get3A_365 = arith.constant 560 : index
    %get3A_366 = tpu.vector_load %arg7[%get3A_365] {strides = array<i32>} : memref<3136xi32, #tpu.memory_space<vmem>>, vector<16xi32>,
    %max3A_367 = arith.constant 0 : i32
    %max3A_368 = vector.broadcast %max3A_367 : i32 to vector<16xi32>
    %max3A_369 = arith.maxsi %get3A_366, %max3A_368 : vector<16xi32>
    %min3A_370 = arith.constant 511 : i32
    %min3A_371 = vector.broadcast %min3A_370 : i32 to vector<16xi32>
    %min3A_372 = arith.minsi %max3A_369, %min3A_371 : vector<16xi32>
    %swap3A_373 = arith.constant 560 : index
    %swap3A_374 = tpu.vector_load %arg7[%swap3A_373] {strides = array<i32>} : memref<3136xi32, #tpu.memory_space<vmem>>, vector<16xi32>,
    tpu.vector_store %arg7[%swap3A_373], %min3A_372 {strides = array<i32>} : memref<3136xi32, #tpu.memory_space<vmem>>, vector<16xi32>,
    %get3A_375 = arith.constant 576 : index
    %get3A_376 = tpu.vector_load %arg7[%get3A_375] {strides = array<i32>} : memref<3136xi32, #tpu.memory_space<vmem>>, vector<16xi32>,
    %max3A_377 = arith.constant 0 : i32
    %max3A_378 = vector.broadcast %max3A_377 : i32 to vector<16xi32>
    %max3A_379 = arith.maxsi %get3A_376, %max3A_378 : vector<16xi32>
    %min3A_380 = arith.constant 511 : i32
    %min3A_381 = vector.broadcast %min3A_380 : i32 to vector<16xi32>
    %min3A_382 = arith.minsi %max3A_379, %min3A_381 : vector<16xi32>
    %swap3A_383 = arith.constant 576 : index
    %swap3A_384 = tpu.vector_load %arg7[%swap3A_383] {strides = array<i32>} : memref<3136xi32, #tpu.memory_space<vmem>>, vector<16xi32>,
    tpu.vector_store %arg7[%swap3A_383], %min3A_382 {strides = array<i32>} : memref<3136xi32, #tpu.memory_space<vmem>>, vector<16xi32>,
    %get3A_385 = arith.constant 592 : index
    %get3A_386 = tpu.vector_load %arg7[%get3A_385] {strides = array<i32>} : memref<3136xi32, #tpu.memory_space<vmem>>, vector<16xi32>,
    %max3A_387 = arith.constant 0 : i32
    %max3A_388 = vector.broadcast %max3A_387 : i32 to vector<16xi32>
    %max3A_389 = arith.maxsi %get3A_386, %max3A_388 : vector<16xi32>
    %min3A_390 = arith.constant 511 : i32
    %min3A_391 = vector.broadcast %min3A_390 : i32 to vector<16xi32>
    %min3A_392 = arith.minsi %max3A_389, %min3A_391 : vector<16xi32>
    %swap3A_393 = arith.constant 592 : index
    %swap3A_394 = tpu.vector_load %arg7[%swap3A_393] {strides = array<i32>} : memref<3136xi32, #tpu.memory_space<vmem>>, vector<16xi32>,
    tpu.vector_store %arg7[%swap3A_393], %min3A_392 {strides = array<i32>} : memref<3136xi32, #tpu.memory_space<vmem>>, vector<16xi32>,
    %get3A_395 = arith.constant 608 : index
    %get3A_396 = tpu.vector_load %arg7[%get3A_395] {strides = array<i32>} : memref<3136xi32, #tpu.memory_space<vmem>>, vector<16xi32>,
    %max3A_397 = arith.constant 0 : i32
    %max3A_398 = vector.broadcast %max3A_397 : i32 to vector<16xi32>
    %max3A_399 = arith.maxsi %get3A_396, %max3A_398 : vector<16xi32>
    %min3A_400 = arith.constant 511 : i32
    %min3A_401 = vector.broadcast %min3A_400 : i32 to vector<16xi32>
    %min3A_402 = arith.minsi %max3A_399, %min3A_401 : vector<16xi32>
    %swap3A_403 = arith.constant 608 : index
    %swap3A_404 = tpu.vector_load %arg7[%swap3A_403] {strides = array<i32>} : memref<3136xi32, #tpu.memory_space<vmem>>, vector<16xi32>,
    tpu.vector_store %arg7[%swap3A_403], %min3A_402 {strides = array<i32>} : memref<3136xi32, #tpu.memory_space<vmem>>, vector<16xi32>,
    %get3A_405 = arith.constant 624 : index
    %get3A_406 = tpu.vector_load %arg7[%get3A_405] {strides = array<i32>} : memref<3136xi32, #tpu.memory_space<vmem>>, vector<16xi32>,
    %max3A_407 = arith.constant 0 : i32
    %max3A_408 = vector.broadcast %max3A_407 : i32 to vector<16xi32>
    %max3A_409 = arith.maxsi %get3A_406, %max3A_408 : vector<16xi32>
    %min3A_410 = arith.constant 511 : i32
    %min3A_411 = vector.broadcast %min3A_410 : i32 to vector<16xi32>
    %min3A_412 = arith.minsi %max3A_409, %min3A_411 : vector<16xi32>
    %swap3A_413 = arith.constant 624 : index
    %swap3A_414 = tpu.vector_load %arg7[%swap3A_413] {strides = array<i32>} : memref<3136xi32, #tpu.memory_space<vmem>>, vector<16xi32>,
    tpu.vector_store %arg7[%swap3A_413], %min3A_412 {strides = array<i32>} : memref<3136xi32, #tpu.memory_space<vmem>>, vector<16xi32>,
    %get3A_415 = arith.constant 640 : index
    %get3A_416 = tpu.vector_load %arg7[%get3A_415] {strides = array<i32>} : memref<3136xi32, #tpu.memory_space<vmem>>, vector<16xi32>,
    %max3A_417 = arith.constant 0 : i32
    %max3A_418 = vector.broadcast %max3A_417 : i32 to vector<16xi32>
    %max3A_419 = arith.maxsi %get3A_416, %max3A_418 : vector<16xi32>
    %min3A_420 = arith.constant 511 : i32
    %min3A_421 = vector.broadcast %min3A_420 : i32 to vector<16xi32>
    %min3A_422 = arith.minsi %max3A_419, %min3A_421 : vector<16xi32>
    %swap3A_423 = arith.constant 640 : index
    %swap3A_424 = tpu.vector_load %arg7[%swap3A_423] {strides = array<i32>} : memref<3136xi32, #tpu.memory_space<vmem>>, vector<16xi32>,
    tpu.vector_store %arg7[%swap3A_423], %min3A_422 {strides = array<i32>} : memref<3136xi32, #tpu.memory_space<vmem>>, vector<16xi32>,
    %get3A_425 = arith.constant 656 : index
    %get3A_426 = tpu.vector_load %arg7[%get3A_425] {strides = array<i32>} : memref<3136xi32, #tpu.memory_space<vmem>>, vector<16xi32>,
    %max3A_427 = arith.constant 0 : i32
    %max3A_428 = vector.broadcast %max3A_427 : i32 to vector<16xi32>
    %max3A_429 = arith.maxsi %get3A_426, %max3A_428 : vector<16xi32>
    %min3A_430 = arith.constant 511 : i32
    %min3A_431 = vector.broadcast %min3A_430 : i32 to vector<16xi32>
    %min3A_432 = arith.minsi %max3A_429, %min3A_431 : vector<16xi32>
    %swap3A_433 = arith.constant 656 : index
    %swap3A_434 = tpu.vector_load %arg7[%swap3A_433] {strides = array<i32>} : memref<3136xi32, #tpu.memory_space<vmem>>, vector<16xi32>,
    tpu.vector_store %arg7[%swap3A_433], %min3A_432 {strides = array<i32>} : memref<3136xi32, #tpu.memory_space<vmem>>, vector<16xi32>,
    %get3A_435 = arith.constant 672 : index
    %get3A_436 = tpu.vector_load %arg7[%get3A_435] {strides = array<i32>} : memref<3136xi32, #tpu.memory_space<vmem>>, vector<16xi32>,
    %max3A_437 = arith.constant 0 : i32
    %max3A_438 = vector.broadcast %max3A_437 : i32 to vector<16xi32>
    %max3A_439 = arith.maxsi %get3A_436, %max3A_438 : vector<16xi32>
    %min3A_440 = arith.constant 511 : i32
    %min3A_441 = vector.broadcast %min3A_440 : i32 to vector<16xi32>
    %min3A_442 = arith.minsi %max3A_439, %min3A_441 : vector<16xi32>
    %swap3A_443 = arith.constant 672 : index
    %swap3A_444 = tpu.vector_load %arg7[%swap3A_443] {strides = array<i32>} : memref<3136xi32, #tpu.memory_space<vmem>>, vector<16xi32>,
    tpu.vector_store %arg7[%swap3A_443], %min3A_442 {strides = array<i32>} : memref<3136xi32, #tpu.memory_space<vmem>>, vector<16xi32>,
    %get3A_445 = arith.constant 688 : index
    %get3A_446 = tpu.vector_load %arg7[%get3A_445] {strides = array<i32>} : memref<3136xi32, #tpu.memory_space<vmem>>, vector<16xi32>,
    %max3A_447 = arith.constant 0 : i32
    %max3A_448 = vector.broadcast %max3A_447 : i32 to vector<16xi32>
    %max3A_449 = arith.maxsi %get3A_446, %max3A_448 : vector<16xi32>
    %min3A_450 = arith.constant 511 : i32
    %min3A_451 = vector.broadcast %min3A_450 : i32 to vector<16xi32>
    %min3A_452 = arith.minsi %max3A_449, %min3A_451 : vector<16xi32>
    %swap3A_453 = arith.constant 688 : index
    %swap3A_454 = tpu.vector_load %arg7[%swap3A_453] {strides = array<i32>} : memref<3136xi32, #tpu.memory_space<vmem>>, vector<16xi32>,
    tpu.vector_store %arg7[%swap3A_453], %min3A_452 {strides = array<i32>} : memref<3136xi32, #tpu.memory_space<vmem>>, vector<16xi32>,
    %get3A_455 = arith.constant 704 : index
    %get3A_456 = tpu.vector_load %arg7[%get3A_455] {strides = array<i32>} : memref<3136xi32, #tpu.memory_space<vmem>>, vector<16xi32>,
    %max3A_457 = arith.constant 0 : i32
    %max3A_458 = vector.broadcast %max3A_457 : i32 to vector<16xi32>
    %max3A_459 = arith.maxsi %get3A_456, %max3A_458 : vector<16xi32>
    %min3A_460 = arith.constant 511 : i32
    %min3A_461 = vector.broadcast %min3A_460 : i32 to vector<16xi32>
    %min3A_462 = arith.minsi %max3A_459, %min3A_461 : vector<16xi32>
    %swap3A_463 = arith.constant 704 : index
    %swap3A_464 = tpu.vector_load %arg7[%swap3A_463] {strides = array<i32>} : memref<3136xi32, #tpu.memory_space<vmem>>, vector<16xi32>,
    tpu.vector_store %arg7[%swap3A_463], %min3A_462 {strides = array<i32>} : memref<3136xi32, #tpu.memory_space<vmem>>, vector<16xi32>,
    %get3A_465 = arith.constant 720 : index
    %get3A_466 = tpu.vector_load %arg7[%get3A_465] {strides = array<i32>} : memref<3136xi32, #tpu.memory_space<vmem>>, vector<16xi32>,
    %max3A_467 = arith.constant 0 : i32
    %max3A_468 = vector.broadcast %max3A_467 : i32 to vector<16xi32>
    %max3A_469 = arith.maxsi %get3A_466, %max3A_468 : vector<16xi32>
    %min3A_470 = arith.constant 511 : i32
    %min3A_471 = vector.broadcast %min3A_470 : i32 to vector<16xi32>
    %min3A_472 = arith.minsi %max3A_469, %min3A_471 : vector<16xi32>
    %swap3A_473 = arith.constant 720 : index
    %swap3A_474 = tpu.vector_load %arg7[%swap3A_473] {strides = array<i32>} : memref<3136xi32, #tpu.memory_space<vmem>>, vector<16xi32>,
    tpu.vector_store %arg7[%swap3A_473], %min3A_472 {strides = array<i32>} : memref<3136xi32, #tpu.memory_space<vmem>>, vector<16xi32>,
    %get3A_475 = arith.constant 736 : index
    %get3A_476 = tpu.vector_load %arg7[%get3A_475] {strides = array<i32>} : memref<3136xi32, #tpu.memory_space<vmem>>, vector<16xi32>,
    %max3A_477 = arith.constant 0 : i32
    %max3A_478 = vector.broadcast %max3A_477 : i32 to vector<16xi32>
    %max3A_479 = arith.maxsi %get3A_476, %max3A_478 : vector<16xi32>
    %min3A_480 = arith.constant 511 : i32
    %min3A_481 = vector.broadcast %min3A_480 : i32 to vector<16xi32>
    %min3A_482 = arith.minsi %max3A_479, %min3A_481 : vector<16xi32>
    %swap3A_483 = arith.constant 736 : index
    %swap3A_484 = tpu.vector_load %arg7[%swap3A_483] {strides = array<i32>} : memref<3136xi32, #tpu.memory_space<vmem>>, vector<16xi32>,
    tpu.vector_store %arg7[%swap3A_483], %min3A_482 {strides = array<i32>} : memref<3136xi32, #tpu.memory_space<vmem>>, vector<16xi32>,
    %get3A_485 = arith.constant 752 : index
    %get3A_486 = tpu.vector_load %arg7[%get3A_485] {strides = array<i32>} : memref<3136xi32, #tpu.memory_space<vmem>>, vector<16xi32>,
    %max3A_487 = arith.constant 0 : i32
    %max3A_488 = vector.broadcast %max3A_487 : i32 to vector<16xi32>
    %max3A_489 = arith.maxsi %get3A_486, %max3A_488 : vector<16xi32>
    %min3A_490 = arith.constant 511 : i32
    %min3A_491 = vector.broadcast %min3A_490 : i32 to vector<16xi32>
    %min3A_492 = arith.minsi %max3A_489, %min3A_491 : vector<16xi32>
    %swap3A_493 = arith.constant 752 : index
    %swap3A_494 = tpu.vector_load %arg7[%swap3A_493] {strides = array<i32>} : memref<3136xi32, #tpu.memory_space<vmem>>, vector<16xi32>,
    tpu.vector_store %arg7[%swap3A_493], %min3A_492 {strides = array<i32>} : memref<3136xi32, #tpu.memory_space<vmem>>, vector<16xi32>,
    %get3A_495 = arith.constant 768 : index
    %get3A_496 = tpu.vector_load %arg7[%get3A_495] {strides = array<i32>} : memref<3136xi32, #tpu.memory_space<vmem>>, vector<16xi32>,
    %max3A_497 = arith.constant 0 : i32
    %max3A_498 = vector.broadcast %max3A_497 : i32 to vector<16xi32>
    %max3A_499 = arith.maxsi %get3A_496, %max3A_498 : vector<16xi32>
    %min3A_500 = arith.constant 511 : i32
    %min3A_501 = vector.broadcast %min3A_500 : i32 to vector<16xi32>
    %min3A_502 = arith.minsi %max3A_499, %min3A_501 : vector<16xi32>
    %swap3A_503 = arith.constant 768 : index
    %swap3A_504 = tpu.vector_load %arg7[%swap3A_503] {strides = array<i32>} : memref<3136xi32, #tpu.memory_space<vmem>>, vector<16xi32>,
    tpu.vector_store %arg7[%swap3A_503], %min3A_502 {strides = array<i32>} : memref<3136xi32, #tpu.memory_space<vmem>>, vector<16xi32>,
    %get3A_505 = arith.constant 784 : index
    %get3A_506 = tpu.vector_load %arg7[%get3A_505] {strides = array<i32>} : memref<3136xi32, #tpu.memory_space<vmem>>, vector<16xi32>,
    %max3A_507 = arith.constant 0 : i32
    %max3A_508 = vector.broadcast %max3A_507 : i32 to vector<16xi32>
    %max3A_509 = arith.maxsi %get3A_506, %max3A_508 : vector<16xi32>
    %min3A_510 = arith.constant 511 : i32
    %min3A_511 = vector.broadcast %min3A_510 : i32 to vector<16xi32>
    %min3A_512 = arith.minsi %max3A_509, %min3A_511 : vector<16xi32>
    %swap3A_513 = arith.constant 784 : index
    %swap3A_514 = tpu.vector_load %arg7[%swap3A_513] {strides = array<i32>} : memref<3136xi32, #tpu.memory_space<vmem>>, vector<16xi32>,
    tpu.vector_store %arg7[%swap3A_513], %min3A_512 {strides = array<i32>} : memref<3136xi32, #tpu.memory_space<vmem>>, vector<16xi32>,
    %get3A_515 = arith.constant 800 : index
    %get3A_516 = tpu.vector_load %arg7[%get3A_515] {strides = array<i32>} : memref<3136xi32, #tpu.memory_space<vmem>>, vector<16xi32>,
    %max3A_517 = arith.constant 0 : i32
    %max3A_518 = vector.broadcast %max3A_517 : i32 to vector<16xi32>
    %max3A_519 = arith.maxsi %get3A_516, %max3A_518 : vector<16xi32>
    %min3A_520 = arith.constant 511 : i32
    %min3A_521 = vector.broadcast %min3A_520 : i32 to vector<16xi32>
    %min3A_522 = arith.minsi %max3A_519, %min3A_521 : vector<16xi32>
    %swap3A_523 = arith.constant 800 : index
    %swap3A_524 = tpu.vector_load %arg7[%swap3A_523] {strides = array<i32>} : memref<3136xi32, #tpu.memory_space<vmem>>, vector<16xi32>,
    tpu.vector_store %arg7[%swap3A_523], %min3A_522 {strides = array<i32>} : memref<3136xi32, #tpu.memory_space<vmem>>, vector<16xi32>,
    %get3A_525 = arith.constant 816 : index
    %get3A_526 = tpu.vector_load %arg7[%get3A_525] {strides = array<i32>} : memref<3136xi32, #tpu.memory_space<vmem>>, vector<16xi32>,
    %max3A_527 = arith.constant 0 : i32
    %max3A_528 = vector.broadcast %max3A_527 : i32 to vector<16xi32>
    %max3A_529 = arith.maxsi %get3A_526, %max3A_528 : vector<16xi32>
    %min3A_530 = arith.constant 511 : i32
    %min3A_531 = vector.broadcast %min3A_530 : i32 to vector<16xi32>
    %min3A_532 = arith.minsi %max3A_529, %min3A_531 : vector<16xi32>
    %swap3A_533 = arith.constant 816 : index
    %swap3A_534 = tpu.vector_load %arg7[%swap3A_533] {strides = array<i32>} : memref<3136xi32, #tpu.memory_space<vmem>>, vector<16xi32>,
    tpu.vector_store %arg7[%swap3A_533], %min3A_532 {strides = array<i32>} : memref<3136xi32, #tpu.memory_space<vmem>>, vector<16xi32>,
    %get3A_535 = arith.constant 832 : index
    %get3A_536 = tpu.vector_load %arg7[%get3A_535] {strides = array<i32>} : memref<3136xi32, #tpu.memory_space<vmem>>, vector<16xi32>,
    %max3A_537 = arith.constant 0 : i32
    %max3A_538 = vector.broadcast %max3A_537 : i32 to vector<16xi32>
    %max3A_539 = arith.maxsi %get3A_536, %max3A_538 : vector<16xi32>
    %min3A_540 = arith.constant 511 : i32
    %min3A_541 = vector.broadcast %min3A_540 : i32 to vector<16xi32>
    %min3A_542 = arith.minsi %max3A_539, %min3A_541 : vector<16xi32>
    %swap3A_543 = arith.constant 832 : index
    %swap3A_544 = tpu.vector_load %arg7[%swap3A_543] {strides = array<i32>} : memref<3136xi32, #tpu.memory_space<vmem>>, vector<16xi32>,
    tpu.vector_store %arg7[%swap3A_543], %min3A_542 {strides = array<i32>} : memref<3136xi32, #tpu.memory_space<vmem>>, vector<16xi32>,
    %get3A_545 = arith.constant 848 : index
    %get3A_546 = tpu.vector_load %arg7[%get3A_545] {strides = array<i32>} : memref<3136xi32, #tpu.memory_space<vmem>>, vector<16xi32>,
    %max3A_547 = arith.constant 0 : i32
    %max3A_548 = vector.broadcast %max3A_547 : i32 to vector<16xi32>
    %max3A_549 = arith.maxsi %get3A_546, %max3A_548 : vector<16xi32>
    %min3A_550 = arith.constant 511 : i32
    %min3A_551 = vector.broadcast %min3A_550 : i32 to vector<16xi32>
    %min3A_552 = arith.minsi %max3A_549, %min3A_551 : vector<16xi32>
    %swap3A_553 = arith.constant 848 : index
    %swap3A_554 = tpu.vector_load %arg7[%swap3A_553] {strides = array<i32>} : memref<3136xi32, #tpu.memory_space<vmem>>, vector<16xi32>,
    tpu.vector_store %arg7[%swap3A_553], %min3A_552 {strides = array<i32>} : memref<3136xi32, #tpu.memory_space<vmem>>, vector<16xi32>,
    %get3A_555 = arith.constant 864 : index
    %get3A_556 = tpu.vector_load %arg7[%get3A_555] {strides = array<i32>} : memref<3136xi32, #tpu.memory_space<vmem>>, vector<16xi32>,
    %max3A_557 = arith.constant 0 : i32
    %max3A_558 = vector.broadcast %max3A_557 : i32 to vector<16xi32>
    %max3A_559 = arith.maxsi %get3A_556, %max3A_558 : vector<16xi32>
    %min3A_560 = arith.constant 511 : i32
    %min3A_561 = vector.broadcast %min3A_560 : i32 to vector<16xi32>
    %min3A_562 = arith.minsi %max3A_559, %min3A_561 : vector<16xi32>
    %swap3A_563 = arith.constant 864 : index
    %swap3A_564 = tpu.vector_load %arg7[%swap3A_563] {strides = array<i32>} : memref<3136xi32, #tpu.memory_space<vmem>>, vector<16xi32>,
    tpu.vector_store %arg7[%swap3A_563], %min3A_562 {strides = array<i32>} : memref<3136xi32, #tpu.memory_space<vmem>>, vector<16xi32>,
    %get3A_565 = arith.constant 880 : index
    %get3A_566 = tpu.vector_load %arg7[%get3A_565] {strides = array<i32>} : memref<3136xi32, #tpu.memory_space<vmem>>, vector<16xi32>,
    %max3A_567 = arith.constant 0 : i32
    %max3A_568 = vector.broadcast %max3A_567 : i32 to vector<16xi32>
    %max3A_569 = arith.maxsi %get3A_566, %max3A_568 : vector<16xi32>
    %min3A_570 = arith.constant 511 : i32
    %min3A_571 = vector.broadcast %min3A_570 : i32 to vector<16xi32>
    %min3A_572 = arith.minsi %max3A_569, %min3A_571 : vector<16xi32>
    %swap3A_573 = arith.constant 880 : index
    %swap3A_574 = tpu.vector_load %arg7[%swap3A_573] {strides = array<i32>} : memref<3136xi32, #tpu.memory_space<vmem>>, vector<16xi32>,
    tpu.vector_store %arg7[%swap3A_573], %min3A_572 {strides = array<i32>} : memref<3136xi32, #tpu.memory_space<vmem>>, vector<16xi32>,
    %get3A_575 = arith.constant 896 : index
    %get3A_576 = tpu.vector_load %arg7[%get3A_575] {strides = array<i32>} : memref<3136xi32, #tpu.memory_space<vmem>>, vector<16xi32>,
    %max3A_577 = arith.constant 0 : i32
    %max3A_578 = vector.broadcast %max3A_577 : i32 to vector<16xi32>
    %max3A_579 = arith.maxsi %get3A_576, %max3A_578 : vector<16xi32>
    %min3A_580 = arith.constant 511 : i32
    %min3A_581 = vector.broadcast %min3A_580 : i32 to vector<16xi32>
    %min3A_582 = arith.minsi %max3A_579, %min3A_581 : vector<16xi32>
    %swap3A_583 = arith.constant 896 : index
    %swap3A_584 = tpu.vector_load %arg7[%swap3A_583] {strides = array<i32>} : memref<3136xi32, #tpu.memory_space<vmem>>, vector<16xi32>,
    tpu.vector_store %arg7[%swap3A_583], %min3A_582 {strides = array<i32>} : memref<3136xi32, #tpu.memory_space<vmem>>, vector<16xi32>,
    %get3A_585 = arith.constant 912 : index
    %get3A_586 = tpu.vector_load %arg7[%get3A_585] {strides = array<i32>} : memref<3136xi32, #tpu.memory_space<vmem>>, vector<16xi32>,
    %max3A_587 = arith.constant 0 : i32
    %max3A_588 = vector.broadcast %max3A_587 : i32 to vector<16xi32>
    %max3A_589 = arith.maxsi %get3A_586, %max3A_588 : vector<16xi32>
    %min3A_590 = arith.constant 511 : i32
    %min3A_591 = vector.broadcast %min3A_590 : i32 to vector<16xi32>
    %min3A_592 = arith.minsi %max3A_589, %min3A_591 : vector<16xi32>
    %swap3A_593 = arith.constant 912 : index
    %swap3A_594 = tpu.vector_load %arg7[%swap3A_593] {strides = array<i32>} : memref<3136xi32, #tpu.memory_space<vmem>>, vector<16xi32>,
    tpu.vector_store %arg7[%swap3A_593], %min3A_592 {strides = array<i32>} : memref<3136xi32, #tpu.memory_space<vmem>>, vector<16xi32>,
    %get3A_595 = arith.constant 928 : index
    %get3A_596 = tpu.vector_load %arg7[%get3A_595] {strides = array<i32>} : memref<3136xi32, #tpu.memory_space<vmem>>, vector<16xi32>,
    %max3A_597 = arith.constant 0 : i32
    %max3A_598 = vector.broadcast %max3A_597 : i32 to vector<16xi32>
    %max3A_599 = arith.maxsi %get3A_596, %max3A_598 : vector<16xi32>
    %min3A_600 = arith.constant 511 : i32
    %min3A_601 = vector.broadcast %min3A_600 : i32 to vector<16xi32>
    %min3A_602 = arith.minsi %max3A_599, %min3A_601 : vector<16xi32>
    %swap3A_603 = arith.constant 928 : index
    %swap3A_604 = tpu.vector_load %arg7[%swap3A_603] {strides = array<i32>} : memref<3136xi32, #tpu.memory_space<vmem>>, vector<16xi32>,
    tpu.vector_store %arg7[%swap3A_603], %min3A_602 {strides = array<i32>} : memref<3136xi32, #tpu.memory_space<vmem>>, vector<16xi32>,
    %get3A_605 = arith.constant 944 : index
    %get3A_606 = tpu.vector_load %arg7[%get3A_605] {strides = array<i32>} : memref<3136xi32, #tpu.memory_space<vmem>>, vector<16xi32>,
    %max3A_607 = arith.constant 0 : i32
    %max3A_608 = vector.broadcast %max3A_607 : i32 to vector<16xi32>
    %max3A_609 = arith.maxsi %get3A_606, %max3A_608 : vector<16xi32>
    %min3A_610 = arith.constant 511 : i32
    %min3A_611 = vector.broadcast %min3A_610 : i32 to vector<16xi32>
    %min3A_612 = arith.minsi %max3A_609, %min3A_611 : vector<16xi32>
    %swap3A_613 = arith.constant 944 : index
    %swap3A_614 = tpu.vector_load %arg7[%swap3A_613] {strides = array<i32>} : memref<3136xi32, #tpu.memory_space<vmem>>, vector<16xi32>,
    tpu.vector_store %arg7[%swap3A_613], %min3A_612 {strides = array<i32>} : memref<3136xi32, #tpu.memory_space<vmem>>, vector<16xi32>,
    %get3A_615 = arith.constant 960 : index
    %get3A_616 = tpu.vector_load %arg7[%get3A_615] {strides = array<i32>} : memref<3136xi32, #tpu.memory_space<vmem>>, vector<16xi32>,
    %max3A_617 = arith.constant 0 : i32
    %max3A_618 = vector.broadcast %max3A_617 : i32 to vector<16xi32>
    %max3A_619 = arith.maxsi %get3A_616, %max3A_618 : vector<16xi32>
    %min3A_620 = arith.constant 511 : i32
    %min3A_621 = vector.broadcast %min3A_620 : i32 to vector<16xi32>
    %min3A_622 = arith.minsi %max3A_619, %min3A_621 : vector<16xi32>
    %swap3A_623 = arith.constant 960 : index
    %swap3A_624 = tpu.vector_load %arg7[%swap3A_623] {strides = array<i32>} : memref<3136xi32, #tpu.memory_space<vmem>>, vector<16xi32>,
    tpu.vector_store %arg7[%swap3A_623], %min3A_622 {strides = array<i32>} : memref<3136xi32, #tpu.memory_space<vmem>>, vector<16xi32>,
    %get3A_625 = arith.constant 976 : index
    %get3A_626 = tpu.vector_load %arg7[%get3A_625] {strides = array<i32>} : memref<3136xi32, #tpu.memory_space<vmem>>, vector<16xi32>,
    %max3A_627 = arith.constant 0 : i32
    %max3A_628 = vector.broadcast %max3A_627 : i32 to vector<16xi32>
    %max3A_629 = arith.maxsi %get3A_626, %max3A_628 : vector<16xi32>
    %min3A_630 = arith.constant 511 : i32
    %min3A_631 = vector.broadcast %min3A_630 : i32 to vector<16xi32>
    %min3A_632 = arith.minsi %max3A_629, %min3A_631 : vector<16xi32>
    %swap3A_633 = arith.constant 976 : index
    %swap3A_634 = tpu.vector_load %arg7[%swap3A_633] {strides = array<i32>} : memref<3136xi32, #tpu.memory_space<vmem>>, vector<16xi32>,
    tpu.vector_store %arg7[%swap3A_633], %min3A_632 {strides = array<i32>} : memref<3136xi32, #tpu.memory_space<vmem>>, vector<16xi32>,
    %get3A_635 = arith.constant 992 : index
    %get3A_636 = tpu.vector_load %arg7[%get3A_635] {strides = array<i32>} : memref<3136xi32, #tpu.memory_space<vmem>>, vector<16xi32>,
    %max3A_637 = arith.constant 0 : i32
    %max3A_638 = vector.broadcast %max3A_637 : i32 to vector<16xi32>
    %max3A_639 = arith.maxsi %get3A_636, %max3A_638 : vector<16xi32>
    %min3A_640 = arith.constant 511 : i32
    %min3A_641 = vector.broadcast %min3A_640 : i32 to vector<16xi32>
    %min3A_642 = arith.minsi %max3A_639, %min3A_641 : vector<16xi32>
    %swap3A_643 = arith.constant 992 : index
    %swap3A_644 = tpu.vector_load %arg7[%swap3A_643] {strides = array<i32>} : memref<3136xi32, #tpu.memory_space<vmem>>, vector<16xi32>,
    tpu.vector_store %arg7[%swap3A_643], %min3A_642 {strides = array<i32>} : memref<3136xi32, #tpu.memory_space<vmem>>, vector<16xi32>,
    %get3A_645 = arith.constant 1008 : index
    %get3A_646 = tpu.vector_load %arg7[%get3A_645] {strides = array<i32>} : memref<3136xi32, #tpu.memory_space<vmem>>, vector<16xi32>,
    %max3A_647 = arith.constant 0 : i32
    %max3A_648 = vector.broadcast %max3A_647 : i32 to vector<16xi32>
    %max3A_649 = arith.maxsi %get3A_646, %max3A_648 : vector<16xi32>
    %min3A_650 = arith.constant 511 : i32
    %min3A_651 = vector.broadcast %min3A_650 : i32 to vector<16xi32>
    %min3A_652 = arith.minsi %max3A_649, %min3A_651 : vector<16xi32>
    %swap3A_653 = arith.constant 1008 : index
    %swap3A_654 = tpu.vector_load %arg7[%swap3A_653] {strides = array<i32>} : memref<3136xi32, #tpu.memory_space<vmem>>, vector<16xi32>,
    tpu.vector_store %arg7[%swap3A_653], %min3A_652 {strides = array<i32>} : memref<3136xi32, #tpu.memory_space<vmem>>, vector<16xi32>,
    %get3A_655 = arith.constant 1024 : index
    %get3A_656 = tpu.vector_load %arg7[%get3A_655] {strides = array<i32>} : memref<3136xi32, #tpu.memory_space<vmem>>, vector<16xi32>,
    %max3A_657 = arith.constant 0 : i32
    %max3A_658 = vector.broadcast %max3A_657 : i32 to vector<16xi32>
    %max3A_659 = arith.maxsi %get3A_656, %max3A_658 : vector<16xi32>
    %min3A_660 = arith.constant 511 : i32
    %min3A_661 = vector.broadcast %min3A_660 : i32 to vector<16xi32>
    %min3A_662 = arith.minsi %max3A_659, %min3A_661 : vector<16xi32>
    %swap3A_663 = arith.constant 1024 : index
    %swap3A_664 = tpu.vector_load %arg7[%swap3A_663] {strides = array<i32>} : memref<3136xi32, #tpu.memory_space<vmem>>, vector<16xi32>,
    tpu.vector_store %arg7[%swap3A_663], %min3A_662 {strides = array<i32>} : memref<3136xi32, #tpu.memory_space<vmem>>, vector<16xi32>,
    %get3A_665 = arith.constant 1040 : index
    %get3A_666 = tpu.vector_load %arg7[%get3A_665] {strides = array<i32>} : memref<3136xi32, #tpu.memory_space<vmem>>, vector<16xi32>,
    %max3A_667 = arith.constant 0 : i32
    %max3A_668 = vector.broadcast %max3A_667 : i32 to vector<16xi32>
    %max3A_669 = arith.maxsi %get3A_666, %max3A_668 : vector<16xi32>
    %min3A_670 = arith.constant 511 : i32
    %min3A_671 = vector.broadcast %min3A_670 : i32 to vector<16xi32>
    %min3A_672 = arith.minsi %max3A_669, %min3A_671 : vector<16xi32>
    %swap3A_673 = arith.constant 1040 : index
    %swap3A_674 = tpu.vector_load %arg7[%swap3A_673] {strides = array<i32>} : memref<3136xi32, #tpu.memory_space<vmem>>, vector<16xi32>,
    tpu.vector_store %arg7[%swap3A_673], %min3A_672 {strides = array<i32>} : memref<3136xi32, #tpu.memory_space<vmem>>, vector<16xi32>,
    %get3A_675 = arith.constant 1056 : index
    %get3A_676 = tpu.vector_load %arg7[%get3A_675] {strides = array<i32>} : memref<3136xi32, #tpu.memory_space<vmem>>, vector<16xi32>,
    %max3A_677 = arith.constant 0 : i32
    %max3A_678 = vector.broadcast %max3A_677 : i32 to vector<16xi32>
    %max3A_679 = arith.maxsi %get3A_676, %max3A_678 : vector<16xi32>
    %min3A_680 = arith.constant 511 : i32
    %min3A_681 = vector.broadcast %min3A_680 : i32 to vector<16xi32>
    %min3A_682 = arith.minsi %max3A_679, %min3A_681 : vector<16xi32>
    %swap3A_683 = arith.constant 1056 : index
    %swap3A_684 = tpu.vector_load %arg7[%swap3A_683] {strides = array<i32>} : memref<3136xi32, #tpu.memory_space<vmem>>, vector<16xi32>,
    tpu.vector_store %arg7[%swap3A_683], %min3A_682 {strides = array<i32>} : memref<3136xi32, #tpu.memory_space<vmem>>, vector<16xi32>,
    %get3A_685 = arith.constant 1072 : index
    %get3A_686 = tpu.vector_load %arg7[%get3A_685] {strides = array<i32>} : memref<3136xi32, #tpu.memory_space<vmem>>, vector<16xi32>,
    %max3A_687 = arith.constant 0 : i32
    %max3A_688 = vector.broadcast %max3A_687 : i32 to vector<16xi32>
    %max3A_689 = arith.maxsi %get3A_686, %max3A_688 : vector<16xi32>
    %min3A_690 = arith.constant 511 : i32
    %min3A_691 = vector.broadcast %min3A_690 : i32 to vector<16xi32>
    %min3A_692 = arith.minsi %max3A_689, %min3A_691 : vector<16xi32>
    %swap3A_693 = arith.constant 1072 : index
    %swap3A_694 = tpu.vector_load %arg7[%swap3A_693] {strides = array<i32>} : memref<3136xi32, #tpu.memory_space<vmem>>, vector<16xi32>,
    tpu.vector_store %arg7[%swap3A_693], %min3A_692 {strides = array<i32>} : memref<3136xi32, #tpu.memory_space<vmem>>, vector<16xi32>,
    %get3A_695 = arith.constant 1088 : index
    %get3A_696 = tpu.vector_load %arg7[%get3A_695] {strides = array<i32>} : memref<3136xi32, #tpu.memory_space<vmem>>, vector<16xi32>,
    %max3A_697 = arith.constant 0 : i32
    %max3A_698 = vector.broadcast %max3A_697 : i32 to vector<16xi32>
    %max3A_699 = arith.maxsi %get3A_696, %max3A_698 : vector<16xi32>
    %min3A_700 = arith.constant 511 : i32
    %min3A_701 = vector.broadcast %min3A_700 : i32 to vector<16xi32>
    %min3A_702 = arith.minsi %max3A_699, %min3A_701 : vector<16xi32>
    %swap3A_703 = arith.constant 1088 : index
    %swap3A_704 = tpu.vector_load %arg7[%swap3A_703] {strides = array<i32>} : memref<3136xi32, #tpu.memory_space<vmem>>, vector<16xi32>,
    tpu.vector_store %arg7[%swap3A_703], %min3A_702 {strides = array<i32>} : memref<3136xi32, #tpu.memory_space<vmem>>, vector<16xi32>,
    %get3A_705 = arith.constant 1104 : index
    %get3A_706 = tpu.vector_load %arg7[%get3A_705] {strides = array<i32>} : memref<3136xi32, #tpu.memory_space<vmem>>, vector<16xi32>,
    %max3A_707 = arith.constant 0 : i32
    %max3A_708 = vector.broadcast %max3A_707 : i32 to vector<16xi32>
    %max3A_709 = arith.maxsi %get3A_706, %max3A_708 : vector<16xi32>
    %min3A_710 = arith.constant 511 : i32
    %min3A_711 = vector.broadcast %min3A_710 : i32 to vector<16xi32>
    %min3A_712 = arith.minsi %max3A_709, %min3A_711 : vector<16xi32>
    %swap3A_713 = arith.constant 1104 : index
    %swap3A_714 = tpu.vector_load %arg7[%swap3A_713] {strides = array<i32>} : memref<3136xi32, #tpu.memory_space<vmem>>, vector<16xi32>,
    tpu.vector_store %arg7[%swap3A_713], %min3A_712 {strides = array<i32>} : memref<3136xi32, #tpu.memory_space<vmem>>, vector<16xi32>,
    %get3A_715 = arith.constant 1120 : index
    %get3A_716 = tpu.vector_load %arg7[%get3A_715] {strides = array<i32>} : memref<3136xi32, #tpu.memory_space<vmem>>, vector<16xi32>,
    %max3A_717 = arith.constant 0 : i32
    %max3A_718 = vector.broadcast %max3A_717 : i32 to vector<16xi32>
    %max3A_719 = arith.maxsi %get3A_716, %max3A_718 : vector<16xi32>
    %min3A_720 = arith.constant 511 : i32
    %min3A_721 = vector.broadcast %min3A_720 : i32 to vector<16xi32>
    %min3A_722 = arith.minsi %max3A_719, %min3A_721 : vector<16xi32>
    %swap3A_723 = arith.constant 1120 : index
    %swap3A_724 = tpu.vector_load %arg7[%swap3A_723] {strides = array<i32>} : memref<3136xi32, #tpu.memory_space<vmem>>, vector<16xi32>,
    tpu.vector_store %arg7[%swap3A_723], %min3A_722 {strides = array<i32>} : memref<3136xi32, #tpu.memory_space<vmem>>, vector<16xi32>,
    %get3A_725 = arith.constant 1136 : index
    %get3A_726 = tpu.vector_load %arg7[%get3A_725] {strides = array<i32>} : memref<3136xi32, #tpu.memory_space<vmem>>, vector<16xi32>,
    %max3A_727 = arith.constant 0 : i32
    %max3A_728 = vector.broadcast %max3A_727 : i32 to vector<16xi32>
    %max3A_729 = arith.maxsi %get3A_726, %max3A_728 : vector<16xi32>
    %min3A_730 = arith.constant 511 : i32
    %min3A_731 = vector.broadcast %min3A_730 : i32 to vector<16xi32>
    %min3A_732 = arith.minsi %max3A_729, %min3A_731 : vector<16xi32>
    %swap3A_733 = arith.constant 1136 : index
    %swap3A_734 = tpu.vector_load %arg7[%swap3A_733] {strides = array<i32>} : memref<3136xi32, #tpu.memory_space<vmem>>, vector<16xi32>,
    tpu.vector_store %arg7[%swap3A_733], %min3A_732 {strides = array<i32>} : memref<3136xi32, #tpu.memory_space<vmem>>, vector<16xi32>,
    %get3A_735 = arith.constant 1152 : index
    %get3A_736 = tpu.vector_load %arg7[%get3A_735] {strides = array<i32>} : memref<3136xi32, #tpu.memory_space<vmem>>, vector<16xi32>,
    %max3A_737 = arith.constant 0 : i32
    %max3A_738 = vector.broadcast %max3A_737 : i32 to vector<16xi32>
    %max3A_739 = arith.maxsi %get3A_736, %max3A_738 : vector<16xi32>
    %min3A_740 = arith.constant 511 : i32
    %min3A_741 = vector.broadcast %min3A_740 : i32 to vector<16xi32>
    %min3A_742 = arith.minsi %max3A_739, %min3A_741 : vector<16xi32>
    %swap3A_743 = arith.constant 1152 : index
    %swap3A_744 = tpu.vector_load %arg7[%swap3A_743] {strides = array<i32>} : memref<3136xi32, #tpu.memory_space<vmem>>, vector<16xi32>,
    tpu.vector_store %arg7[%swap3A_743], %min3A_742 {strides = array<i32>} : memref<3136xi32, #tpu.memory_space<vmem>>, vector<16xi32>,
    %get3A_745 = arith.constant 1168 : index
    %get3A_746 = tpu.vector_load %arg7[%get3A_745] {strides = array<i32>} : memref<3136xi32, #tpu.memory_space<vmem>>, vector<16xi32>,
    %max3A_747 = arith.constant 0 : i32
    %max3A_748 = vector.broadcast %max3A_747 : i32 to vector<16xi32>
    %max3A_749 = arith.maxsi %get3A_746, %max3A_748 : vector<16xi32>
    %min3A_750 = arith.constant 511 : i32
    %min3A_751 = vector.broadcast %min3A_750 : i32 to vector<16xi32>
    %min3A_752 = arith.minsi %max3A_749, %min3A_751 : vector<16xi32>
    %swap3A_753 = arith.constant 1168 : index
    %swap3A_754 = tpu.vector_load %arg7[%swap3A_753] {strides = array<i32>} : memref<3136xi32, #tpu.memory_space<vmem>>, vector<16xi32>,
    tpu.vector_store %arg7[%swap3A_753], %min3A_752 {strides = array<i32>} : memref<3136xi32, #tpu.memory_space<vmem>>, vector<16xi32>,
    %get3A_755 = arith.constant 1184 : index
    %get3A_756 = tpu.vector_load %arg7[%get3A_755] {strides = array<i32>} : memref<3136xi32, #tpu.memory_space<vmem>>, vector<16xi32>,
    %max3A_757 = arith.constant 0 : i32
    %max3A_758 = vector.broadcast %max3A_757 : i32 to vector<16xi32>
    %max3A_759 = arith.maxsi %get3A_756, %max3A_758 : vector<16xi32>
    %min3A_760 = arith.constant 511 : i32
    %min3A_761 = vector.broadcast %min3A_760 : i32 to vector<16xi32>
    %min3A_762 = arith.minsi %max3A_759, %min3A_761 : vector<16xi32>
    %swap3A_763 = arith.constant 1184 : index
    %swap3A_764 = tpu.vector_load %arg7[%swap3A_763] {strides = array<i32>} : memref<3136xi32, #tpu.memory_space<vmem>>, vector<16xi32>,
    tpu.vector_store %arg7[%swap3A_763], %min3A_762 {strides = array<i32>} : memref<3136xi32, #tpu.memory_space<vmem>>, vector<16xi32>,
    %get3A_765 = arith.constant 1200 : index
    %get3A_766 = tpu.vector_load %arg7[%get3A_765] {strides = array<i32>} : memref<3136xi32, #tpu.memory_space<vmem>>, vector<16xi32>,
    %max3A_767 = arith.constant 0 : i32
    %max3A_768 = vector.broadcast %max3A_767 : i32 to vector<16xi32>
    %max3A_769 = arith.maxsi %get3A_766, %max3A_768 : vector<16xi32>
    %min3A_770 = arith.constant 511 : i32
    %min3A_771 = vector.broadcast %min3A_770 : i32 to vector<16xi32>
    %min3A_772 = arith.minsi %max3A_769, %min3A_771 : vector<16xi32>
    %swap3A_773 = arith.constant 1200 : index
    %swap3A_774 = tpu.vector_load %arg7[%swap3A_773] {strides = array<i32>} : memref<3136xi32, #tpu.memory_space<vmem>>, vector<16xi32>,
    tpu.vector_store %arg7[%swap3A_773], %min3A_772 {strides = array<i32>} : memref<3136xi32, #tpu.memory_space<vmem>>, vector<16xi32>,
    %get3A_775 = arith.constant 1216 : index
    %get3A_776 = tpu.vector_load %arg7[%get3A_775] {strides = array<i32>} : memref<3136xi32, #tpu.memory_space<vmem>>, vector<16xi32>,
    %max3A_777 = arith.constant 0 : i32
    %max3A_778 = vector.broadcast %max3A_777 : i32 to vector<16xi32>
    %max3A_779 = arith.maxsi %get3A_776, %max3A_778 : vector<16xi32>
    %min3A_780 = arith.constant 511 : i32
    %min3A_781 = vector.broadcast %min3A_780 : i32 to vector<16xi32>
    %min3A_782 = arith.minsi %max3A_779, %min3A_781 : vector<16xi32>
    %swap3A_783 = arith.constant 1216 : index
    %swap3A_784 = tpu.vector_load %arg7[%swap3A_783] {strides = array<i32>} : memref<3136xi32, #tpu.memory_space<vmem>>, vector<16xi32>,
    tpu.vector_store %arg7[%swap3A_783], %min3A_782 {strides = array<i32>} : memref<3136xi32, #tpu.memory_space<vmem>>, vector<16xi32>,
    %get3A_785 = arith.constant 1232 : index
    %get3A_786 = tpu.vector_load %arg7[%get3A_785] {strides = array<i32>} : memref<3136xi32, #tpu.memory_space<vmem>>, vector<16xi32>,
    %max3A_787 = arith.constant 0 : i32
    %max3A_788 = vector.broadcast %max3A_787 : i32 to vector<16xi32>
    %max3A_789 = arith.maxsi %get3A_786, %max3A_788 : vector<16xi32>
    %min3A_790 = arith.constant 511 : i32
    %min3A_791 = vector.broadcast %min3A_790 : i32 to vector<16xi32>
    %min3A_792 = arith.minsi %max3A_789, %min3A_791 : vector<16xi32>
    %swap3A_793 = arith.constant 1232 : index
    %swap3A_794 = tpu.vector_load %arg7[%swap3A_793] {strides = array<i32>} : memref<3136xi32, #tpu.memory_space<vmem>>, vector<16xi32>,
    tpu.vector_store %arg7[%swap3A_793], %min3A_792 {strides = array<i32>} : memref<3136xi32, #tpu.memory_space<vmem>>, vector<16xi32>,
    %get3A_795 = arith.constant 1248 : index
    %get3A_796 = tpu.vector_load %arg7[%get3A_795] {strides = array<i32>} : memref<3136xi32, #tpu.memory_space<vmem>>, vector<16xi32>,
    %max3A_797 = arith.constant 0 : i32
    %max3A_798 = vector.broadcast %max3A_797 : i32 to vector<16xi32>
    %max3A_799 = arith.maxsi %get3A_796, %max3A_798 : vector<16xi32>
    %min3A_800 = arith.constant 511 : i32
    %min3A_801 = vector.broadcast %min3A_800 : i32 to vector<16xi32>
    %min3A_802 = arith.minsi %max3A_799, %min3A_801 : vector<16xi32>
    %swap3A_803 = arith.constant 1248 : index
    %swap3A_804 = tpu.vector_load %arg7[%swap3A_803] {strides = array<i32>} : memref<3136xi32, #tpu.memory_space<vmem>>, vector<16xi32>,
    tpu.vector_store %arg7[%swap3A_803], %min3A_802 {strides = array<i32>} : memref<3136xi32, #tpu.memory_space<vmem>>, vector<16xi32>,
    %get3A_805 = arith.constant 1264 : index
    %get3A_806 = tpu.vector_load %arg7[%get3A_805] {strides = array<i32>} : memref<3136xi32, #tpu.memory_space<vmem>>, vector<16xi32>,
    %max3A_807 = arith.constant 0 : i32
    %max3A_808 = vector.broadcast %max3A_807 : i32 to vector<16xi32>
    %max3A_809 = arith.maxsi %get3A_806, %max3A_808 : vector<16xi32>
    %min3A_810 = arith.constant 511 : i32
    %min3A_811 = vector.broadcast %min3A_810 : i32 to vector<16xi32>
    %min3A_812 = arith.minsi %max3A_809, %min3A_811 : vector<16xi32>
    %swap3A_813 = arith.constant 1264 : index
    %swap3A_814 = tpu.vector_load %arg7[%swap3A_813] {strides = array<i32>} : memref<3136xi32, #tpu.memory_space<vmem>>, vector<16xi32>,
    tpu.vector_store %arg7[%swap3A_813], %min3A_812 {strides = array<i32>} : memref<3136xi32, #tpu.memory_space<vmem>>, vector<16xi32>,
    %get3A_815 = arith.constant 1280 : index
    %get3A_816 = tpu.vector_load %arg7[%get3A_815] {strides = array<i32>} : memref<3136xi32, #tpu.memory_space<vmem>>, vector<16xi32>,
    %max3A_817 = arith.constant 0 : i32
    %max3A_818 = vector.broadcast %max3A_817 : i32 to vector<16xi32>
    %max3A_819 = arith.maxsi %get3A_816, %max3A_818 : vector<16xi32>
    %min3A_820 = arith.constant 511 : i32
    %min3A_821 = vector.broadcast %min3A_820 : i32 to vector<16xi32>
    %min3A_822 = arith.minsi %max3A_819, %min3A_821 : vector<16xi32>
    %swap3A_823 = arith.constant 1280 : index
    %swap3A_824 = tpu.vector_load %arg7[%swap3A_823] {strides = array<i32>} : memref<3136xi32, #tpu.memory_space<vmem>>, vector<16xi32>,
    tpu.vector_store %arg7[%swap3A_823], %min3A_822 {strides = array<i32>} : memref<3136xi32, #tpu.memory_space<vmem>>, vector<16xi32>,
    %get3A_825 = arith.constant 1296 : index
    %get3A_826 = tpu.vector_load %arg7[%get3A_825] {strides = array<i32>} : memref<3136xi32, #tpu.memory_space<vmem>>, vector<16xi32>,
    %max3A_827 = arith.constant 0 : i32
    %max3A_828 = vector.broadcast %max3A_827 : i32 to vector<16xi32>
    %max3A_829 = arith.maxsi %get3A_826, %max3A_828 : vector<16xi32>
    %min3A_830 = arith.constant 511 : i32
    %min3A_831 = vector.broadcast %min3A_830 : i32 to vector<16xi32>
    %min3A_832 = arith.minsi %max3A_829, %min3A_831 : vector<16xi32>
    %swap3A_833 = arith.constant 1296 : index
    %swap3A_834 = tpu.vector_load %arg7[%swap3A_833] {strides = array<i32>} : memref<3136xi32, #tpu.memory_space<vmem>>, vector<16xi32>,
    tpu.vector_store %arg7[%swap3A_833], %min3A_832 {strides = array<i32>} : memref<3136xi32, #tpu.memory_space<vmem>>, vector<16xi32>,
    %get3A_835 = arith.constant 1312 : index
    %get3A_836 = tpu.vector_load %arg7[%get3A_835] {strides = array<i32>} : memref<3136xi32, #tpu.memory_space<vmem>>, vector<16xi32>,
    %max3A_837 = arith.constant 0 : i32
    %max3A_838 = vector.broadcast %max3A_837 : i32 to vector<16xi32>
    %max3A_839 = arith.maxsi %get3A_836, %max3A_838 : vector<16xi32>
    %min3A_840 = arith.constant 511 : i32
    %min3A_841 = vector.broadcast %min3A_840 : i32 to vector<16xi32>
    %min3A_842 = arith.minsi %max3A_839, %min3A_841 : vector<16xi32>
    %swap3A_843 = arith.constant 1312 : index
    %swap3A_844 = tpu.vector_load %arg7[%swap3A_843] {strides = array<i32>} : memref<3136xi32, #tpu.memory_space<vmem>>, vector<16xi32>,
    tpu.vector_store %arg7[%swap3A_843], %min3A_842 {strides = array<i32>} : memref<3136xi32, #tpu.memory_space<vmem>>, vector<16xi32>,
    %get3A_845 = arith.constant 1328 : index
    %get3A_846 = tpu.vector_load %arg7[%get3A_845] {strides = array<i32>} : memref<3136xi32, #tpu.memory_space<vmem>>, vector<16xi32>,
    %max3A_847 = arith.constant 0 : i32
    %max3A_848 = vector.broadcast %max3A_847 : i32 to vector<16xi32>
    %max3A_849 = arith.maxsi %get3A_846, %max3A_848 : vector<16xi32>
    %min3A_850 = arith.constant 511 : i32
    %min3A_851 = vector.broadcast %min3A_850 : i32 to vector<16xi32>
    %min3A_852 = arith.minsi %max3A_849, %min3A_851 : vector<16xi32>
    %swap3A_853 = arith.constant 1328 : index
    %swap3A_854 = tpu.vector_load %arg7[%swap3A_853] {strides = array<i32>} : memref<3136xi32, #tpu.memory_space<vmem>>, vector<16xi32>,
    tpu.vector_store %arg7[%swap3A_853], %min3A_852 {strides = array<i32>} : memref<3136xi32, #tpu.memory_space<vmem>>, vector<16xi32>,
    %get3A_855 = arith.constant 1344 : index
    %get3A_856 = tpu.vector_load %arg7[%get3A_855] {strides = array<i32>} : memref<3136xi32, #tpu.memory_space<vmem>>, vector<16xi32>,
    %max3A_857 = arith.constant 0 : i32
    %max3A_858 = vector.broadcast %max3A_857 : i32 to vector<16xi32>
    %max3A_859 = arith.maxsi %get3A_856, %max3A_858 : vector<16xi32>
    %min3A_860 = arith.constant 511 : i32
    %min3A_861 = vector.broadcast %min3A_860 : i32 to vector<16xi32>
    %min3A_862 = arith.minsi %max3A_859, %min3A_861 : vector<16xi32>
    %swap3A_863 = arith.constant 1344 : index
    %swap3A_864 = tpu.vector_load %arg7[%swap3A_863] {strides = array<i32>} : memref<3136xi32, #tpu.memory_space<vmem>>, vector<16xi32>,
    tpu.vector_store %arg7[%swap3A_863], %min3A_862 {strides = array<i32>} : memref<3136xi32, #tpu.memory_space<vmem>>, vector<16xi32>,
    %get3A_865 = arith.constant 1360 : index
    %get3A_866 = tpu.vector_load %arg7[%get3A_865] {strides = array<i32>} : memref<3136xi32, #tpu.memory_space<vmem>>, vector<16xi32>,
    %max3A_867 = arith.constant 0 : i32
    %max3A_868 = vector.broadcast %max3A_867 : i32 to vector<16xi32>
    %max3A_869 = arith.maxsi %get3A_866, %max3A_868 : vector<16xi32>
    %min3A_870 = arith.constant 511 : i32
    %min3A_871 = vector.broadcast %min3A_870 : i32 to vector<16xi32>
    %min3A_872 = arith.minsi %max3A_869, %min3A_871 : vector<16xi32>
    %swap3A_873 = arith.constant 1360 : index
    %swap3A_874 = tpu.vector_load %arg7[%swap3A_873] {strides = array<i32>} : memref<3136xi32, #tpu.memory_space<vmem>>, vector<16xi32>,
    tpu.vector_store %arg7[%swap3A_873], %min3A_872 {strides = array<i32>} : memref<3136xi32, #tpu.memory_space<vmem>>, vector<16xi32>,
    %get3A_875 = arith.constant 1376 : index
    %get3A_876 = tpu.vector_load %arg7[%get3A_875] {strides = array<i32>} : memref<3136xi32, #tpu.memory_space<vmem>>, vector<16xi32>,
    %max3A_877 = arith.constant 0 : i32
    %max3A_878 = vector.broadcast %max3A_877 : i32 to vector<16xi32>
    %max3A_879 = arith.maxsi %get3A_876, %max3A_878 : vector<16xi32>
    %min3A_880 = arith.constant 511 : i32
    %min3A_881 = vector.broadcast %min3A_880 : i32 to vector<16xi32>
    %min3A_882 = arith.minsi %max3A_879, %min3A_881 : vector<16xi32>
    %swap3A_883 = arith.constant 1376 : index
    %swap3A_884 = tpu.vector_load %arg7[%swap3A_883] {strides = array<i32>} : memref<3136xi32, #tpu.memory_space<vmem>>, vector<16xi32>,
    tpu.vector_store %arg7[%swap3A_883], %min3A_882 {strides = array<i32>} : memref<3136xi32, #tpu.memory_space<vmem>>, vector<16xi32>,
    %get3A_885 = arith.constant 1392 : index
    %get3A_886 = tpu.vector_load %arg7[%get3A_885] {strides = array<i32>} : memref<3136xi32, #tpu.memory_space<vmem>>, vector<16xi32>,
    %max3A_887 = arith.constant 0 : i32
    %max3A_888 = vector.broadcast %max3A_887 : i32 to vector<16xi32>
    %max3A_889 = arith.maxsi %get3A_886, %max3A_888 : vector<16xi32>
    %min3A_890 = arith.constant 511 : i32
    %min3A_891 = vector.broadcast %min3A_890 : i32 to vector<16xi32>
    %min3A_892 = arith.minsi %max3A_889, %min3A_891 : vector<16xi32>
    %swap3A_893 = arith.constant 1392 : index
    %swap3A_894 = tpu.vector_load %arg7[%swap3A_893] {strides = array<i32>} : memref<3136xi32, #tpu.memory_space<vmem>>, vector<16xi32>,
    tpu.vector_store %arg7[%swap3A_893], %min3A_892 {strides = array<i32>} : memref<3136xi32, #tpu.memory_space<vmem>>, vector<16xi32>,
    %get3A_895 = arith.constant 1408 : index
    %get3A_896 = tpu.vector_load %arg7[%get3A_895] {strides = array<i32>} : memref<3136xi32, #tpu.memory_space<vmem>>, vector<16xi32>,
    %max3A_897 = arith.constant 0 : i32
    %max3A_898 = vector.broadcast %max3A_897 : i32 to vector<16xi32>
    %max3A_899 = arith.maxsi %get3A_896, %max3A_898 : vector<16xi32>
    %min3A_900 = arith.constant 511 : i32
    %min3A_901 = vector.broadcast %min3A_900 : i32 to vector<16xi32>
    %min3A_902 = arith.minsi %max3A_899, %min3A_901 : vector<16xi32>
    %swap3A_903 = arith.constant 1408 : index
    %swap3A_904 = tpu.vector_load %arg7[%swap3A_903] {strides = array<i32>} : memref<3136xi32, #tpu.memory_space<vmem>>, vector<16xi32>,
    tpu.vector_store %arg7[%swap3A_903], %min3A_902 {strides = array<i32>} : memref<3136xi32, #tpu.memory_space<vmem>>, vector<16xi32>,
    %get3A_905 = arith.constant 1424 : index
    %get3A_906 = tpu.vector_load %arg7[%get3A_905] {strides = array<i32>} : memref<3136xi32, #tpu.memory_space<vmem>>, vector<16xi32>,
    %max3A_907 = arith.constant 0 : i32
    %max3A_908 = vector.broadcast %max3A_907 : i32 to vector<16xi32>
    %max3A_909 = arith.maxsi %get3A_906, %max3A_908 : vector<16xi32>
    %min3A_910 = arith.constant 511 : i32
    %min3A_911 = vector.broadcast %min3A_910 : i32 to vector<16xi32>
    %min3A_912 = arith.minsi %max3A_909, %min3A_911 : vector<16xi32>
    %swap3A_913 = arith.constant 1424 : index
    %swap3A_914 = tpu.vector_load %arg7[%swap3A_913] {strides = array<i32>} : memref<3136xi32, #tpu.memory_space<vmem>>, vector<16xi32>,
    tpu.vector_store %arg7[%swap3A_913], %min3A_912 {strides = array<i32>} : memref<3136xi32, #tpu.memory_space<vmem>>, vector<16xi32>,
    %get3A_915 = arith.constant 1440 : index
    %get3A_916 = tpu.vector_load %arg7[%get3A_915] {strides = array<i32>} : memref<3136xi32, #tpu.memory_space<vmem>>, vector<16xi32>,
    %max3A_917 = arith.constant 0 : i32
    %max3A_918 = vector.broadcast %max3A_917 : i32 to vector<16xi32>
    %max3A_919 = arith.maxsi %get3A_916, %max3A_918 : vector<16xi32>
    %min3A_920 = arith.constant 511 : i32
    %min3A_921 = vector.broadcast %min3A_920 : i32 to vector<16xi32>
    %min3A_922 = arith.minsi %max3A_919, %min3A_921 : vector<16xi32>
    %swap3A_923 = arith.constant 1440 : index
    %swap3A_924 = tpu.vector_load %arg7[%swap3A_923] {strides = array<i32>} : memref<3136xi32, #tpu.memory_space<vmem>>, vector<16xi32>,
    tpu.vector_store %arg7[%swap3A_923], %min3A_922 {strides = array<i32>} : memref<3136xi32, #tpu.memory_space<vmem>>, vector<16xi32>,
    %get3A_925 = arith.constant 1456 : index
    %get3A_926 = tpu.vector_load %arg7[%get3A_925] {strides = array<i32>} : memref<3136xi32, #tpu.memory_space<vmem>>, vector<16xi32>,
    %max3A_927 = arith.constant 0 : i32
    %max3A_928 = vector.broadcast %max3A_927 : i32 to vector<16xi32>
    %max3A_929 = arith.maxsi %get3A_926, %max3A_928 : vector<16xi32>
    %min3A_930 = arith.constant 511 : i32
    %min3A_931 = vector.broadcast %min3A_930 : i32 to vector<16xi32>
    %min3A_932 = arith.minsi %max3A_929, %min3A_931 : vector<16xi32>
    %swap3A_933 = arith.constant 1456 : index
    %swap3A_934 = tpu.vector_load %arg7[%swap3A_933] {strides = array<i32>} : memref<3136xi32, #tpu.memory_space<vmem>>, vector<16xi32>,
    tpu.vector_store %arg7[%swap3A_933], %min3A_932 {strides = array<i32>} : memref<3136xi32, #tpu.memory_space<vmem>>, vector<16xi32>,
    %get3A_935 = arith.constant 1472 : index
    %get3A_936 = tpu.vector_load %arg7[%get3A_935] {strides = array<i32>} : memref<3136xi32, #tpu.memory_space<vmem>>, vector<16xi32>,
    %max3A_937 = arith.constant 0 : i32
    %max3A_938 = vector.broadcast %max3A_937 : i32 to vector<16xi32>
    %max3A_939 = arith.maxsi %get3A_936, %max3A_938 : vector<16xi32>
    %min3A_940 = arith.constant 511 : i32
    %min3A_941 = vector.broadcast %min3A_940 : i32 to vector<16xi32>
    %min3A_942 = arith.minsi %max3A_939, %min3A_941 : vector<16xi32>
    %swap3A_943 = arith.constant 1472 : index
    %swap3A_944 = tpu.vector_load %arg7[%swap3A_943] {strides = array<i32>} : memref<3136xi32, #tpu.memory_space<vmem>>, vector<16xi32>,
    tpu.vector_store %arg7[%swap3A_943], %min3A_942 {strides = array<i32>} : memref<3136xi32, #tpu.memory_space<vmem>>, vector<16xi32>,
    %get3A_945 = arith.constant 1488 : index
    %get3A_946 = tpu.vector_load %arg7[%get3A_945] {strides = array<i32>} : memref<3136xi32, #tpu.memory_space<vmem>>, vector<16xi32>,
    %max3A_947 = arith.constant 0 : i32
    %max3A_948 = vector.broadcast %max3A_947 : i32 to vector<16xi32>
    %max3A_949 = arith.maxsi %get3A_946, %max3A_948 : vector<16xi32>
    %min3A_950 = arith.constant 511 : i32
    %min3A_951 = vector.broadcast %min3A_950 : i32 to vector<16xi32>
    %min3A_952 = arith.minsi %max3A_949, %min3A_951 : vector<16xi32>
    %swap3A_953 = arith.constant 1488 : index
    %swap3A_954 = tpu.vector_load %arg7[%swap3A_953] {strides = array<i32>} : memref<3136xi32, #tpu.memory_space<vmem>>, vector<16xi32>,
    tpu.vector_store %arg7[%swap3A_953], %min3A_952 {strides = array<i32>} : memref<3136xi32, #tpu.memory_space<vmem>>, vector<16xi32>,
    %get3A_955 = arith.constant 1504 : index
    %get3A_956 = tpu.vector_load %arg7[%get3A_955] {strides = array<i32>} : memref<3136xi32, #tpu.memory_space<vmem>>, vector<16xi32>,
    %max3A_957 = arith.constant 0 : i32
    %max3A_958 = vector.broadcast %max3A_957 : i32 to vector<16xi32>
    %max3A_959 = arith.maxsi %get3A_956, %max3A_958 : vector<16xi32>
    %min3A_960 = arith.constant 511 : i32
    %min3A_961 = vector.broadcast %min3A_960 : i32 to vector<16xi32>
    %min3A_962 = arith.minsi %max3A_959, %min3A_961 : vector<16xi32>
    %swap3A_963 = arith.constant 1504 : index
    %swap3A_964 = tpu.vector_load %arg7[%swap3A_963] {strides = array<i32>} : memref<3136xi32, #tpu.memory_space<vmem>>, vector<16xi32>,
    tpu.vector_store %arg7[%swap3A_963], %min3A_962 {strides = array<i32>} : memref<3136xi32, #tpu.memory_space<vmem>>, vector<16xi32>,
    %get3A_965 = arith.constant 1520 : index
    %get3A_966 = tpu.vector_load %arg7[%get3A_965] {strides = array<i32>} : memref<3136xi32, #tpu.memory_space<vmem>>, vector<16xi32>,
    %max3A_967 = arith.constant 0 : i32
    %max3A_968 = vector.broadcast %max3A_967 : i32 to vector<16xi32>
    %max3A_969 = arith.maxsi %get3A_966, %max3A_968 : vector<16xi32>
    %min3A_970 = arith.constant 511 : i32
    %min3A_971 = vector.broadcast %min3A_970 : i32 to vector<16xi32>
    %min3A_972 = arith.minsi %max3A_969, %min3A_971 : vector<16xi32>
    %swap3A_973 = arith.constant 1520 : index
    %swap3A_974 = tpu.vector_load %arg7[%swap3A_973] {strides = array<i32>} : memref<3136xi32, #tpu.memory_space<vmem>>, vector<16xi32>,
    tpu.vector_store %arg7[%swap3A_973], %min3A_972 {strides = array<i32>} : memref<3136xi32, #tpu.memory_space<vmem>>, vector<16xi32>,
    %get3A_975 = arith.constant 1536 : index
    %get3A_976 = tpu.vector_load %arg7[%get3A_975] {strides = array<i32>} : memref<3136xi32, #tpu.memory_space<vmem>>, vector<16xi32>,
    %max3A_977 = arith.constant 0 : i32
    %max3A_978 = vector.broadcast %max3A_977 : i32 to vector<16xi32>
    %max3A_979 = arith.maxsi %get3A_976, %max3A_978 : vector<16xi32>
    %min3A_980 = arith.constant 511 : i32
    %min3A_981 = vector.broadcast %min3A_980 : i32 to vector<16xi32>
    %min3A_982 = arith.minsi %max3A_979, %min3A_981 : vector<16xi32>
    %swap3A_983 = arith.constant 1536 : index
    %swap3A_984 = tpu.vector_load %arg7[%swap3A_983] {strides = array<i32>} : memref<3136xi32, #tpu.memory_space<vmem>>, vector<16xi32>,
    tpu.vector_store %arg7[%swap3A_983], %min3A_982 {strides = array<i32>} : memref<3136xi32, #tpu.memory_space<vmem>>, vector<16xi32>,
    %get3A_985 = arith.constant 1552 : index
    %get3A_986 = tpu.vector_load %arg7[%get3A_985] {strides = array<i32>} : memref<3136xi32, #tpu.memory_space<vmem>>, vector<16xi32>,
    %max3A_987 = arith.constant 0 : i32
    %max3A_988 = vector.broadcast %max3A_987 : i32 to vector<16xi32>
    %max3A_989 = arith.maxsi %get3A_986, %max3A_988 : vector<16xi32>
    %min3A_990 = arith.constant 511 : i32
    %min3A_991 = vector.broadcast %min3A_990 : i32 to vector<16xi32>
    %min3A_992 = arith.minsi %max3A_989, %min3A_991 : vector<16xi32>
    %swap3A_993 = arith.constant 1552 : index
    %swap3A_994 = tpu.vector_load %arg7[%swap3A_993] {strides = array<i32>} : memref<3136xi32, #tpu.memory_space<vmem>>, vector<16xi32>,
    tpu.vector_store %arg7[%swap3A_993], %min3A_992 {strides = array<i32>} : memref<3136xi32, #tpu.memory_space<vmem>>, vector<16xi32>,
    %get3A_995 = arith.constant 1568 : index
    %get3A_996 = tpu.vector_load %arg7[%get3A_995] {strides = array<i32>} : memref<3136xi32, #tpu.memory_space<vmem>>, vector<16xi32>,
    %max3A_997 = arith.constant 0 : i32
    %max3A_998 = vector.broadcast %max3A_997 : i32 to vector<16xi32>
    %max3A_999 = arith.maxsi %get3A_996, %max3A_998 : vector<16xi32>
    %min3A_1000 = arith.constant 511 : i32
    %min3A_1001 = vector.broadcast %min3A_1000 : i32 to vector<16xi32>
    %min3A_1002 = arith.minsi %max3A_999, %min3A_1001 : vector<16xi32>
    %swap3A_1003 = arith.constant 1568 : index
    %swap3A_1004 = tpu.vector_load %arg7[%swap3A_1003] {strides = array<i32>} : memref<3136xi32, #tpu.memory_space<vmem>>, vector<16xi32>,
    tpu.vector_store %arg7[%swap3A_1003], %min3A_1002 {strides = array<i32>} : memref<3136xi32, #tpu.memory_space<vmem>>, vector<16xi32>,
    %get3A_1005 = arith.constant 1584 : index
    %get3A_1006 = tpu.vector_load %arg7[%get3A_1005] {strides = array<i32>} : memref<3136xi32, #tpu.memory_space<vmem>>, vector<16xi32>,
    %max3A_1007 = arith.constant 0 : i32
    %max3A_1008 = vector.broadcast %max3A_1007 : i32 to vector<16xi32>
    %max3A_1009 = arith.maxsi %get3A_1006, %max3A_1008 : vector<16xi32>
    %min3A_1010 = arith.constant 511 : i32
    %min3A_1011 = vector.broadcast %min3A_1010 : i32 to vector<16xi32>
    %min3A_1012 = arith.minsi %max3A_1009, %min3A_1011 : vector<16xi32>
    %swap3A_1013 = arith.constant 1584 : index
    %swap3A_1014 = tpu.vector_load %arg7[%swap3A_1013] {strides = array<i32>} : memref<3136xi32, #tpu.memory_space<vmem>>, vector<16xi32>,
    tpu.vector_store %arg7[%swap3A_1013], %min3A_1012 {strides = array<i32>} : memref<3136xi32, #tpu.memory_space<vmem>>, vector<16xi32>,
    %get3A_1015 = arith.constant 1600 : index
    %get3A_1016 = tpu.vector_load %arg7[%get3A_1015] {strides = array<i32>} : memref<3136xi32, #tpu.memory_space<vmem>>, vector<16xi32>,
    %max3A_1017 = arith.constant 0 : i32
    %max3A_1018 = vector.broadcast %max3A_1017 : i32 to vector<16xi32>
    %max3A_1019 = arith.maxsi %get3A_1016, %max3A_1018 : vector<16xi32>
    %min3A_1020 = arith.constant 511 : i32
    %min3A_1021 = vector.broadcast %min3A_1020 : i32 to vector<16xi32>
    %min3A_1022 = arith.minsi %max3A_1019, %min3A_1021 : vector<16xi32>
    %swap3A_1023 = arith.constant 1600 : index
    %swap3A_1024 = tpu.vector_load %arg7[%swap3A_1023] {strides = array<i32>} : memref<3136xi32, #tpu.memory_space<vmem>>, vector<16xi32>,
    tpu.vector_store %arg7[%swap3A_1023], %min3A_1022 {strides = array<i32>} : memref<3136xi32, #tpu.memory_space<vmem>>, vector<16xi32>,
    %get3A_1025 = arith.constant 1616 : index
    %get3A_1026 = tpu.vector_load %arg7[%get3A_1025] {strides = array<i32>} : memref<3136xi32, #tpu.memory_space<vmem>>, vector<16xi32>,
    %max3A_1027 = arith.constant 0 : i32
    %max3A_1028 = vector.broadcast %max3A_1027 : i32 to vector<16xi32>
    %max3A_1029 = arith.maxsi %get3A_1026, %max3A_1028 : vector<16xi32>
    %min3A_1030 = arith.constant 511 : i32
    %min3A_1031 = vector.broadcast %min3A_1030 : i32 to vector<16xi32>
    %min3A_1032 = arith.minsi %max3A_1029, %min3A_1031 : vector<16xi32>
    %swap3A_1033 = arith.constant 1616 : index
    %swap3A_1034 = tpu.vector_load %arg7[%swap3A_1033] {strides = array<i32>} : memref<3136xi32, #tpu.memory_space<vmem>>, vector<16xi32>,
    tpu.vector_store %arg7[%swap3A_1033], %min3A_1032 {strides = array<i32>} : memref<3136xi32, #tpu.memory_space<vmem>>, vector<16xi32>,
    %get3A_1035 = arith.constant 1632 : index
    %get3A_1036 = tpu.vector_load %arg7[%get3A_1035] {strides = array<i32>} : memref<3136xi32, #tpu.memory_space<vmem>>, vector<16xi32>,
    %max3A_1037 = arith.constant 0 : i32
    %max3A_1038 = vector.broadcast %max3A_1037 : i32 to vector<16xi32>
    %max3A_1039 = arith.maxsi %get3A_1036, %max3A_1038 : vector<16xi32>
    %min3A_1040 = arith.constant 511 : i32
    %min3A_1041 = vector.broadcast %min3A_1040 : i32 to vector<16xi32>
    %min3A_1042 = arith.minsi %max3A_1039, %min3A_1041 : vector<16xi32>
    %swap3A_1043 = arith.constant 1632 : index
    %swap3A_1044 = tpu.vector_load %arg7[%swap3A_1043] {strides = array<i32>} : memref<3136xi32, #tpu.memory_space<vmem>>, vector<16xi32>,
    tpu.vector_store %arg7[%swap3A_1043], %min3A_1042 {strides = array<i32>} : memref<3136xi32, #tpu.memory_space<vmem>>, vector<16xi32>,
    %get3A_1045 = arith.constant 1648 : index
    %get3A_1046 = tpu.vector_load %arg7[%get3A_1045] {strides = array<i32>} : memref<3136xi32, #tpu.memory_space<vmem>>, vector<16xi32>,
    %max3A_1047 = arith.constant 0 : i32
    %max3A_1048 = vector.broadcast %max3A_1047 : i32 to vector<16xi32>
    %max3A_1049 = arith.maxsi %get3A_1046, %max3A_1048 : vector<16xi32>
    %min3A_1050 = arith.constant 511 : i32
    %min3A_1051 = vector.broadcast %min3A_1050 : i32 to vector<16xi32>
    %min3A_1052 = arith.minsi %max3A_1049, %min3A_1051 : vector<16xi32>
    %swap3A_1053 = arith.constant 1648 : index
    %swap3A_1054 = tpu.vector_load %arg7[%swap3A_1053] {strides = array<i32>} : memref<3136xi32, #tpu.memory_space<vmem>>, vector<16xi32>,
    tpu.vector_store %arg7[%swap3A_1053], %min3A_1052 {strides = array<i32>} : memref<3136xi32, #tpu.memory_space<vmem>>, vector<16xi32>,
    %get3A_1055 = arith.constant 1664 : index
    %get3A_1056 = tpu.vector_load %arg7[%get3A_1055] {strides = array<i32>} : memref<3136xi32, #tpu.memory_space<vmem>>, vector<16xi32>,
    %max3A_1057 = arith.constant 0 : i32
    %max3A_1058 = vector.broadcast %max3A_1057 : i32 to vector<16xi32>
    %max3A_1059 = arith.maxsi %get3A_1056, %max3A_1058 : vector<16xi32>
    %min3A_1060 = arith.constant 511 : i32
    %min3A_1061 = vector.broadcast %min3A_1060 : i32 to vector<16xi32>
    %min3A_1062 = arith.minsi %max3A_1059, %min3A_1061 : vector<16xi32>
    %swap3A_1063 = arith.constant 1664 : index
    %swap3A_1064 = tpu.vector_load %arg7[%swap3A_1063] {strides = array<i32>} : memref<3136xi32, #tpu.memory_space<vmem>>, vector<16xi32>,
    tpu.vector_store %arg7[%swap3A_1063], %min3A_1062 {strides = array<i32>} : memref<3136xi32, #tpu.memory_space<vmem>>, vector<16xi32>,
    %get3A_1065 = arith.constant 1680 : index
    %get3A_1066 = tpu.vector_load %arg7[%get3A_1065] {strides = array<i32>} : memref<3136xi32, #tpu.memory_space<vmem>>, vector<16xi32>,
    %max3A_1067 = arith.constant 0 : i32
    %max3A_1068 = vector.broadcast %max3A_1067 : i32 to vector<16xi32>
    %max3A_1069 = arith.maxsi %get3A_1066, %max3A_1068 : vector<16xi32>
    %min3A_1070 = arith.constant 511 : i32
    %min3A_1071 = vector.broadcast %min3A_1070 : i32 to vector<16xi32>
    %min3A_1072 = arith.minsi %max3A_1069, %min3A_1071 : vector<16xi32>
    %swap3A_1073 = arith.constant 1680 : index
    %swap3A_1074 = tpu.vector_load %arg7[%swap3A_1073] {strides = array<i32>} : memref<3136xi32, #tpu.memory_space<vmem>>, vector<16xi32>,
    tpu.vector_store %arg7[%swap3A_1073], %min3A_1072 {strides = array<i32>} : memref<3136xi32, #tpu.memory_space<vmem>>, vector<16xi32>,
    %get3A_1075 = arith.constant 1696 : index
    %get3A_1076 = tpu.vector_load %arg7[%get3A_1075] {strides = array<i32>} : memref<3136xi32, #tpu.memory_space<vmem>>, vector<16xi32>,
    %max3A_1077 = arith.constant 0 : i32
    %max3A_1078 = vector.broadcast %max3A_1077 : i32 to vector<16xi32>
    %max3A_1079 = arith.maxsi %get3A_1076, %max3A_1078 : vector<16xi32>
    %min3A_1080 = arith.constant 511 : i32
    %min3A_1081 = vector.broadcast %min3A_1080 : i32 to vector<16xi32>
    %min3A_1082 = arith.minsi %max3A_1079, %min3A_1081 : vector<16xi32>
    %swap3A_1083 = arith.constant 1696 : index
    %swap3A_1084 = tpu.vector_load %arg7[%swap3A_1083] {strides = array<i32>} : memref<3136xi32, #tpu.memory_space<vmem>>, vector<16xi32>,
    tpu.vector_store %arg7[%swap3A_1083], %min3A_1082 {strides = array<i32>} : memref<3136xi32, #tpu.memory_space<vmem>>, vector<16xi32>,
    %get3A_1085 = arith.constant 1712 : index
    %get3A_1086 = tpu.vector_load %arg7[%get3A_1085] {strides = array<i32>} : memref<3136xi32, #tpu.memory_space<vmem>>, vector<16xi32>,
    %max3A_1087 = arith.constant 0 : i32
    %max3A_1088 = vector.broadcast %max3A_1087 : i32 to vector<16xi32>
    %max3A_1089 = arith.maxsi %get3A_1086, %max3A_1088 : vector<16xi32>
    %min3A_1090 = arith.constant 511 : i32
    %min3A_1091 = vector.broadcast %min3A_1090 : i32 to vector<16xi32>
    %min3A_1092 = arith.minsi %max3A_1089, %min3A_1091 : vector<16xi32>
    %swap3A_1093 = arith.constant 1712 : index
    %swap3A_1094 = tpu.vector_load %arg7[%swap3A_1093] {strides = array<i32>} : memref<3136xi32, #tpu.memory_space<vmem>>, vector<16xi32>,
    tpu.vector_store %arg7[%swap3A_1093], %min3A_1092 {strides = array<i32>} : memref<3136xi32, #tpu.memory_space<vmem>>, vector<16xi32>,
    %get3A_1095 = arith.constant 1728 : index
    %get3A_1096 = tpu.vector_load %arg7[%get3A_1095] {strides = array<i32>} : memref<3136xi32, #tpu.memory_space<vmem>>, vector<16xi32>,
    %max3A_1097 = arith.constant 0 : i32
    %max3A_1098 = vector.broadcast %max3A_1097 : i32 to vector<16xi32>
    %max3A_1099 = arith.maxsi %get3A_1096, %max3A_1098 : vector<16xi32>
    %min3A_1100 = arith.constant 511 : i32
    %min3A_1101 = vector.broadcast %min3A_1100 : i32 to vector<16xi32>
    %min3A_1102 = arith.minsi %max3A_1099, %min3A_1101 : vector<16xi32>
    %swap3A_1103 = arith.constant 1728 : index
    %swap3A_1104 = tpu.vector_load %arg7[%swap3A_1103] {strides = array<i32>} : memref<3136xi32, #tpu.memory_space<vmem>>, vector<16xi32>,
    tpu.vector_store %arg7[%swap3A_1103], %min3A_1102 {strides = array<i32>} : memref<3136xi32, #tpu.memory_space<vmem>>, vector<16xi32>,
    %get3A_1105 = arith.constant 1744 : index
    %get3A_1106 = tpu.vector_load %arg7[%get3A_1105] {strides = array<i32>} : memref<3136xi32, #tpu.memory_space<vmem>>, vector<16xi32>,
    %max3A_1107 = arith.constant 0 : i32
    %max3A_1108 = vector.broadcast %max3A_1107 : i32 to vector<16xi32>
    %max3A_1109 = arith.maxsi %get3A_1106, %max3A_1108 : vector<16xi32>
    %min3A_1110 = arith.constant 511 : i32
    %min3A_1111 = vector.broadcast %min3A_1110 : i32 to vector<16xi32>
    %min3A_1112 = arith.minsi %max3A_1109, %min3A_1111 : vector<16xi32>
    %swap3A_1113 = arith.constant 1744 : index
    %swap3A_1114 = tpu.vector_load %arg7[%swap3A_1113] {strides = array<i32>} : memref<3136xi32, #tpu.memory_space<vmem>>, vector<16xi32>,
    tpu.vector_store %arg7[%swap3A_1113], %min3A_1112 {strides = array<i32>} : memref<3136xi32, #tpu.memory_space<vmem>>, vector<16xi32>,
    %get3A_1115 = arith.constant 1760 : index
    %get3A_1116 = tpu.vector_load %arg7[%get3A_1115] {strides = array<i32>} : memref<3136xi32, #tpu.memory_space<vmem>>, vector<16xi32>,
    %max3A_1117 = arith.constant 0 : i32
    %max3A_1118 = vector.broadcast %max3A_1117 : i32 to vector<16xi32>
    %max3A_1119 = arith.maxsi %get3A_1116, %max3A_1118 : vector<16xi32>
    %min3A_1120 = arith.constant 511 : i32
    %min3A_1121 = vector.broadcast %min3A_1120 : i32 to vector<16xi32>
    %min3A_1122 = arith.minsi %max3A_1119, %min3A_1121 : vector<16xi32>
    %swap3A_1123 = arith.constant 1760 : index
    %swap3A_1124 = tpu.vector_load %arg7[%swap3A_1123] {strides = array<i32>} : memref<3136xi32, #tpu.memory_space<vmem>>, vector<16xi32>,
    tpu.vector_store %arg7[%swap3A_1123], %min3A_1122 {strides = array<i32>} : memref<3136xi32, #tpu.memory_space<vmem>>, vector<16xi32>,
    %get3A_1125 = arith.constant 1776 : index
    %get3A_1126 = tpu.vector_load %arg7[%get3A_1125] {strides = array<i32>} : memref<3136xi32, #tpu.memory_space<vmem>>, vector<16xi32>,
    %max3A_1127 = arith.constant 0 : i32
    %max3A_1128 = vector.broadcast %max3A_1127 : i32 to vector<16xi32>
    %max3A_1129 = arith.maxsi %get3A_1126, %max3A_1128 : vector<16xi32>
    %min3A_1130 = arith.constant 511 : i32
    %min3A_1131 = vector.broadcast %min3A_1130 : i32 to vector<16xi32>
    %min3A_1132 = arith.minsi %max3A_1129, %min3A_1131 : vector<16xi32>
    %swap3A_1133 = arith.constant 1776 : index
    %swap3A_1134 = tpu.vector_load %arg7[%swap3A_1133] {strides = array<i32>} : memref<3136xi32, #tpu.memory_space<vmem>>, vector<16xi32>,
    tpu.vector_store %arg7[%swap3A_1133], %min3A_1132 {strides = array<i32>} : memref<3136xi32, #tpu.memory_space<vmem>>, vector<16xi32>,
    %get3A_1135 = arith.constant 1792 : index
    %get3A_1136 = tpu.vector_load %arg7[%get3A_1135] {strides = array<i32>} : memref<3136xi32, #tpu.memory_space<vmem>>, vector<16xi32>,
    %max3A_1137 = arith.constant 0 : i32
    %max3A_1138 = vector.broadcast %max3A_1137 : i32 to vector<16xi32>
    %max3A_1139 = arith.maxsi %get3A_1136, %max3A_1138 : vector<16xi32>
    %min3A_1140 = arith.constant 511 : i32
    %min3A_1141 = vector.broadcast %min3A_1140 : i32 to vector<16xi32>
    %min3A_1142 = arith.minsi %max3A_1139, %min3A_1141 : vector<16xi32>
    %swap3A_1143 = arith.constant 1792 : index
    %swap3A_1144 = tpu.vector_load %arg7[%swap3A_1143] {strides = array<i32>} : memref<3136xi32, #tpu.memory_space<vmem>>, vector<16xi32>,
    tpu.vector_store %arg7[%swap3A_1143], %min3A_1142 {strides = array<i32>} : memref<3136xi32, #tpu.memory_space<vmem>>, vector<16xi32>,
    %get3A_1145 = arith.constant 1808 : index
    %get3A_1146 = tpu.vector_load %arg7[%get3A_1145] {strides = array<i32>} : memref<3136xi32, #tpu.memory_space<vmem>>, vector<16xi32>,
    %max3A_1147 = arith.constant 0 : i32
    %max3A_1148 = vector.broadcast %max3A_1147 : i32 to vector<16xi32>
    %max3A_1149 = arith.maxsi %get3A_1146, %max3A_1148 : vector<16xi32>
    %min3A_1150 = arith.constant 511 : i32
    %min3A_1151 = vector.broadcast %min3A_1150 : i32 to vector<16xi32>
    %min3A_1152 = arith.minsi %max3A_1149, %min3A_1151 : vector<16xi32>
    %swap3A_1153 = arith.constant 1808 : index
    %swap3A_1154 = tpu.vector_load %arg7[%swap3A_1153] {strides = array<i32>} : memref<3136xi32, #tpu.memory_space<vmem>>, vector<16xi32>,
    tpu.vector_store %arg7[%swap3A_1153], %min3A_1152 {strides = array<i32>} : memref<3136xi32, #tpu.memory_space<vmem>>, vector<16xi32>,
    %get3A_1155 = arith.constant 1824 : index
    %get3A_1156 = tpu.vector_load %arg7[%get3A_1155] {strides = array<i32>} : memref<3136xi32, #tpu.memory_space<vmem>>, vector<16xi32>,
    %max3A_1157 = arith.constant 0 : i32
    %max3A_1158 = vector.broadcast %max3A_1157 : i32 to vector<16xi32>
    %max3A_1159 = arith.maxsi %get3A_1156, %max3A_1158 : vector<16xi32>
    %min3A_1160 = arith.constant 511 : i32
    %min3A_1161 = vector.broadcast %min3A_1160 : i32 to vector<16xi32>
    %min3A_1162 = arith.minsi %max3A_1159, %min3A_1161 : vector<16xi32>
    %swap3A_1163 = arith.constant 1824 : index
    %swap3A_1164 = tpu.vector_load %arg7[%swap3A_1163] {strides = array<i32>} : memref<3136xi32, #tpu.memory_space<vmem>>, vector<16xi32>,
    tpu.vector_store %arg7[%swap3A_1163], %min3A_1162 {strides = array<i32>} : memref<3136xi32, #tpu.memory_space<vmem>>, vector<16xi32>,
    %get3A_1165 = arith.constant 1840 : index
    %get3A_1166 = tpu.vector_load %arg7[%get3A_1165] {strides = array<i32>} : memref<3136xi32, #tpu.memory_space<vmem>>, vector<16xi32>,
    %max3A_1167 = arith.constant 0 : i32
    %max3A_1168 = vector.broadcast %max3A_1167 : i32 to vector<16xi32>
    %max3A_1169 = arith.maxsi %get3A_1166, %max3A_1168 : vector<16xi32>
    %min3A_1170 = arith.constant 511 : i32
    %min3A_1171 = vector.broadcast %min3A_1170 : i32 to vector<16xi32>
    %min3A_1172 = arith.minsi %max3A_1169, %min3A_1171 : vector<16xi32>
    %swap3A_1173 = arith.constant 1840 : index
    %swap3A_1174 = tpu.vector_load %arg7[%swap3A_1173] {strides = array<i32>} : memref<3136xi32, #tpu.memory_space<vmem>>, vector<16xi32>,
    tpu.vector_store %arg7[%swap3A_1173], %min3A_1172 {strides = array<i32>} : memref<3136xi32, #tpu.memory_space<vmem>>, vector<16xi32>,
    %get3A_1175 = arith.constant 1856 : index
    %get3A_1176 = tpu.vector_load %arg7[%get3A_1175] {strides = array<i32>} : memref<3136xi32, #tpu.memory_space<vmem>>, vector<16xi32>,
    %max3A_1177 = arith.constant 0 : i32
    %max3A_1178 = vector.broadcast %max3A_1177 : i32 to vector<16xi32>
    %max3A_1179 = arith.maxsi %get3A_1176, %max3A_1178 : vector<16xi32>
    %min3A_1180 = arith.constant 511 : i32
    %min3A_1181 = vector.broadcast %min3A_1180 : i32 to vector<16xi32>
    %min3A_1182 = arith.minsi %max3A_1179, %min3A_1181 : vector<16xi32>
    %swap3A_1183 = arith.constant 1856 : index
    %swap3A_1184 = tpu.vector_load %arg7[%swap3A_1183] {strides = array<i32>} : memref<3136xi32, #tpu.memory_space<vmem>>, vector<16xi32>,
    tpu.vector_store %arg7[%swap3A_1183], %min3A_1182 {strides = array<i32>} : memref<3136xi32, #tpu.memory_space<vmem>>, vector<16xi32>,
    %get3A_1185 = arith.constant 1872 : index
    %get3A_1186 = tpu.vector_load %arg7[%get3A_1185] {strides = array<i32>} : memref<3136xi32, #tpu.memory_space<vmem>>, vector<16xi32>,
    %max3A_1187 = arith.constant 0 : i32
    %max3A_1188 = vector.broadcast %max3A_1187 : i32 to vector<16xi32>
    %max3A_1189 = arith.maxsi %get3A_1186, %max3A_1188 : vector<16xi32>
    %min3A_1190 = arith.constant 511 : i32
    %min3A_1191 = vector.broadcast %min3A_1190 : i32 to vector<16xi32>
    %min3A_1192 = arith.minsi %max3A_1189, %min3A_1191 : vector<16xi32>
    %swap3A_1193 = arith.constant 1872 : index
    %swap3A_1194 = tpu.vector_load %arg7[%swap3A_1193] {strides = array<i32>} : memref<3136xi32, #tpu.memory_space<vmem>>, vector<16xi32>,
    tpu.vector_store %arg7[%swap3A_1193], %min3A_1192 {strides = array<i32>} : memref<3136xi32, #tpu.memory_space<vmem>>, vector<16xi32>,
    %get3A_1195 = arith.constant 1888 : index
    %get3A_1196 = tpu.vector_load %arg7[%get3A_1195] {strides = array<i32>} : memref<3136xi32, #tpu.memory_space<vmem>>, vector<16xi32>,
    %max3A_1197 = arith.constant 0 : i32
    %max3A_1198 = vector.broadcast %max3A_1197 : i32 to vector<16xi32>
    %max3A_1199 = arith.maxsi %get3A_1196, %max3A_1198 : vector<16xi32>
    %min3A_1200 = arith.constant 511 : i32
    %min3A_1201 = vector.broadcast %min3A_1200 : i32 to vector<16xi32>
    %min3A_1202 = arith.minsi %max3A_1199, %min3A_1201 : vector<16xi32>
    %swap3A_1203 = arith.constant 1888 : index
    %swap3A_1204 = tpu.vector_load %arg7[%swap3A_1203] {strides = array<i32>} : memref<3136xi32, #tpu.memory_space<vmem>>, vector<16xi32>,
    tpu.vector_store %arg7[%swap3A_1203], %min3A_1202 {strides = array<i32>} : memref<3136xi32, #tpu.memory_space<vmem>>, vector<16xi32>,
    %get3A_1205 = arith.constant 1904 : index
    %get3A_1206 = tpu.vector_load %arg7[%get3A_1205] {strides = array<i32>} : memref<3136xi32, #tpu.memory_space<vmem>>, vector<16xi32>,
    %max3A_1207 = arith.constant 0 : i32
    %max3A_1208 = vector.broadcast %max3A_1207 : i32 to vector<16xi32>
    %max3A_1209 = arith.maxsi %get3A_1206, %max3A_1208 : vector<16xi32>
    %min3A_1210 = arith.constant 511 : i32
    %min3A_1211 = vector.broadcast %min3A_1210 : i32 to vector<16xi32>
    %min3A_1212 = arith.minsi %max3A_1209, %min3A_1211 : vector<16xi32>
    %swap3A_1213 = arith.constant 1904 : index
    %swap3A_1214 = tpu.vector_load %arg7[%swap3A_1213] {strides = array<i32>} : memref<3136xi32, #tpu.memory_space<vmem>>, vector<16xi32>,
    tpu.vector_store %arg7[%swap3A_1213], %min3A_1212 {strides = array<i32>} : memref<3136xi32, #tpu.memory_space<vmem>>, vector<16xi32>,
    %get3A_1215 = arith.constant 1920 : index
    %get3A_1216 = tpu.vector_load %arg7[%get3A_1215] {strides = array<i32>} : memref<3136xi32, #tpu.memory_space<vmem>>, vector<16xi32>,
    %max3A_1217 = arith.constant 0 : i32
    %max3A_1218 = vector.broadcast %max3A_1217 : i32 to vector<16xi32>
    %max3A_1219 = arith.maxsi %get3A_1216, %max3A_1218 : vector<16xi32>
    %min3A_1220 = arith.constant 511 : i32
    %min3A_1221 = vector.broadcast %min3A_1220 : i32 to vector<16xi32>
    %min3A_1222 = arith.minsi %max3A_1219, %min3A_1221 : vector<16xi32>
    %swap3A_1223 = arith.constant 1920 : index
    %swap3A_1224 = tpu.vector_load %arg7[%swap3A_1223] {strides = array<i32>} : memref<3136xi32, #tpu.memory_space<vmem>>, vector<16xi32>,
    tpu.vector_store %arg7[%swap3A_1223], %min3A_1222 {strides = array<i32>} : memref<3136xi32, #tpu.memory_space<vmem>>, vector<16xi32>,
    %get3A_1225 = arith.constant 1936 : index
    %get3A_1226 = tpu.vector_load %arg7[%get3A_1225] {strides = array<i32>} : memref<3136xi32, #tpu.memory_space<vmem>>, vector<16xi32>,
    %max3A_1227 = arith.constant 0 : i32
    %max3A_1228 = vector.broadcast %max3A_1227 : i32 to vector<16xi32>
    %max3A_1229 = arith.maxsi %get3A_1226, %max3A_1228 : vector<16xi32>
    %min3A_1230 = arith.constant 511 : i32
    %min3A_1231 = vector.broadcast %min3A_1230 : i32 to vector<16xi32>
    %min3A_1232 = arith.minsi %max3A_1229, %min3A_1231 : vector<16xi32>
    %swap3A_1233 = arith.constant 1936 : index
    %swap3A_1234 = tpu.vector_load %arg7[%swap3A_1233] {strides = array<i32>} : memref<3136xi32, #tpu.memory_space<vmem>>, vector<16xi32>,
    tpu.vector_store %arg7[%swap3A_1233], %min3A_1232 {strides = array<i32>} : memref<3136xi32, #tpu.memory_space<vmem>>, vector<16xi32>,
    %get3A_1235 = arith.constant 1952 : index
    %get3A_1236 = tpu.vector_load %arg7[%get3A_1235] {strides = array<i32>} : memref<3136xi32, #tpu.memory_space<vmem>>, vector<16xi32>,
    %max3A_1237 = arith.constant 0 : i32
    %max3A_1238 = vector.broadcast %max3A_1237 : i32 to vector<16xi32>
    %max3A_1239 = arith.maxsi %get3A_1236, %max3A_1238 : vector<16xi32>
    %min3A_1240 = arith.constant 511 : i32
    %min3A_1241 = vector.broadcast %min3A_1240 : i32 to vector<16xi32>
    %min3A_1242 = arith.minsi %max3A_1239, %min3A_1241 : vector<16xi32>
    %swap3A_1243 = arith.constant 1952 : index
    %swap3A_1244 = tpu.vector_load %arg7[%swap3A_1243] {strides = array<i32>} : memref<3136xi32, #tpu.memory_space<vmem>>, vector<16xi32>,
    tpu.vector_store %arg7[%swap3A_1243], %min3A_1242 {strides = array<i32>} : memref<3136xi32, #tpu.memory_space<vmem>>, vector<16xi32>,
    %get3A_1245 = arith.constant 1968 : index
    %get3A_1246 = tpu.vector_load %arg7[%get3A_1245] {strides = array<i32>} : memref<3136xi32, #tpu.memory_space<vmem>>, vector<16xi32>,
    %max3A_1247 = arith.constant 0 : i32
    %max3A_1248 = vector.broadcast %max3A_1247 : i32 to vector<16xi32>
    %max3A_1249 = arith.maxsi %get3A_1246, %max3A_1248 : vector<16xi32>
    %min3A_1250 = arith.constant 511 : i32
    %min3A_1251 = vector.broadcast %min3A_1250 : i32 to vector<16xi32>
    %min3A_1252 = arith.minsi %max3A_1249, %min3A_1251 : vector<16xi32>
    %swap3A_1253 = arith.constant 1968 : index
    %swap3A_1254 = tpu.vector_load %arg7[%swap3A_1253] {strides = array<i32>} : memref<3136xi32, #tpu.memory_space<vmem>>, vector<16xi32>,
    tpu.vector_store %arg7[%swap3A_1253], %min3A_1252 {strides = array<i32>} : memref<3136xi32, #tpu.memory_space<vmem>>, vector<16xi32>,
    %get3A_1255 = arith.constant 1984 : index
    %get3A_1256 = tpu.vector_load %arg7[%get3A_1255] {strides = array<i32>} : memref<3136xi32, #tpu.memory_space<vmem>>, vector<16xi32>,
    %max3A_1257 = arith.constant 0 : i32
    %max3A_1258 = vector.broadcast %max3A_1257 : i32 to vector<16xi32>
    %max3A_1259 = arith.maxsi %get3A_1256, %max3A_1258 : vector<16xi32>
    %min3A_1260 = arith.constant 511 : i32
    %min3A_1261 = vector.broadcast %min3A_1260 : i32 to vector<16xi32>
    %min3A_1262 = arith.minsi %max3A_1259, %min3A_1261 : vector<16xi32>
    %swap3A_1263 = arith.constant 1984 : index
    %swap3A_1264 = tpu.vector_load %arg7[%swap3A_1263] {strides = array<i32>} : memref<3136xi32, #tpu.memory_space<vmem>>, vector<16xi32>,
    tpu.vector_store %arg7[%swap3A_1263], %min3A_1262 {strides = array<i32>} : memref<3136xi32, #tpu.memory_space<vmem>>, vector<16xi32>,
    %get3A_1265 = arith.constant 2000 : index
    %get3A_1266 = tpu.vector_load %arg7[%get3A_1265] {strides = array<i32>} : memref<3136xi32, #tpu.memory_space<vmem>>, vector<16xi32>,
    %max3A_1267 = arith.constant 0 : i32
    %max3A_1268 = vector.broadcast %max3A_1267 : i32 to vector<16xi32>
    %max3A_1269 = arith.maxsi %get3A_1266, %max3A_1268 : vector<16xi32>
    %min3A_1270 = arith.constant 511 : i32
    %min3A_1271 = vector.broadcast %min3A_1270 : i32 to vector<16xi32>
    %min3A_1272 = arith.minsi %max3A_1269, %min3A_1271 : vector<16xi32>
    %swap3A_1273 = arith.constant 2000 : index
    %swap3A_1274 = tpu.vector_load %arg7[%swap3A_1273] {strides = array<i32>} : memref<3136xi32, #tpu.memory_space<vmem>>, vector<16xi32>,
    tpu.vector_store %arg7[%swap3A_1273], %min3A_1272 {strides = array<i32>} : memref<3136xi32, #tpu.memory_space<vmem>>, vector<16xi32>,
    %get3A_1275 = arith.constant 2016 : index
    %get3A_1276 = tpu.vector_load %arg7[%get3A_1275] {strides = array<i32>} : memref<3136xi32, #tpu.memory_space<vmem>>, vector<16xi32>,
    %max3A_1277 = arith.constant 0 : i32
    %max3A_1278 = vector.broadcast %max3A_1277 : i32 to vector<16xi32>
    %max3A_1279 = arith.maxsi %get3A_1276, %max3A_1278 : vector<16xi32>
    %min3A_1280 = arith.constant 511 : i32
    %min3A_1281 = vector.broadcast %min3A_1280 : i32 to vector<16xi32>
    %min3A_1282 = arith.minsi %max3A_1279, %min3A_1281 : vector<16xi32>
    %swap3A_1283 = arith.constant 2016 : index
    %swap3A_1284 = tpu.vector_load %arg7[%swap3A_1283] {strides = array<i32>} : memref<3136xi32, #tpu.memory_space<vmem>>, vector<16xi32>,
    tpu.vector_store %arg7[%swap3A_1283], %min3A_1282 {strides = array<i32>} : memref<3136xi32, #tpu.memory_space<vmem>>, vector<16xi32>,
    %get3A_1285 = arith.constant 2032 : index
    %get3A_1286 = tpu.vector_load %arg7[%get3A_1285] {strides = array<i32>} : memref<3136xi32, #tpu.memory_space<vmem>>, vector<16xi32>,
    %max3A_1287 = arith.constant 0 : i32
    %max3A_1288 = vector.broadcast %max3A_1287 : i32 to vector<16xi32>
    %max3A_1289 = arith.maxsi %get3A_1286, %max3A_1288 : vector<16xi32>
    %min3A_1290 = arith.constant 511 : i32
    %min3A_1291 = vector.broadcast %min3A_1290 : i32 to vector<16xi32>
    %min3A_1292 = arith.minsi %max3A_1289, %min3A_1291 : vector<16xi32>
    %swap3A_1293 = arith.constant 2032 : index
    %swap3A_1294 = tpu.vector_load %arg7[%swap3A_1293] {strides = array<i32>} : memref<3136xi32, #tpu.memory_space<vmem>>, vector<16xi32>,
    tpu.vector_store %arg7[%swap3A_1293], %min3A_1292 {strides = array<i32>} : memref<3136xi32, #tpu.memory_space<vmem>>, vector<16xi32>,
    %get3A_1295 = arith.constant 2048 : index
    %get3A_1296 = tpu.vector_load %arg7[%get3A_1295] {strides = array<i32>} : memref<3136xi32, #tpu.memory_space<vmem>>, vector<16xi32>,
    %max3A_1297 = arith.constant 0 : i32
    %max3A_1298 = vector.broadcast %max3A_1297 : i32 to vector<16xi32>
    %max3A_1299 = arith.maxsi %get3A_1296, %max3A_1298 : vector<16xi32>
    %min3A_1300 = arith.constant 511 : i32
    %min3A_1301 = vector.broadcast %min3A_1300 : i32 to vector<16xi32>
    %min3A_1302 = arith.minsi %max3A_1299, %min3A_1301 : vector<16xi32>
    %swap3A_1303 = arith.constant 2048 : index
    %swap3A_1304 = tpu.vector_load %arg7[%swap3A_1303] {strides = array<i32>} : memref<3136xi32, #tpu.memory_space<vmem>>, vector<16xi32>,
    tpu.vector_store %arg7[%swap3A_1303], %min3A_1302 {strides = array<i32>} : memref<3136xi32, #tpu.memory_space<vmem>>, vector<16xi32>,
    %get3A_1305 = arith.constant 2064 : index
    %get3A_1306 = tpu.vector_load %arg7[%get3A_1305] {strides = array<i32>} : memref<3136xi32, #tpu.memory_space<vmem>>, vector<16xi32>,
    %max3A_1307 = arith.constant 0 : i32
    %max3A_1308 = vector.broadcast %max3A_1307 : i32 to vector<16xi32>
    %max3A_1309 = arith.maxsi %get3A_1306, %max3A_1308 : vector<16xi32>
    %min3A_1310 = arith.constant 511 : i32
    %min3A_1311 = vector.broadcast %min3A_1310 : i32 to vector<16xi32>
    %min3A_1312 = arith.minsi %max3A_1309, %min3A_1311 : vector<16xi32>
    %swap3A_1313 = arith.constant 2064 : index
    %swap3A_1314 = tpu.vector_load %arg7[%swap3A_1313] {strides = array<i32>} : memref<3136xi32, #tpu.memory_space<vmem>>, vector<16xi32>,
    tpu.vector_store %arg7[%swap3A_1313], %min3A_1312 {strides = array<i32>} : memref<3136xi32, #tpu.memory_space<vmem>>, vector<16xi32>,
    %get3A_1315 = arith.constant 2080 : index
    %get3A_1316 = tpu.vector_load %arg7[%get3A_1315] {strides = array<i32>} : memref<3136xi32, #tpu.memory_space<vmem>>, vector<16xi32>,
    %max3A_1317 = arith.constant 0 : i32
    %max3A_1318 = vector.broadcast %max3A_1317 : i32 to vector<16xi32>
    %max3A_1319 = arith.maxsi %get3A_1316, %max3A_1318 : vector<16xi32>
    %min3A_1320 = arith.constant 511 : i32
    %min3A_1321 = vector.broadcast %min3A_1320 : i32 to vector<16xi32>
    %min3A_1322 = arith.minsi %max3A_1319, %min3A_1321 : vector<16xi32>
    %swap3A_1323 = arith.constant 2080 : index
    %swap3A_1324 = tpu.vector_load %arg7[%swap3A_1323] {strides = array<i32>} : memref<3136xi32, #tpu.memory_space<vmem>>, vector<16xi32>,
    tpu.vector_store %arg7[%swap3A_1323], %min3A_1322 {strides = array<i32>} : memref<3136xi32, #tpu.memory_space<vmem>>, vector<16xi32>,
    %get3A_1325 = arith.constant 2096 : index
    %get3A_1326 = tpu.vector_load %arg7[%get3A_1325] {strides = array<i32>} : memref<3136xi32, #tpu.memory_space<vmem>>, vector<16xi32>,
    %max3A_1327 = arith.constant 0 : i32
    %max3A_1328 = vector.broadcast %max3A_1327 : i32 to vector<16xi32>
    %max3A_1329 = arith.maxsi %get3A_1326, %max3A_1328 : vector<16xi32>
    %min3A_1330 = arith.constant 511 : i32
    %min3A_1331 = vector.broadcast %min3A_1330 : i32 to vector<16xi32>
    %min3A_1332 = arith.minsi %max3A_1329, %min3A_1331 : vector<16xi32>
    %swap3A_1333 = arith.constant 2096 : index
    %swap3A_1334 = tpu.vector_load %arg7[%swap3A_1333] {strides = array<i32>} : memref<3136xi32, #tpu.memory_space<vmem>>, vector<16xi32>,
    tpu.vector_store %arg7[%swap3A_1333], %min3A_1332 {strides = array<i32>} : memref<3136xi32, #tpu.memory_space<vmem>>, vector<16xi32>,
    %get3A_1335 = arith.constant 2112 : index
    %get3A_1336 = tpu.vector_load %arg7[%get3A_1335] {strides = array<i32>} : memref<3136xi32, #tpu.memory_space<vmem>>, vector<16xi32>,
    %max3A_1337 = arith.constant 0 : i32
    %max3A_1338 = vector.broadcast %max3A_1337 : i32 to vector<16xi32>
    %max3A_1339 = arith.maxsi %get3A_1336, %max3A_1338 : vector<16xi32>
    %min3A_1340 = arith.constant 511 : i32
    %min3A_1341 = vector.broadcast %min3A_1340 : i32 to vector<16xi32>
    %min3A_1342 = arith.minsi %max3A_1339, %min3A_1341 : vector<16xi32>
    %swap3A_1343 = arith.constant 2112 : index
    %swap3A_1344 = tpu.vector_load %arg7[%swap3A_1343] {strides = array<i32>} : memref<3136xi32, #tpu.memory_space<vmem>>, vector<16xi32>,
    tpu.vector_store %arg7[%swap3A_1343], %min3A_1342 {strides = array<i32>} : memref<3136xi32, #tpu.memory_space<vmem>>, vector<16xi32>,
    %get3A_1345 = arith.constant 2128 : index
    %get3A_1346 = tpu.vector_load %arg7[%get3A_1345] {strides = array<i32>} : memref<3136xi32, #tpu.memory_space<vmem>>, vector<16xi32>,
    %max3A_1347 = arith.constant 0 : i32
    %max3A_1348 = vector.broadcast %max3A_1347 : i32 to vector<16xi32>
    %max3A_1349 = arith.maxsi %get3A_1346, %max3A_1348 : vector<16xi32>
    %min3A_1350 = arith.constant 511 : i32
    %min3A_1351 = vector.broadcast %min3A_1350 : i32 to vector<16xi32>
    %min3A_1352 = arith.minsi %max3A_1349, %min3A_1351 : vector<16xi32>
    %swap3A_1353 = arith.constant 2128 : index
    %swap3A_1354 = tpu.vector_load %arg7[%swap3A_1353] {strides = array<i32>} : memref<3136xi32, #tpu.memory_space<vmem>>, vector<16xi32>,
    tpu.vector_store %arg7[%swap3A_1353], %min3A_1352 {strides = array<i32>} : memref<3136xi32, #tpu.memory_space<vmem>>, vector<16xi32>,
    %get3A_1355 = arith.constant 2144 : index
    %get3A_1356 = tpu.vector_load %arg7[%get3A_1355] {strides = array<i32>} : memref<3136xi32, #tpu.memory_space<vmem>>, vector<16xi32>,
    %max3A_1357 = arith.constant 0 : i32
    %max3A_1358 = vector.broadcast %max3A_1357 : i32 to vector<16xi32>
    %max3A_1359 = arith.maxsi %get3A_1356, %max3A_1358 : vector<16xi32>
    %min3A_1360 = arith.constant 511 : i32
    %min3A_1361 = vector.broadcast %min3A_1360 : i32 to vector<16xi32>
    %min3A_1362 = arith.minsi %max3A_1359, %min3A_1361 : vector<16xi32>
    %swap3A_1363 = arith.constant 2144 : index
    %swap3A_1364 = tpu.vector_load %arg7[%swap3A_1363] {strides = array<i32>} : memref<3136xi32, #tpu.memory_space<vmem>>, vector<16xi32>,
    tpu.vector_store %arg7[%swap3A_1363], %min3A_1362 {strides = array<i32>} : memref<3136xi32, #tpu.memory_space<vmem>>, vector<16xi32>,
    %get3A_1365 = arith.constant 2160 : index
    %get3A_1366 = tpu.vector_load %arg7[%get3A_1365] {strides = array<i32>} : memref<3136xi32, #tpu.memory_space<vmem>>, vector<16xi32>,
    %max3A_1367 = arith.constant 0 : i32
    %max3A_1368 = vector.broadcast %max3A_1367 : i32 to vector<16xi32>
    %max3A_1369 = arith.maxsi %get3A_1366, %max3A_1368 : vector<16xi32>
    %min3A_1370 = arith.constant 511 : i32
    %min3A_1371 = vector.broadcast %min3A_1370 : i32 to vector<16xi32>
    %min3A_1372 = arith.minsi %max3A_1369, %min3A_1371 : vector<16xi32>
    %swap3A_1373 = arith.constant 2160 : index
    %swap3A_1374 = tpu.vector_load %arg7[%swap3A_1373] {strides = array<i32>} : memref<3136xi32, #tpu.memory_space<vmem>>, vector<16xi32>,
    tpu.vector_store %arg7[%swap3A_1373], %min3A_1372 {strides = array<i32>} : memref<3136xi32, #tpu.memory_space<vmem>>, vector<16xi32>,
    %get3A_1375 = arith.constant 2176 : index
    %get3A_1376 = tpu.vector_load %arg7[%get3A_1375] {strides = array<i32>} : memref<3136xi32, #tpu.memory_space<vmem>>, vector<16xi32>,
    %max3A_1377 = arith.constant 0 : i32
    %max3A_1378 = vector.broadcast %max3A_1377 : i32 to vector<16xi32>
    %max3A_1379 = arith.maxsi %get3A_1376, %max3A_1378 : vector<16xi32>
    %min3A_1380 = arith.constant 511 : i32
    %min3A_1381 = vector.broadcast %min3A_1380 : i32 to vector<16xi32>
    %min3A_1382 = arith.minsi %max3A_1379, %min3A_1381 : vector<16xi32>
    %swap3A_1383 = arith.constant 2176 : index
    %swap3A_1384 = tpu.vector_load %arg7[%swap3A_1383] {strides = array<i32>} : memref<3136xi32, #tpu.memory_space<vmem>>, vector<16xi32>,
    tpu.vector_store %arg7[%swap3A_1383], %min3A_1382 {strides = array<i32>} : memref<3136xi32, #tpu.memory_space<vmem>>, vector<16xi32>,
    %get3A_1385 = arith.constant 2192 : index
    %get3A_1386 = tpu.vector_load %arg7[%get3A_1385] {strides = array<i32>} : memref<3136xi32, #tpu.memory_space<vmem>>, vector<16xi32>,
    %max3A_1387 = arith.constant 0 : i32
    %max3A_1388 = vector.broadcast %max3A_1387 : i32 to vector<16xi32>
    %max3A_1389 = arith.maxsi %get3A_1386, %max3A_1388 : vector<16xi32>
    %min3A_1390 = arith.constant 511 : i32
    %min3A_1391 = vector.broadcast %min3A_1390 : i32 to vector<16xi32>
    %min3A_1392 = arith.minsi %max3A_1389, %min3A_1391 : vector<16xi32>
    %swap3A_1393 = arith.constant 2192 : index
    %swap3A_1394 = tpu.vector_load %arg7[%swap3A_1393] {strides = array<i32>} : memref<3136xi32, #tpu.memory_space<vmem>>, vector<16xi32>,
    tpu.vector_store %arg7[%swap3A_1393], %min3A_1392 {strides = array<i32>} : memref<3136xi32, #tpu.memory_space<vmem>>, vector<16xi32>,
    %get3A_1395 = arith.constant 2208 : index
    %get3A_1396 = tpu.vector_load %arg7[%get3A_1395] {strides = array<i32>} : memref<3136xi32, #tpu.memory_space<vmem>>, vector<16xi32>,
    %max3A_1397 = arith.constant 0 : i32
    %max3A_1398 = vector.broadcast %max3A_1397 : i32 to vector<16xi32>
    %max3A_1399 = arith.maxsi %get3A_1396, %max3A_1398 : vector<16xi32>
    %min3A_1400 = arith.constant 511 : i32
    %min3A_1401 = vector.broadcast %min3A_1400 : i32 to vector<16xi32>
    %min3A_1402 = arith.minsi %max3A_1399, %min3A_1401 : vector<16xi32>
    %swap3A_1403 = arith.constant 2208 : index
    %swap3A_1404 = tpu.vector_load %arg7[%swap3A_1403] {strides = array<i32>} : memref<3136xi32, #tpu.memory_space<vmem>>, vector<16xi32>,
    tpu.vector_store %arg7[%swap3A_1403], %min3A_1402 {strides = array<i32>} : memref<3136xi32, #tpu.memory_space<vmem>>, vector<16xi32>,
    %get3A_1405 = arith.constant 2224 : index
    %get3A_1406 = tpu.vector_load %arg7[%get3A_1405] {strides = array<i32>} : memref<3136xi32, #tpu.memory_space<vmem>>, vector<16xi32>,
    %max3A_1407 = arith.constant 0 : i32
    %max3A_1408 = vector.broadcast %max3A_1407 : i32 to vector<16xi32>
    %max3A_1409 = arith.maxsi %get3A_1406, %max3A_1408 : vector<16xi32>
    %min3A_1410 = arith.constant 511 : i32
    %min3A_1411 = vector.broadcast %min3A_1410 : i32 to vector<16xi32>
    %min3A_1412 = arith.minsi %max3A_1409, %min3A_1411 : vector<16xi32>
    %swap3A_1413 = arith.constant 2224 : index
    %swap3A_1414 = tpu.vector_load %arg7[%swap3A_1413] {strides = array<i32>} : memref<3136xi32, #tpu.memory_space<vmem>>, vector<16xi32>,
    tpu.vector_store %arg7[%swap3A_1413], %min3A_1412 {strides = array<i32>} : memref<3136xi32, #tpu.memory_space<vmem>>, vector<16xi32>,
    %get3A_1415 = arith.constant 2240 : index
    %get3A_1416 = tpu.vector_load %arg7[%get3A_1415] {strides = array<i32>} : memref<3136xi32, #tpu.memory_space<vmem>>, vector<16xi32>,
    %max3A_1417 = arith.constant 0 : i32
    %max3A_1418 = vector.broadcast %max3A_1417 : i32 to vector<16xi32>
    %max3A_1419 = arith.maxsi %get3A_1416, %max3A_1418 : vector<16xi32>
    %min3A_1420 = arith.constant 511 : i32
    %min3A_1421 = vector.broadcast %min3A_1420 : i32 to vector<16xi32>
    %min3A_1422 = arith.minsi %max3A_1419, %min3A_1421 : vector<16xi32>
    %swap3A_1423 = arith.constant 2240 : index
    %swap3A_1424 = tpu.vector_load %arg7[%swap3A_1423] {strides = array<i32>} : memref<3136xi32, #tpu.memory_space<vmem>>, vector<16xi32>,
    tpu.vector_store %arg7[%swap3A_1423], %min3A_1422 {strides = array<i32>} : memref<3136xi32, #tpu.memory_space<vmem>>, vector<16xi32>,
    %get3A_1425 = arith.constant 2256 : index
    %get3A_1426 = tpu.vector_load %arg7[%get3A_1425] {strides = array<i32>} : memref<3136xi32, #tpu.memory_space<vmem>>, vector<16xi32>,
    %max3A_1427 = arith.constant 0 : i32
    %max3A_1428 = vector.broadcast %max3A_1427 : i32 to vector<16xi32>
    %max3A_1429 = arith.maxsi %get3A_1426, %max3A_1428 : vector<16xi32>
    %min3A_1430 = arith.constant 511 : i32
    %min3A_1431 = vector.broadcast %min3A_1430 : i32 to vector<16xi32>
    %min3A_1432 = arith.minsi %max3A_1429, %min3A_1431 : vector<16xi32>
    %swap3A_1433 = arith.constant 2256 : index
    %swap3A_1434 = tpu.vector_load %arg7[%swap3A_1433] {strides = array<i32>} : memref<3136xi32, #tpu.memory_space<vmem>>, vector<16xi32>,
    tpu.vector_store %arg7[%swap3A_1433], %min3A_1432 {strides = array<i32>} : memref<3136xi32, #tpu.memory_space<vmem>>, vector<16xi32>,
    %get3A_1435 = arith.constant 2272 : index
    %get3A_1436 = tpu.vector_load %arg7[%get3A_1435] {strides = array<i32>} : memref<3136xi32, #tpu.memory_space<vmem>>, vector<16xi32>,
    %max3A_1437 = arith.constant 0 : i32
    %max3A_1438 = vector.broadcast %max3A_1437 : i32 to vector<16xi32>
    %max3A_1439 = arith.maxsi %get3A_1436, %max3A_1438 : vector<16xi32>
    %min3A_1440 = arith.constant 511 : i32
    %min3A_1441 = vector.broadcast %min3A_1440 : i32 to vector<16xi32>
    %min3A_1442 = arith.minsi %max3A_1439, %min3A_1441 : vector<16xi32>
    %swap3A_1443 = arith.constant 2272 : index
    %swap3A_1444 = tpu.vector_load %arg7[%swap3A_1443] {strides = array<i32>} : memref<3136xi32, #tpu.memory_space<vmem>>, vector<16xi32>,
    tpu.vector_store %arg7[%swap3A_1443], %min3A_1442 {strides = array<i32>} : memref<3136xi32, #tpu.memory_space<vmem>>, vector<16xi32>,
    %get3A_1445 = arith.constant 2288 : index
    %get3A_1446 = tpu.vector_load %arg7[%get3A_1445] {strides = array<i32>} : memref<3136xi32, #tpu.memory_space<vmem>>, vector<16xi32>,
    %max3A_1447 = arith.constant 0 : i32
    %max3A_1448 = vector.broadcast %max3A_1447 : i32 to vector<16xi32>
    %max3A_1449 = arith.maxsi %get3A_1446, %max3A_1448 : vector<16xi32>
    %min3A_1450 = arith.constant 511 : i32
    %min3A_1451 = vector.broadcast %min3A_1450 : i32 to vector<16xi32>
    %min3A_1452 = arith.minsi %max3A_1449, %min3A_1451 : vector<16xi32>
    %swap3A_1453 = arith.constant 2288 : index
    %swap3A_1454 = tpu.vector_load %arg7[%swap3A_1453] {strides = array<i32>} : memref<3136xi32, #tpu.memory_space<vmem>>, vector<16xi32>,
    tpu.vector_store %arg7[%swap3A_1453], %min3A_1452 {strides = array<i32>} : memref<3136xi32, #tpu.memory_space<vmem>>, vector<16xi32>,
    %get3A_1455 = arith.constant 2304 : index
    %get3A_1456 = tpu.vector_load %arg7[%get3A_1455] {strides = array<i32>} : memref<3136xi32, #tpu.memory_space<vmem>>, vector<16xi32>,
    %max3A_1457 = arith.constant 0 : i32
    %max3A_1458 = vector.broadcast %max3A_1457 : i32 to vector<16xi32>
    %max3A_1459 = arith.maxsi %get3A_1456, %max3A_1458 : vector<16xi32>
    %min3A_1460 = arith.constant 511 : i32
    %min3A_1461 = vector.broadcast %min3A_1460 : i32 to vector<16xi32>
    %min3A_1462 = arith.minsi %max3A_1459, %min3A_1461 : vector<16xi32>
    %swap3A_1463 = arith.constant 2304 : index
    %swap3A_1464 = tpu.vector_load %arg7[%swap3A_1463] {strides = array<i32>} : memref<3136xi32, #tpu.memory_space<vmem>>, vector<16xi32>,
    tpu.vector_store %arg7[%swap3A_1463], %min3A_1462 {strides = array<i32>} : memref<3136xi32, #tpu.memory_space<vmem>>, vector<16xi32>,
    %get3A_1465 = arith.constant 2320 : index
    %get3A_1466 = tpu.vector_load %arg7[%get3A_1465] {strides = array<i32>} : memref<3136xi32, #tpu.memory_space<vmem>>, vector<16xi32>,
    %max3A_1467 = arith.constant 0 : i32
    %max3A_1468 = vector.broadcast %max3A_1467 : i32 to vector<16xi32>
    %max3A_1469 = arith.maxsi %get3A_1466, %max3A_1468 : vector<16xi32>
    %min3A_1470 = arith.constant 511 : i32
    %min3A_1471 = vector.broadcast %min3A_1470 : i32 to vector<16xi32>
    %min3A_1472 = arith.minsi %max3A_1469, %min3A_1471 : vector<16xi32>
    %swap3A_1473 = arith.constant 2320 : index
    %swap3A_1474 = tpu.vector_load %arg7[%swap3A_1473] {strides = array<i32>} : memref<3136xi32, #tpu.memory_space<vmem>>, vector<16xi32>,
    tpu.vector_store %arg7[%swap3A_1473], %min3A_1472 {strides = array<i32>} : memref<3136xi32, #tpu.memory_space<vmem>>, vector<16xi32>,
    %get3A_1475 = arith.constant 2336 : index
    %get3A_1476 = tpu.vector_load %arg7[%get3A_1475] {strides = array<i32>} : memref<3136xi32, #tpu.memory_space<vmem>>, vector<16xi32>,
    %max3A_1477 = arith.constant 0 : i32
    %max3A_1478 = vector.broadcast %max3A_1477 : i32 to vector<16xi32>
    %max3A_1479 = arith.maxsi %get3A_1476, %max3A_1478 : vector<16xi32>
    %min3A_1480 = arith.constant 511 : i32
    %min3A_1481 = vector.broadcast %min3A_1480 : i32 to vector<16xi32>
    %min3A_1482 = arith.minsi %max3A_1479, %min3A_1481 : vector<16xi32>
    %swap3A_1483 = arith.constant 2336 : index
    %swap3A_1484 = tpu.vector_load %arg7[%swap3A_1483] {strides = array<i32>} : memref<3136xi32, #tpu.memory_space<vmem>>, vector<16xi32>,
    tpu.vector_store %arg7[%swap3A_1483], %min3A_1482 {strides = array<i32>} : memref<3136xi32, #tpu.memory_space<vmem>>, vector<16xi32>,
    %get3A_1485 = arith.constant 2352 : index
    %get3A_1486 = tpu.vector_load %arg7[%get3A_1485] {strides = array<i32>} : memref<3136xi32, #tpu.memory_space<vmem>>, vector<16xi32>,
    %max3A_1487 = arith.constant 0 : i32
    %max3A_1488 = vector.broadcast %max3A_1487 : i32 to vector<16xi32>
    %max3A_1489 = arith.maxsi %get3A_1486, %max3A_1488 : vector<16xi32>
    %min3A_1490 = arith.constant 511 : i32
    %min3A_1491 = vector.broadcast %min3A_1490 : i32 to vector<16xi32>
    %min3A_1492 = arith.minsi %max3A_1489, %min3A_1491 : vector<16xi32>
    %swap3A_1493 = arith.constant 2352 : index
    %swap3A_1494 = tpu.vector_load %arg7[%swap3A_1493] {strides = array<i32>} : memref<3136xi32, #tpu.memory_space<vmem>>, vector<16xi32>,
    tpu.vector_store %arg7[%swap3A_1493], %min3A_1492 {strides = array<i32>} : memref<3136xi32, #tpu.memory_space<vmem>>, vector<16xi32>,
    %get3A_1495 = arith.constant 2368 : index
    %get3A_1496 = tpu.vector_load %arg7[%get3A_1495] {strides = array<i32>} : memref<3136xi32, #tpu.memory_space<vmem>>, vector<16xi32>,
    %max3A_1497 = arith.constant 0 : i32
    %max3A_1498 = vector.broadcast %max3A_1497 : i32 to vector<16xi32>
    %max3A_1499 = arith.maxsi %get3A_1496, %max3A_1498 : vector<16xi32>
    %min3A_1500 = arith.constant 511 : i32
    %min3A_1501 = vector.broadcast %min3A_1500 : i32 to vector<16xi32>
    %min3A_1502 = arith.minsi %max3A_1499, %min3A_1501 : vector<16xi32>
    %swap3A_1503 = arith.constant 2368 : index
    %swap3A_1504 = tpu.vector_load %arg7[%swap3A_1503] {strides = array<i32>} : memref<3136xi32, #tpu.memory_space<vmem>>, vector<16xi32>,
    tpu.vector_store %arg7[%swap3A_1503], %min3A_1502 {strides = array<i32>} : memref<3136xi32, #tpu.memory_space<vmem>>, vector<16xi32>,
    %get3A_1505 = arith.constant 2384 : index
    %get3A_1506 = tpu.vector_load %arg7[%get3A_1505] {strides = array<i32>} : memref<3136xi32, #tpu.memory_space<vmem>>, vector<16xi32>,
    %max3A_1507 = arith.constant 0 : i32
    %max3A_1508 = vector.broadcast %max3A_1507 : i32 to vector<16xi32>
    %max3A_1509 = arith.maxsi %get3A_1506, %max3A_1508 : vector<16xi32>
    %min3A_1510 = arith.constant 511 : i32
    %min3A_1511 = vector.broadcast %min3A_1510 : i32 to vector<16xi32>
    %min3A_1512 = arith.minsi %max3A_1509, %min3A_1511 : vector<16xi32>
    %swap3A_1513 = arith.constant 2384 : index
    %swap3A_1514 = tpu.vector_load %arg7[%swap3A_1513] {strides = array<i32>} : memref<3136xi32, #tpu.memory_space<vmem>>, vector<16xi32>,
    tpu.vector_store %arg7[%swap3A_1513], %min3A_1512 {strides = array<i32>} : memref<3136xi32, #tpu.memory_space<vmem>>, vector<16xi32>,
    %get3A_1515 = arith.constant 2400 : index
    %get3A_1516 = tpu.vector_load %arg7[%get3A_1515] {strides = array<i32>} : memref<3136xi32, #tpu.memory_space<vmem>>, vector<16xi32>,
    %max3A_1517 = arith.constant 0 : i32
    %max3A_1518 = vector.broadcast %max3A_1517 : i32 to vector<16xi32>
    %max3A_1519 = arith.maxsi %get3A_1516, %max3A_1518 : vector<16xi32>
    %min3A_1520 = arith.constant 511 : i32
    %min3A_1521 = vector.broadcast %min3A_1520 : i32 to vector<16xi32>
    %min3A_1522 = arith.minsi %max3A_1519, %min3A_1521 : vector<16xi32>
    %swap3A_1523 = arith.constant 2400 : index
    %swap3A_1524 = tpu.vector_load %arg7[%swap3A_1523] {strides = array<i32>} : memref<3136xi32, #tpu.memory_space<vmem>>, vector<16xi32>,
    tpu.vector_store %arg7[%swap3A_1523], %min3A_1522 {strides = array<i32>} : memref<3136xi32, #tpu.memory_space<vmem>>, vector<16xi32>,
    %get3A_1525 = arith.constant 2416 : index
    %get3A_1526 = tpu.vector_load %arg7[%get3A_1525] {strides = array<i32>} : memref<3136xi32, #tpu.memory_space<vmem>>, vector<16xi32>,
    %max3A_1527 = arith.constant 0 : i32
    %max3A_1528 = vector.broadcast %max3A_1527 : i32 to vector<16xi32>
    %max3A_1529 = arith.maxsi %get3A_1526, %max3A_1528 : vector<16xi32>
    %min3A_1530 = arith.constant 511 : i32
    %min3A_1531 = vector.broadcast %min3A_1530 : i32 to vector<16xi32>
    %min3A_1532 = arith.minsi %max3A_1529, %min3A_1531 : vector<16xi32>
    %swap3A_1533 = arith.constant 2416 : index
    %swap3A_1534 = tpu.vector_load %arg7[%swap3A_1533] {strides = array<i32>} : memref<3136xi32, #tpu.memory_space<vmem>>, vector<16xi32>,
    tpu.vector_store %arg7[%swap3A_1533], %min3A_1532 {strides = array<i32>} : memref<3136xi32, #tpu.memory_space<vmem>>, vector<16xi32>,
    %get3A_1535 = arith.constant 2432 : index
    %get3A_1536 = tpu.vector_load %arg7[%get3A_1535] {strides = array<i32>} : memref<3136xi32, #tpu.memory_space<vmem>>, vector<16xi32>,
    %max3A_1537 = arith.constant 0 : i32
    %max3A_1538 = vector.broadcast %max3A_1537 : i32 to vector<16xi32>
    %max3A_1539 = arith.maxsi %get3A_1536, %max3A_1538 : vector<16xi32>
    %min3A_1540 = arith.constant 511 : i32
    %min3A_1541 = vector.broadcast %min3A_1540 : i32 to vector<16xi32>
    %min3A_1542 = arith.minsi %max3A_1539, %min3A_1541 : vector<16xi32>
    %swap3A_1543 = arith.constant 2432 : index
    %swap3A_1544 = tpu.vector_load %arg7[%swap3A_1543] {strides = array<i32>} : memref<3136xi32, #tpu.memory_space<vmem>>, vector<16xi32>,
    tpu.vector_store %arg7[%swap3A_1543], %min3A_1542 {strides = array<i32>} : memref<3136xi32, #tpu.memory_space<vmem>>, vector<16xi32>,
    %get3A_1545 = arith.constant 2448 : index
    %get3A_1546 = tpu.vector_load %arg7[%get3A_1545] {strides = array<i32>} : memref<3136xi32, #tpu.memory_space<vmem>>, vector<16xi32>,
    %max3A_1547 = arith.constant 0 : i32
    %max3A_1548 = vector.broadcast %max3A_1547 : i32 to vector<16xi32>
    %max3A_1549 = arith.maxsi %get3A_1546, %max3A_1548 : vector<16xi32>
    %min3A_1550 = arith.constant 511 : i32
    %min3A_1551 = vector.broadcast %min3A_1550 : i32 to vector<16xi32>
    %min3A_1552 = arith.minsi %max3A_1549, %min3A_1551 : vector<16xi32>
    %swap3A_1553 = arith.constant 2448 : index
    %swap3A_1554 = tpu.vector_load %arg7[%swap3A_1553] {strides = array<i32>} : memref<3136xi32, #tpu.memory_space<vmem>>, vector<16xi32>,
    tpu.vector_store %arg7[%swap3A_1553], %min3A_1552 {strides = array<i32>} : memref<3136xi32, #tpu.memory_space<vmem>>, vector<16xi32>,
    %get3A_1555 = arith.constant 2464 : index
    %get3A_1556 = tpu.vector_load %arg7[%get3A_1555] {strides = array<i32>} : memref<3136xi32, #tpu.memory_space<vmem>>, vector<16xi32>,
    %max3A_1557 = arith.constant 0 : i32
    %max3A_1558 = vector.broadcast %max3A_1557 : i32 to vector<16xi32>
    %max3A_1559 = arith.maxsi %get3A_1556, %max3A_1558 : vector<16xi32>
    %min3A_1560 = arith.constant 511 : i32
    %min3A_1561 = vector.broadcast %min3A_1560 : i32 to vector<16xi32>
    %min3A_1562 = arith.minsi %max3A_1559, %min3A_1561 : vector<16xi32>
    %swap3A_1563 = arith.constant 2464 : index
    %swap3A_1564 = tpu.vector_load %arg7[%swap3A_1563] {strides = array<i32>} : memref<3136xi32, #tpu.memory_space<vmem>>, vector<16xi32>,
    tpu.vector_store %arg7[%swap3A_1563], %min3A_1562 {strides = array<i32>} : memref<3136xi32, #tpu.memory_space<vmem>>, vector<16xi32>,
    %get3A_1565 = arith.constant 2480 : index
    %get3A_1566 = tpu.vector_load %arg7[%get3A_1565] {strides = array<i32>} : memref<3136xi32, #tpu.memory_space<vmem>>, vector<16xi32>,
    %max3A_1567 = arith.constant 0 : i32
    %max3A_1568 = vector.broadcast %max3A_1567 : i32 to vector<16xi32>
    %max3A_1569 = arith.maxsi %get3A_1566, %max3A_1568 : vector<16xi32>
    %min3A_1570 = arith.constant 511 : i32
    %min3A_1571 = vector.broadcast %min3A_1570 : i32 to vector<16xi32>
    %min3A_1572 = arith.minsi %max3A_1569, %min3A_1571 : vector<16xi32>
    %swap3A_1573 = arith.constant 2480 : index
    %swap3A_1574 = tpu.vector_load %arg7[%swap3A_1573] {strides = array<i32>} : memref<3136xi32, #tpu.memory_space<vmem>>, vector<16xi32>,
    tpu.vector_store %arg7[%swap3A_1573], %min3A_1572 {strides = array<i32>} : memref<3136xi32, #tpu.memory_space<vmem>>, vector<16xi32>,
    %get3A_1575 = arith.constant 2496 : index
    %get3A_1576 = tpu.vector_load %arg7[%get3A_1575] {strides = array<i32>} : memref<3136xi32, #tpu.memory_space<vmem>>, vector<16xi32>,
    %max3A_1577 = arith.constant 0 : i32
    %max3A_1578 = vector.broadcast %max3A_1577 : i32 to vector<16xi32>
    %max3A_1579 = arith.maxsi %get3A_1576, %max3A_1578 : vector<16xi32>
    %min3A_1580 = arith.constant 511 : i32
    %min3A_1581 = vector.broadcast %min3A_1580 : i32 to vector<16xi32>
    %min3A_1582 = arith.minsi %max3A_1579, %min3A_1581 : vector<16xi32>
    %swap3A_1583 = arith.constant 2496 : index
    %swap3A_1584 = tpu.vector_load %arg7[%swap3A_1583] {strides = array<i32>} : memref<3136xi32, #tpu.memory_space<vmem>>, vector<16xi32>,
    tpu.vector_store %arg7[%swap3A_1583], %min3A_1582 {strides = array<i32>} : memref<3136xi32, #tpu.memory_space<vmem>>, vector<16xi32>,
    %get3A_1585 = arith.constant 2512 : index
    %get3A_1586 = tpu.vector_load %arg7[%get3A_1585] {strides = array<i32>} : memref<3136xi32, #tpu.memory_space<vmem>>, vector<16xi32>,
    %max3A_1587 = arith.constant 0 : i32
    %max3A_1588 = vector.broadcast %max3A_1587 : i32 to vector<16xi32>
    %max3A_1589 = arith.maxsi %get3A_1586, %max3A_1588 : vector<16xi32>
    %min3A_1590 = arith.constant 511 : i32
    %min3A_1591 = vector.broadcast %min3A_1590 : i32 to vector<16xi32>
    %min3A_1592 = arith.minsi %max3A_1589, %min3A_1591 : vector<16xi32>
    %swap3A_1593 = arith.constant 2512 : index
    %swap3A_1594 = tpu.vector_load %arg7[%swap3A_1593] {strides = array<i32>} : memref<3136xi32, #tpu.memory_space<vmem>>, vector<16xi32>,
    tpu.vector_store %arg7[%swap3A_1593], %min3A_1592 {strides = array<i32>} : memref<3136xi32, #tpu.memory_space<vmem>>, vector<16xi32>,
    %get3A_1595 = arith.constant 2528 : index
    %get3A_1596 = tpu.vector_load %arg7[%get3A_1595] {strides = array<i32>} : memref<3136xi32, #tpu.memory_space<vmem>>, vector<16xi32>,
    %max3A_1597 = arith.constant 0 : i32
    %max3A_1598 = vector.broadcast %max3A_1597 : i32 to vector<16xi32>
    %max3A_1599 = arith.maxsi %get3A_1596, %max3A_1598 : vector<16xi32>
    %min3A_1600 = arith.constant 511 : i32
    %min3A_1601 = vector.broadcast %min3A_1600 : i32 to vector<16xi32>
    %min3A_1602 = arith.minsi %max3A_1599, %min3A_1601 : vector<16xi32>
    %swap3A_1603 = arith.constant 2528 : index
    %swap3A_1604 = tpu.vector_load %arg7[%swap3A_1603] {strides = array<i32>} : memref<3136xi32, #tpu.memory_space<vmem>>, vector<16xi32>,
    tpu.vector_store %arg7[%swap3A_1603], %min3A_1602 {strides = array<i32>} : memref<3136xi32, #tpu.memory_space<vmem>>, vector<16xi32>,
    %get3A_1605 = arith.constant 2544 : index
    %get3A_1606 = tpu.vector_load %arg7[%get3A_1605] {strides = array<i32>} : memref<3136xi32, #tpu.memory_space<vmem>>, vector<16xi32>,
    %max3A_1607 = arith.constant 0 : i32
    %max3A_1608 = vector.broadcast %max3A_1607 : i32 to vector<16xi32>
    %max3A_1609 = arith.maxsi %get3A_1606, %max3A_1608 : vector<16xi32>
    %min3A_1610 = arith.constant 511 : i32
    %min3A_1611 = vector.broadcast %min3A_1610 : i32 to vector<16xi32>
    %min3A_1612 = arith.minsi %max3A_1609, %min3A_1611 : vector<16xi32>
    %swap3A_1613 = arith.constant 2544 : index
    %swap3A_1614 = tpu.vector_load %arg7[%swap3A_1613] {strides = array<i32>} : memref<3136xi32, #tpu.memory_space<vmem>>, vector<16xi32>,
    tpu.vector_store %arg7[%swap3A_1613], %min3A_1612 {strides = array<i32>} : memref<3136xi32, #tpu.memory_space<vmem>>, vector<16xi32>,
    %get3A_1615 = arith.constant 2560 : index
    %get3A_1616 = tpu.vector_load %arg7[%get3A_1615] {strides = array<i32>} : memref<3136xi32, #tpu.memory_space<vmem>>, vector<16xi32>,
    %max3A_1617 = arith.constant 0 : i32
    %max3A_1618 = vector.broadcast %max3A_1617 : i32 to vector<16xi32>
    %max3A_1619 = arith.maxsi %get3A_1616, %max3A_1618 : vector<16xi32>
    %min3A_1620 = arith.constant 511 : i32
    %min3A_1621 = vector.broadcast %min3A_1620 : i32 to vector<16xi32>
    %min3A_1622 = arith.minsi %max3A_1619, %min3A_1621 : vector<16xi32>
    %swap3A_1623 = arith.constant 2560 : index
    %swap3A_1624 = tpu.vector_load %arg7[%swap3A_1623] {strides = array<i32>} : memref<3136xi32, #tpu.memory_space<vmem>>, vector<16xi32>,
    tpu.vector_store %arg7[%swap3A_1623], %min3A_1622 {strides = array<i32>} : memref<3136xi32, #tpu.memory_space<vmem>>, vector<16xi32>,
    %get3A_1625 = arith.constant 2576 : index
    %get3A_1626 = tpu.vector_load %arg7[%get3A_1625] {strides = array<i32>} : memref<3136xi32, #tpu.memory_space<vmem>>, vector<16xi32>,
    %max3A_1627 = arith.constant 0 : i32
    %max3A_1628 = vector.broadcast %max3A_1627 : i32 to vector<16xi32>
    %max3A_1629 = arith.maxsi %get3A_1626, %max3A_1628 : vector<16xi32>
    %min3A_1630 = arith.constant 511 : i32
    %min3A_1631 = vector.broadcast %min3A_1630 : i32 to vector<16xi32>
    %min3A_1632 = arith.minsi %max3A_1629, %min3A_1631 : vector<16xi32>
    %swap3A_1633 = arith.constant 2576 : index
    %swap3A_1634 = tpu.vector_load %arg7[%swap3A_1633] {strides = array<i32>} : memref<3136xi32, #tpu.memory_space<vmem>>, vector<16xi32>,
    tpu.vector_store %arg7[%swap3A_1633], %min3A_1632 {strides = array<i32>} : memref<3136xi32, #tpu.memory_space<vmem>>, vector<16xi32>,
    %get3A_1635 = arith.constant 2592 : index
    %get3A_1636 = tpu.vector_load %arg7[%get3A_1635] {strides = array<i32>} : memref<3136xi32, #tpu.memory_space<vmem>>, vector<16xi32>,
    %max3A_1637 = arith.constant 0 : i32
    %max3A_1638 = vector.broadcast %max3A_1637 : i32 to vector<16xi32>
    %max3A_1639 = arith.maxsi %get3A_1636, %max3A_1638 : vector<16xi32>
    %min3A_1640 = arith.constant 511 : i32
    %min3A_1641 = vector.broadcast %min3A_1640 : i32 to vector<16xi32>
    %min3A_1642 = arith.minsi %max3A_1639, %min3A_1641 : vector<16xi32>
    %swap3A_1643 = arith.constant 2592 : index
    %swap3A_1644 = tpu.vector_load %arg7[%swap3A_1643] {strides = array<i32>} : memref<3136xi32, #tpu.memory_space<vmem>>, vector<16xi32>,
    tpu.vector_store %arg7[%swap3A_1643], %min3A_1642 {strides = array<i32>} : memref<3136xi32, #tpu.memory_space<vmem>>, vector<16xi32>,
    %get3A_1645 = arith.constant 2608 : index
    %get3A_1646 = tpu.vector_load %arg7[%get3A_1645] {strides = array<i32>} : memref<3136xi32, #tpu.memory_space<vmem>>, vector<16xi32>,
    %max3A_1647 = arith.constant 0 : i32
    %max3A_1648 = vector.broadcast %max3A_1647 : i32 to vector<16xi32>
    %max3A_1649 = arith.maxsi %get3A_1646, %max3A_1648 : vector<16xi32>
    %min3A_1650 = arith.constant 511 : i32
    %min3A_1651 = vector.broadcast %min3A_1650 : i32 to vector<16xi32>
    %min3A_1652 = arith.minsi %max3A_1649, %min3A_1651 : vector<16xi32>
    %swap3A_1653 = arith.constant 2608 : index
    %swap3A_1654 = tpu.vector_load %arg7[%swap3A_1653] {strides = array<i32>} : memref<3136xi32, #tpu.memory_space<vmem>>, vector<16xi32>,
    tpu.vector_store %arg7[%swap3A_1653], %min3A_1652 {strides = array<i32>} : memref<3136xi32, #tpu.memory_space<vmem>>, vector<16xi32>,
    %get3A_1655 = arith.constant 2624 : index
    %get3A_1656 = tpu.vector_load %arg7[%get3A_1655] {strides = array<i32>} : memref<3136xi32, #tpu.memory_space<vmem>>, vector<16xi32>,
    %max3A_1657 = arith.constant 0 : i32
    %max3A_1658 = vector.broadcast %max3A_1657 : i32 to vector<16xi32>
    %max3A_1659 = arith.maxsi %get3A_1656, %max3A_1658 : vector<16xi32>
    %min3A_1660 = arith.constant 511 : i32
    %min3A_1661 = vector.broadcast %min3A_1660 : i32 to vector<16xi32>
    %min3A_1662 = arith.minsi %max3A_1659, %min3A_1661 : vector<16xi32>
    %swap3A_1663 = arith.constant 2624 : index
    %swap3A_1664 = tpu.vector_load %arg7[%swap3A_1663] {strides = array<i32>} : memref<3136xi32, #tpu.memory_space<vmem>>, vector<16xi32>,
    tpu.vector_store %arg7[%swap3A_1663], %min3A_1662 {strides = array<i32>} : memref<3136xi32, #tpu.memory_space<vmem>>, vector<16xi32>,
    %get3A_1665 = arith.constant 2640 : index
    %get3A_1666 = tpu.vector_load %arg7[%get3A_1665] {strides = array<i32>} : memref<3136xi32, #tpu.memory_space<vmem>>, vector<16xi32>,
    %max3A_1667 = arith.constant 0 : i32
    %max3A_1668 = vector.broadcast %max3A_1667 : i32 to vector<16xi32>
    %max3A_1669 = arith.maxsi %get3A_1666, %max3A_1668 : vector<16xi32>
    %min3A_1670 = arith.constant 511 : i32
    %min3A_1671 = vector.broadcast %min3A_1670 : i32 to vector<16xi32>
    %min3A_1672 = arith.minsi %max3A_1669, %min3A_1671 : vector<16xi32>
    %swap3A_1673 = arith.constant 2640 : index
    %swap3A_1674 = tpu.vector_load %arg7[%swap3A_1673] {strides = array<i32>} : memref<3136xi32, #tpu.memory_space<vmem>>, vector<16xi32>,
    tpu.vector_store %arg7[%swap3A_1673], %min3A_1672 {strides = array<i32>} : memref<3136xi32, #tpu.memory_space<vmem>>, vector<16xi32>,
    %get3A_1675 = arith.constant 2656 : index
    %get3A_1676 = tpu.vector_load %arg7[%get3A_1675] {strides = array<i32>} : memref<3136xi32, #tpu.memory_space<vmem>>, vector<16xi32>,
    %max3A_1677 = arith.constant 0 : i32
    %max3A_1678 = vector.broadcast %max3A_1677 : i32 to vector<16xi32>
    %max3A_1679 = arith.maxsi %get3A_1676, %max3A_1678 : vector<16xi32>
    %min3A_1680 = arith.constant 511 : i32
    %min3A_1681 = vector.broadcast %min3A_1680 : i32 to vector<16xi32>
    %min3A_1682 = arith.minsi %max3A_1679, %min3A_1681 : vector<16xi32>
    %swap3A_1683 = arith.constant 2656 : index
    %swap3A_1684 = tpu.vector_load %arg7[%swap3A_1683] {strides = array<i32>} : memref<3136xi32, #tpu.memory_space<vmem>>, vector<16xi32>,
    tpu.vector_store %arg7[%swap3A_1683], %min3A_1682 {strides = array<i32>} : memref<3136xi32, #tpu.memory_space<vmem>>, vector<16xi32>,
    %get3A_1685 = arith.constant 2672 : index
    %get3A_1686 = tpu.vector_load %arg7[%get3A_1685] {strides = array<i32>} : memref<3136xi32, #tpu.memory_space<vmem>>, vector<16xi32>,
    %max3A_1687 = arith.constant 0 : i32
    %max3A_1688 = vector.broadcast %max3A_1687 : i32 to vector<16xi32>
    %max3A_1689 = arith.maxsi %get3A_1686, %max3A_1688 : vector<16xi32>
    %min3A_1690 = arith.constant 511 : i32
    %min3A_1691 = vector.broadcast %min3A_1690 : i32 to vector<16xi32>
    %min3A_1692 = arith.minsi %max3A_1689, %min3A_1691 : vector<16xi32>
    %swap3A_1693 = arith.constant 2672 : index
    %swap3A_1694 = tpu.vector_load %arg7[%swap3A_1693] {strides = array<i32>} : memref<3136xi32, #tpu.memory_space<vmem>>, vector<16xi32>,
    tpu.vector_store %arg7[%swap3A_1693], %min3A_1692 {strides = array<i32>} : memref<3136xi32, #tpu.memory_space<vmem>>, vector<16xi32>,
    %get3A_1695 = arith.constant 2688 : index
    %get3A_1696 = tpu.vector_load %arg7[%get3A_1695] {strides = array<i32>} : memref<3136xi32, #tpu.memory_space<vmem>>, vector<16xi32>,
    %max3A_1697 = arith.constant 0 : i32
    %max3A_1698 = vector.broadcast %max3A_1697 : i32 to vector<16xi32>
    %max3A_1699 = arith.maxsi %get3A_1696, %max3A_1698 : vector<16xi32>
    %min3A_1700 = arith.constant 511 : i32
    %min3A_1701 = vector.broadcast %min3A_1700 : i32 to vector<16xi32>
    %min3A_1702 = arith.minsi %max3A_1699, %min3A_1701 : vector<16xi32>
    %swap3A_1703 = arith.constant 2688 : index
    %swap3A_1704 = tpu.vector_load %arg7[%swap3A_1703] {strides = array<i32>} : memref<3136xi32, #tpu.memory_space<vmem>>, vector<16xi32>,
    tpu.vector_store %arg7[%swap3A_1703], %min3A_1702 {strides = array<i32>} : memref<3136xi32, #tpu.memory_space<vmem>>, vector<16xi32>,
    %get3A_1705 = arith.constant 2704 : index
    %get3A_1706 = tpu.vector_load %arg7[%get3A_1705] {strides = array<i32>} : memref<3136xi32, #tpu.memory_space<vmem>>, vector<16xi32>,
    %max3A_1707 = arith.constant 0 : i32
    %max3A_1708 = vector.broadcast %max3A_1707 : i32 to vector<16xi32>
    %max3A_1709 = arith.maxsi %get3A_1706, %max3A_1708 : vector<16xi32>
    %min3A_1710 = arith.constant 511 : i32
    %min3A_1711 = vector.broadcast %min3A_1710 : i32 to vector<16xi32>
    %min3A_1712 = arith.minsi %max3A_1709, %min3A_1711 : vector<16xi32>
    %swap3A_1713 = arith.constant 2704 : index
    %swap3A_1714 = tpu.vector_load %arg7[%swap3A_1713] {strides = array<i32>} : memref<3136xi32, #tpu.memory_space<vmem>>, vector<16xi32>,
    tpu.vector_store %arg7[%swap3A_1713], %min3A_1712 {strides = array<i32>} : memref<3136xi32, #tpu.memory_space<vmem>>, vector<16xi32>,
    %get3A_1715 = arith.constant 2720 : index
    %get3A_1716 = tpu.vector_load %arg7[%get3A_1715] {strides = array<i32>} : memref<3136xi32, #tpu.memory_space<vmem>>, vector<16xi32>,
    %max3A_1717 = arith.constant 0 : i32
    %max3A_1718 = vector.broadcast %max3A_1717 : i32 to vector<16xi32>
    %max3A_1719 = arith.maxsi %get3A_1716, %max3A_1718 : vector<16xi32>
    %min3A_1720 = arith.constant 511 : i32
    %min3A_1721 = vector.broadcast %min3A_1720 : i32 to vector<16xi32>
    %min3A_1722 = arith.minsi %max3A_1719, %min3A_1721 : vector<16xi32>
    %swap3A_1723 = arith.constant 2720 : index
    %swap3A_1724 = tpu.vector_load %arg7[%swap3A_1723] {strides = array<i32>} : memref<3136xi32, #tpu.memory_space<vmem>>, vector<16xi32>,
    tpu.vector_store %arg7[%swap3A_1723], %min3A_1722 {strides = array<i32>} : memref<3136xi32, #tpu.memory_space<vmem>>, vector<16xi32>,
    %get3A_1725 = arith.constant 2736 : index
    %get3A_1726 = tpu.vector_load %arg7[%get3A_1725] {strides = array<i32>} : memref<3136xi32, #tpu.memory_space<vmem>>, vector<16xi32>,
    %max3A_1727 = arith.constant 0 : i32
    %max3A_1728 = vector.broadcast %max3A_1727 : i32 to vector<16xi32>
    %max3A_1729 = arith.maxsi %get3A_1726, %max3A_1728 : vector<16xi32>
    %min3A_1730 = arith.constant 511 : i32
    %min3A_1731 = vector.broadcast %min3A_1730 : i32 to vector<16xi32>
    %min3A_1732 = arith.minsi %max3A_1729, %min3A_1731 : vector<16xi32>
    %swap3A_1733 = arith.constant 2736 : index
    %swap3A_1734 = tpu.vector_load %arg7[%swap3A_1733] {strides = array<i32>} : memref<3136xi32, #tpu.memory_space<vmem>>, vector<16xi32>,
    tpu.vector_store %arg7[%swap3A_1733], %min3A_1732 {strides = array<i32>} : memref<3136xi32, #tpu.memory_space<vmem>>, vector<16xi32>,
    %get3A_1735 = arith.constant 2752 : index
    %get3A_1736 = tpu.vector_load %arg7[%get3A_1735] {strides = array<i32>} : memref<3136xi32, #tpu.memory_space<vmem>>, vector<16xi32>,
    %max3A_1737 = arith.constant 0 : i32
    %max3A_1738 = vector.broadcast %max3A_1737 : i32 to vector<16xi32>
    %max3A_1739 = arith.maxsi %get3A_1736, %max3A_1738 : vector<16xi32>
    %min3A_1740 = arith.constant 511 : i32
    %min3A_1741 = vector.broadcast %min3A_1740 : i32 to vector<16xi32>
    %min3A_1742 = arith.minsi %max3A_1739, %min3A_1741 : vector<16xi32>
    %swap3A_1743 = arith.constant 2752 : index
    %swap3A_1744 = tpu.vector_load %arg7[%swap3A_1743] {strides = array<i32>} : memref<3136xi32, #tpu.memory_space<vmem>>, vector<16xi32>,
    tpu.vector_store %arg7[%swap3A_1743], %min3A_1742 {strides = array<i32>} : memref<3136xi32, #tpu.memory_space<vmem>>, vector<16xi32>,
    %get3A_1745 = arith.constant 2768 : index
    %get3A_1746 = tpu.vector_load %arg7[%get3A_1745] {strides = array<i32>} : memref<3136xi32, #tpu.memory_space<vmem>>, vector<16xi32>,
    %max3A_1747 = arith.constant 0 : i32
    %max3A_1748 = vector.broadcast %max3A_1747 : i32 to vector<16xi32>
    %max3A_1749 = arith.maxsi %get3A_1746, %max3A_1748 : vector<16xi32>
    %min3A_1750 = arith.constant 511 : i32
    %min3A_1751 = vector.broadcast %min3A_1750 : i32 to vector<16xi32>
    %min3A_1752 = arith.minsi %max3A_1749, %min3A_1751 : vector<16xi32>
    %swap3A_1753 = arith.constant 2768 : index
    %swap3A_1754 = tpu.vector_load %arg7[%swap3A_1753] {strides = array<i32>} : memref<3136xi32, #tpu.memory_space<vmem>>, vector<16xi32>,
    tpu.vector_store %arg7[%swap3A_1753], %min3A_1752 {strides = array<i32>} : memref<3136xi32, #tpu.memory_space<vmem>>, vector<16xi32>,
    %get3A_1755 = arith.constant 2784 : index
    %get3A_1756 = tpu.vector_load %arg7[%get3A_1755] {strides = array<i32>} : memref<3136xi32, #tpu.memory_space<vmem>>, vector<16xi32>,
    %max3A_1757 = arith.constant 0 : i32
    %max3A_1758 = vector.broadcast %max3A_1757 : i32 to vector<16xi32>
    %max3A_1759 = arith.maxsi %get3A_1756, %max3A_1758 : vector<16xi32>
    %min3A_1760 = arith.constant 511 : i32
    %min3A_1761 = vector.broadcast %min3A_1760 : i32 to vector<16xi32>
    %min3A_1762 = arith.minsi %max3A_1759, %min3A_1761 : vector<16xi32>
    %swap3A_1763 = arith.constant 2784 : index
    %swap3A_1764 = tpu.vector_load %arg7[%swap3A_1763] {strides = array<i32>} : memref<3136xi32, #tpu.memory_space<vmem>>, vector<16xi32>,
    tpu.vector_store %arg7[%swap3A_1763], %min3A_1762 {strides = array<i32>} : memref<3136xi32, #tpu.memory_space<vmem>>, vector<16xi32>,
    %get3A_1765 = arith.constant 2800 : index
    %get3A_1766 = tpu.vector_load %arg7[%get3A_1765] {strides = array<i32>} : memref<3136xi32, #tpu.memory_space<vmem>>, vector<16xi32>,
    %max3A_1767 = arith.constant 0 : i32
    %max3A_1768 = vector.broadcast %max3A_1767 : i32 to vector<16xi32>
    %max3A_1769 = arith.maxsi %get3A_1766, %max3A_1768 : vector<16xi32>
    %min3A_1770 = arith.constant 511 : i32
    %min3A_1771 = vector.broadcast %min3A_1770 : i32 to vector<16xi32>
    %min3A_1772 = arith.minsi %max3A_1769, %min3A_1771 : vector<16xi32>
    %swap3A_1773 = arith.constant 2800 : index
    %swap3A_1774 = tpu.vector_load %arg7[%swap3A_1773] {strides = array<i32>} : memref<3136xi32, #tpu.memory_space<vmem>>, vector<16xi32>,
    tpu.vector_store %arg7[%swap3A_1773], %min3A_1772 {strides = array<i32>} : memref<3136xi32, #tpu.memory_space<vmem>>, vector<16xi32>,
    %get3A_1775 = arith.constant 2816 : index
    %get3A_1776 = tpu.vector_load %arg7[%get3A_1775] {strides = array<i32>} : memref<3136xi32, #tpu.memory_space<vmem>>, vector<16xi32>,
    %max3A_1777 = arith.constant 0 : i32
    %max3A_1778 = vector.broadcast %max3A_1777 : i32 to vector<16xi32>
    %max3A_1779 = arith.maxsi %get3A_1776, %max3A_1778 : vector<16xi32>
    %min3A_1780 = arith.constant 511 : i32
    %min3A_1781 = vector.broadcast %min3A_1780 : i32 to vector<16xi32>
    %min3A_1782 = arith.minsi %max3A_1779, %min3A_1781 : vector<16xi32>
    %swap3A_1783 = arith.constant 2816 : index
    %swap3A_1784 = tpu.vector_load %arg7[%swap3A_1783] {strides = array<i32>} : memref<3136xi32, #tpu.memory_space<vmem>>, vector<16xi32>,
    tpu.vector_store %arg7[%swap3A_1783], %min3A_1782 {strides = array<i32>} : memref<3136xi32, #tpu.memory_space<vmem>>, vector<16xi32>,
    %get3A_1785 = arith.constant 2832 : index
    %get3A_1786 = tpu.vector_load %arg7[%get3A_1785] {strides = array<i32>} : memref<3136xi32, #tpu.memory_space<vmem>>, vector<16xi32>,
    %max3A_1787 = arith.constant 0 : i32
    %max3A_1788 = vector.broadcast %max3A_1787 : i32 to vector<16xi32>
    %max3A_1789 = arith.maxsi %get3A_1786, %max3A_1788 : vector<16xi32>
    %min3A_1790 = arith.constant 511 : i32
    %min3A_1791 = vector.broadcast %min3A_1790 : i32 to vector<16xi32>
    %min3A_1792 = arith.minsi %max3A_1789, %min3A_1791 : vector<16xi32>
    %swap3A_1793 = arith.constant 2832 : index
    %swap3A_1794 = tpu.vector_load %arg7[%swap3A_1793] {strides = array<i32>} : memref<3136xi32, #tpu.memory_space<vmem>>, vector<16xi32>,
    tpu.vector_store %arg7[%swap3A_1793], %min3A_1792 {strides = array<i32>} : memref<3136xi32, #tpu.memory_space<vmem>>, vector<16xi32>,
    %get3A_1795 = arith.constant 2848 : index
    %get3A_1796 = tpu.vector_load %arg7[%get3A_1795] {strides = array<i32>} : memref<3136xi32, #tpu.memory_space<vmem>>, vector<16xi32>,
    %max3A_1797 = arith.constant 0 : i32
    %max3A_1798 = vector.broadcast %max3A_1797 : i32 to vector<16xi32>
    %max3A_1799 = arith.maxsi %get3A_1796, %max3A_1798 : vector<16xi32>
    %min3A_1800 = arith.constant 511 : i32
    %min3A_1801 = vector.broadcast %min3A_1800 : i32 to vector<16xi32>
    %min3A_1802 = arith.minsi %max3A_1799, %min3A_1801 : vector<16xi32>
    %swap3A_1803 = arith.constant 2848 : index
    %swap3A_1804 = tpu.vector_load %arg7[%swap3A_1803] {strides = array<i32>} : memref<3136xi32, #tpu.memory_space<vmem>>, vector<16xi32>,
    tpu.vector_store %arg7[%swap3A_1803], %min3A_1802 {strides = array<i32>} : memref<3136xi32, #tpu.memory_space<vmem>>, vector<16xi32>,
    %get3A_1805 = arith.constant 2864 : index
    %get3A_1806 = tpu.vector_load %arg7[%get3A_1805] {strides = array<i32>} : memref<3136xi32, #tpu.memory_space<vmem>>, vector<16xi32>,
    %max3A_1807 = arith.constant 0 : i32
    %max3A_1808 = vector.broadcast %max3A_1807 : i32 to vector<16xi32>
    %max3A_1809 = arith.maxsi %get3A_1806, %max3A_1808 : vector<16xi32>
    %min3A_1810 = arith.constant 511 : i32
    %min3A_1811 = vector.broadcast %min3A_1810 : i32 to vector<16xi32>
    %min3A_1812 = arith.minsi %max3A_1809, %min3A_1811 : vector<16xi32>
    %swap3A_1813 = arith.constant 2864 : index
    %swap3A_1814 = tpu.vector_load %arg7[%swap3A_1813] {strides = array<i32>} : memref<3136xi32, #tpu.memory_space<vmem>>, vector<16xi32>,
    tpu.vector_store %arg7[%swap3A_1813], %min3A_1812 {strides = array<i32>} : memref<3136xi32, #tpu.memory_space<vmem>>, vector<16xi32>,
    %not3A_1815 = arith.constant true
    %not3A_1816 = arith.xori %eq3A_3, %not3A_1815 : i1
    %convert_element_type3A_1817 = arith.extui %not3A_1816 : i1 to i32
    %cond3A_1818 = arith.constant 0 : i32
    %cond3A_1819 = arith.cmpi ne, %convert_element_type3A_1817, %cond3A_1818 : i32
    scf.if %cond3A_1819 {
      %get3A_1909 = arith.constant 2880 : index
      %get3A_1910 = tpu.vector_load %arg7[%get3A_1909] {strides = array<i32>} : memref<3136xi32, #tpu.memory_space<vmem>>, vector<16xi32>,
      %max3A_1911 = arith.constant 0 : i32
      %max3A_1912 = vector.broadcast %max3A_1911 : i32 to vector<16xi32>
      %max3A_1913 = arith.maxsi %get3A_1910, %max3A_1912 : vector<16xi32>
      %min3A_1914 = arith.constant 511 : i32
      %min3A_1915 = vector.broadcast %min3A_1914 : i32 to vector<16xi32>
      %min3A_1916 = arith.minsi %max3A_1913, %min3A_1915 : vector<16xi32>
      %swap3A_1917 = arith.constant 2880 : index
      %swap3A_1918 = tpu.vector_load %arg7[%swap3A_1917] {strides = array<i32>} : memref<3136xi32, #tpu.memory_space<vmem>>, vector<16xi32>,
      tpu.vector_store %arg7[%swap3A_1917], %min3A_1916 {strides = array<i32>} : memref<3136xi32, #tpu.memory_space<vmem>>, vector<16xi32>,
      %get3A_1919 = arith.constant 2896 : index
      %get3A_1920 = tpu.vector_load %arg7[%get3A_1919] {strides = array<i32>} : memref<3136xi32, #tpu.memory_space<vmem>>, vector<16xi32>,
      %max3A_1921 = arith.constant 0 : i32
      %max3A_1922 = vector.broadcast %max3A_1921 : i32 to vector<16xi32>
      %max3A_1923 = arith.maxsi %get3A_1920, %max3A_1922 : vector<16xi32>
      %min3A_1924 = arith.constant 511 : i32
      %min3A_1925 = vector.broadcast %min3A_1924 : i32 to vector<16xi32>
      %min3A_1926 = arith.minsi %max3A_1923, %min3A_1925 : vector<16xi32>
      %swap3A_1927 = arith.constant 2896 : index
      %swap3A_1928 = tpu.vector_load %arg7[%swap3A_1927] {strides = array<i32>} : memref<3136xi32, #tpu.memory_space<vmem>>, vector<16xi32>,
      tpu.vector_store %arg7[%swap3A_1927], %min3A_1926 {strides = array<i32>} : memref<3136xi32, #tpu.memory_space<vmem>>, vector<16xi32>,
      %get3A_1929 = arith.constant 2912 : index
      %get3A_1930 = tpu.vector_load %arg7[%get3A_1929] {strides = array<i32>} : memref<3136xi32, #tpu.memory_space<vmem>>, vector<16xi32>,
      %max3A_1931 = arith.constant 0 : i32
      %max3A_1932 = vector.broadcast %max3A_1931 : i32 to vector<16xi32>
      %max3A_1933 = arith.maxsi %get3A_1930, %max3A_1932 : vector<16xi32>
      %min3A_1934 = arith.constant 511 : i32
      %min3A_1935 = vector.broadcast %min3A_1934 : i32 to vector<16xi32>
      %min3A_1936 = arith.minsi %max3A_1933, %min3A_1935 : vector<16xi32>
      %swap3A_1937 = arith.constant 2912 : index
      %swap3A_1938 = tpu.vector_load %arg7[%swap3A_1937] {strides = array<i32>} : memref<3136xi32, #tpu.memory_space<vmem>>, vector<16xi32>,
      tpu.vector_store %arg7[%swap3A_1937], %min3A_1936 {strides = array<i32>} : memref<3136xi32, #tpu.memory_space<vmem>>, vector<16xi32>,
      %get3A_1939 = arith.constant 2928 : index
      %get3A_1940 = tpu.vector_load %arg7[%get3A_1939] {strides = array<i32>} : memref<3136xi32, #tpu.memory_space<vmem>>, vector<16xi32>,
      %max3A_1941 = arith.constant 0 : i32
      %max3A_1942 = vector.broadcast %max3A_1941 : i32 to vector<16xi32>
      %max3A_1943 = arith.maxsi %get3A_1940, %max3A_1942 : vector<16xi32>
      %min3A_1944 = arith.constant 511 : i32
      %min3A_1945 = vector.broadcast %min3A_1944 : i32 to vector<16xi32>
      %min3A_1946 = arith.minsi %max3A_1943, %min3A_1945 : vector<16xi32>
      %swap3A_1947 = arith.constant 2928 : index
      %swap3A_1948 = tpu.vector_load %arg7[%swap3A_1947] {strides = array<i32>} : memref<3136xi32, #tpu.memory_space<vmem>>, vector<16xi32>,
      tpu.vector_store %arg7[%swap3A_1947], %min3A_1946 {strides = array<i32>} : memref<3136xi32, #tpu.memory_space<vmem>>, vector<16xi32>,
      %get3A_1949 = arith.constant 2944 : index
      %get3A_1950 = tpu.vector_load %arg7[%get3A_1949] {strides = array<i32>} : memref<3136xi32, #tpu.memory_space<vmem>>, vector<16xi32>,
      %max3A_1951 = arith.constant 0 : i32
      %max3A_1952 = vector.broadcast %max3A_1951 : i32 to vector<16xi32>
      %max3A_1953 = arith.maxsi %get3A_1950, %max3A_1952 : vector<16xi32>
      %min3A_1954 = arith.constant 511 : i32
      %min3A_1955 = vector.broadcast %min3A_1954 : i32 to vector<16xi32>
      %min3A_1956 = arith.minsi %max3A_1953, %min3A_1955 : vector<16xi32>
      %swap3A_1957 = arith.constant 2944 : index
      %swap3A_1958 = tpu.vector_load %arg7[%swap3A_1957] {strides = array<i32>} : memref<3136xi32, #tpu.memory_space<vmem>>, vector<16xi32>,
      tpu.vector_store %arg7[%swap3A_1957], %min3A_1956 {strides = array<i32>} : memref<3136xi32, #tpu.memory_space<vmem>>, vector<16xi32>,
      %get3A_1959 = arith.constant 2960 : index
      %get3A_1960 = tpu.vector_load %arg7[%get3A_1959] {strides = array<i32>} : memref<3136xi32, #tpu.memory_space<vmem>>, vector<16xi32>,
      %max3A_1961 = arith.constant 0 : i32
      %max3A_1962 = vector.broadcast %max3A_1961 : i32 to vector<16xi32>
      %max3A_1963 = arith.maxsi %get3A_1960, %max3A_1962 : vector<16xi32>
      %min3A_1964 = arith.constant 511 : i32
      %min3A_1965 = vector.broadcast %min3A_1964 : i32 to vector<16xi32>
      %min3A_1966 = arith.minsi %max3A_1963, %min3A_1965 : vector<16xi32>
      %swap3A_1967 = arith.constant 2960 : index
      %swap3A_1968 = tpu.vector_load %arg7[%swap3A_1967] {strides = array<i32>} : memref<3136xi32, #tpu.memory_space<vmem>>, vector<16xi32>,
      tpu.vector_store %arg7[%swap3A_1967], %min3A_1966 {strides = array<i32>} : memref<3136xi32, #tpu.memory_space<vmem>>, vector<16xi32>,
      %get3A_1969 = arith.constant 2976 : index
      %get3A_1970 = tpu.vector_load %arg7[%get3A_1969] {strides = array<i32>} : memref<3136xi32, #tpu.memory_space<vmem>>, vector<16xi32>,
      %max3A_1971 = arith.constant 0 : i32
      %max3A_1972 = vector.broadcast %max3A_1971 : i32 to vector<16xi32>
      %max3A_1973 = arith.maxsi %get3A_1970, %max3A_1972 : vector<16xi32>
      %min3A_1974 = arith.constant 511 : i32
      %min3A_1975 = vector.broadcast %min3A_1974 : i32 to vector<16xi32>
      %min3A_1976 = arith.minsi %max3A_1973, %min3A_1975 : vector<16xi32>
      %swap3A_1977 = arith.constant 2976 : index
      %swap3A_1978 = tpu.vector_load %arg7[%swap3A_1977] {strides = array<i32>} : memref<3136xi32, #tpu.memory_space<vmem>>, vector<16xi32>,
      tpu.vector_store %arg7[%swap3A_1977], %min3A_1976 {strides = array<i32>} : memref<3136xi32, #tpu.memory_space<vmem>>, vector<16xi32>,
      %get3A_1979 = arith.constant 2992 : index
      %get3A_1980 = tpu.vector_load %arg7[%get3A_1979] {strides = array<i32>} : memref<3136xi32, #tpu.memory_space<vmem>>, vector<16xi32>,
      %max3A_1981 = arith.constant 0 : i32
      %max3A_1982 = vector.broadcast %max3A_1981 : i32 to vector<16xi32>
      %max3A_1983 = arith.maxsi %get3A_1980, %max3A_1982 : vector<16xi32>
      %min3A_1984 = arith.constant 511 : i32
      %min3A_1985 = vector.broadcast %min3A_1984 : i32 to vector<16xi32>
      %min3A_1986 = arith.minsi %max3A_1983, %min3A_1985 : vector<16xi32>
      %swap3A_1987 = arith.constant 2992 : index
      %swap3A_1988 = tpu.vector_load %arg7[%swap3A_1987] {strides = array<i32>} : memref<3136xi32, #tpu.memory_space<vmem>>, vector<16xi32>,
      tpu.vector_store %arg7[%swap3A_1987], %min3A_1986 {strides = array<i32>} : memref<3136xi32, #tpu.memory_space<vmem>>, vector<16xi32>,
      %get3A_1989 = arith.constant 3008 : index
      %get3A_1990 = tpu.vector_load %arg7[%get3A_1989] {strides = array<i32>} : memref<3136xi32, #tpu.memory_space<vmem>>, vector<16xi32>,
      %max3A_1991 = arith.constant 0 : i32
      %max3A_1992 = vector.broadcast %max3A_1991 : i32 to vector<16xi32>
      %max3A_1993 = arith.maxsi %get3A_1990, %max3A_1992 : vector<16xi32>
      %min3A_1994 = arith.constant 511 : i32
      %min3A_1995 = vector.broadcast %min3A_1994 : i32 to vector<16xi32>
      %min3A_1996 = arith.minsi %max3A_1993, %min3A_1995 : vector<16xi32>
      %swap3A_1997 = arith.constant 3008 : index
      %swap3A_1998 = tpu.vector_load %arg7[%swap3A_1997] {strides = array<i32>} : memref<3136xi32, #tpu.memory_space<vmem>>, vector<16xi32>,
      tpu.vector_store %arg7[%swap3A_1997], %min3A_1996 {strides = array<i32>} : memref<3136xi32, #tpu.memory_space<vmem>>, vector<16xi32>,
      %get3A_1999 = arith.constant 3024 : index
      %get3A_2000 = tpu.vector_load %arg7[%get3A_1999] {strides = array<i32>} : memref<3136xi32, #tpu.memory_space<vmem>>, vector<16xi32>,
      %max3A_2001 = arith.constant 0 : i32
      %max3A_2002 = vector.broadcast %max3A_2001 : i32 to vector<16xi32>
      %max3A_2003 = arith.maxsi %get3A_2000, %max3A_2002 : vector<16xi32>
      %min3A_2004 = arith.constant 511 : i32
      %min3A_2005 = vector.broadcast %min3A_2004 : i32 to vector<16xi32>
      %min3A_2006 = arith.minsi %max3A_2003, %min3A_2005 : vector<16xi32>
      %swap3A_2007 = arith.constant 3024 : index
      %swap3A_2008 = tpu.vector_load %arg7[%swap3A_2007] {strides = array<i32>} : memref<3136xi32, #tpu.memory_space<vmem>>, vector<16xi32>,
      tpu.vector_store %arg7[%swap3A_2007], %min3A_2006 {strides = array<i32>} : memref<3136xi32, #tpu.memory_space<vmem>>, vector<16xi32>,
      %get3A_2009 = arith.constant 3040 : index
      %get3A_2010 = tpu.vector_load %arg7[%get3A_2009] {strides = array<i32>} : memref<3136xi32, #tpu.memory_space<vmem>>, vector<16xi32>,
      %max3A_2011 = arith.constant 0 : i32
      %max3A_2012 = vector.broadcast %max3A_2011 : i32 to vector<16xi32>
      %max3A_2013 = arith.maxsi %get3A_2010, %max3A_2012 : vector<16xi32>
      %min3A_2014 = arith.constant 511 : i32
      %min3A_2015 = vector.broadcast %min3A_2014 : i32 to vector<16xi32>
      %min3A_2016 = arith.minsi %max3A_2013, %min3A_2015 : vector<16xi32>
      %swap3A_2017 = arith.constant 3040 : index
      %swap3A_2018 = tpu.vector_load %arg7[%swap3A_2017] {strides = array<i32>} : memref<3136xi32, #tpu.memory_space<vmem>>, vector<16xi32>,
      tpu.vector_store %arg7[%swap3A_2017], %min3A_2016 {strides = array<i32>} : memref<3136xi32, #tpu.memory_space<vmem>>, vector<16xi32>,
      %get3A_2019 = arith.constant 3056 : index
      %get3A_2020 = tpu.vector_load %arg7[%get3A_2019] {strides = array<i32>} : memref<3136xi32, #tpu.memory_space<vmem>>, vector<16xi32>,
      %max3A_2021 = arith.constant 0 : i32
      %max3A_2022 = vector.broadcast %max3A_2021 : i32 to vector<16xi32>
      %max3A_2023 = arith.maxsi %get3A_2020, %max3A_2022 : vector<16xi32>
      %min3A_2024 = arith.constant 511 : i32
      %min3A_2025 = vector.broadcast %min3A_2024 : i32 to vector<16xi32>
      %min3A_2026 = arith.minsi %max3A_2023, %min3A_2025 : vector<16xi32>
      %swap3A_2027 = arith.constant 3056 : index
      %swap3A_2028 = tpu.vector_load %arg7[%swap3A_2027] {strides = array<i32>} : memref<3136xi32, #tpu.memory_space<vmem>>, vector<16xi32>,
      tpu.vector_store %arg7[%swap3A_2027], %min3A_2026 {strides = array<i32>} : memref<3136xi32, #tpu.memory_space<vmem>>, vector<16xi32>,
      %get3A_2029 = arith.constant 3072 : index
      %get3A_2030 = tpu.vector_load %arg7[%get3A_2029] {strides = array<i32>} : memref<3136xi32, #tpu.memory_space<vmem>>, vector<16xi32>,
      %max3A_2031 = arith.constant 0 : i32
      %max3A_2032 = vector.broadcast %max3A_2031 : i32 to vector<16xi32>
      %max3A_2033 = arith.maxsi %get3A_2030, %max3A_2032 : vector<16xi32>
      %min3A_2034 = arith.constant 511 : i32
      %min3A_2035 = vector.broadcast %min3A_2034 : i32 to vector<16xi32>
      %min3A_2036 = arith.minsi %max3A_2033, %min3A_2035 : vector<16xi32>
      %swap3A_2037 = arith.constant 3072 : index
      %swap3A_2038 = tpu.vector_load %arg7[%swap3A_2037] {strides = array<i32>} : memref<3136xi32, #tpu.memory_space<vmem>>, vector<16xi32>,
      tpu.vector_store %arg7[%swap3A_2037], %min3A_2036 {strides = array<i32>} : memref<3136xi32, #tpu.memory_space<vmem>>, vector<16xi32>,
      %get3A_2039 = arith.constant 3088 : index
      %get3A_2040 = tpu.vector_load %arg7[%get3A_2039] {strides = array<i32>} : memref<3136xi32, #tpu.memory_space<vmem>>, vector<16xi32>,
      %max3A_2041 = arith.constant 0 : i32
      %max3A_2042 = vector.broadcast %max3A_2041 : i32 to vector<16xi32>
      %max3A_2043 = arith.maxsi %get3A_2040, %max3A_2042 : vector<16xi32>
      %min3A_2044 = arith.constant 511 : i32
      %min3A_2045 = vector.broadcast %min3A_2044 : i32 to vector<16xi32>
      %min3A_2046 = arith.minsi %max3A_2043, %min3A_2045 : vector<16xi32>
      %swap3A_2047 = arith.constant 3088 : index
      %swap3A_2048 = tpu.vector_load %arg7[%swap3A_2047] {strides = array<i32>} : memref<3136xi32, #tpu.memory_space<vmem>>, vector<16xi32>,
      tpu.vector_store %arg7[%swap3A_2047], %min3A_2046 {strides = array<i32>} : memref<3136xi32, #tpu.memory_space<vmem>>, vector<16xi32>,
      %get3A_2049 = arith.constant 3104 : index
      %get3A_2050 = tpu.vector_load %arg7[%get3A_2049] {strides = array<i32>} : memref<3136xi32, #tpu.memory_space<vmem>>, vector<16xi32>,
      %max3A_2051 = arith.constant 0 : i32
      %max3A_2052 = vector.broadcast %max3A_2051 : i32 to vector<16xi32>
      %max3A_2053 = arith.maxsi %get3A_2050, %max3A_2052 : vector<16xi32>
      %min3A_2054 = arith.constant 511 : i32
      %min3A_2055 = vector.broadcast %min3A_2054 : i32 to vector<16xi32>
      %min3A_2056 = arith.minsi %max3A_2053, %min3A_2055 : vector<16xi32>
      %swap3A_2057 = arith.constant 3104 : index
      %swap3A_2058 = tpu.vector_load %arg7[%swap3A_2057] {strides = array<i32>} : memref<3136xi32, #tpu.memory_space<vmem>>, vector<16xi32>,
      tpu.vector_store %arg7[%swap3A_2057], %min3A_2056 {strides = array<i32>} : memref<3136xi32, #tpu.memory_space<vmem>>, vector<16xi32>,
      %get3A_2059 = arith.constant 3120 : index
      %get3A_2060 = tpu.vector_load %arg7[%get3A_2059] {strides = array<i32>} : memref<3136xi32, #tpu.memory_space<vmem>>, vector<16xi32>,
      %max3A_2061 = arith.constant 0 : i32
      %max3A_2062 = vector.broadcast %max3A_2061 : i32 to vector<16xi32>
      %max3A_2063 = arith.maxsi %get3A_2060, %max3A_2062 : vector<16xi32>
      %min3A_2064 = arith.constant 511 : i32
      %min3A_2065 = vector.broadcast %min3A_2064 : i32 to vector<16xi32>
      %min3A_2066 = arith.minsi %max3A_2063, %min3A_2065 : vector<16xi32>
      %swap3A_2067 = arith.constant 3120 : index
      %swap3A_2068 = tpu.vector_load %arg7[%swap3A_2067] {strides = array<i32>} : memref<3136xi32, #tpu.memory_space<vmem>>, vector<16xi32>,
      tpu.vector_store %arg7[%swap3A_2067], %min3A_2066 {strides = array<i32>} : memref<3136xi32, #tpu.memory_space<vmem>>, vector<16xi32>,
    } else {
    }
    %barrier3A = arith.constant 0 : index
    tpu.barrier barrier_id(%barrier3A)
    %dma_start3A_1820 = arith.constant 0 : i32
    %dma_start3A_1821 = tpu.memref_slice %arg7[%dma_start3A_1820] : memref<3136xi32, #tpu.memory_space<vmem>> -> memref<112xi32, #tpu.memory_space<vmem>>
    %dma_start3A_1822 = arith.constant 0 : i32
    %dma_start3A_1823 = arith.constant 0 : i32
    %dma_start3A_1824 = tpu.memref_slice %arg6[%dma_start3A_1822, %dma_start3A_1823] : memref<512x128xf32, #tpu.memory_space<vmem_shared>> -> memref<512x128xf32, #tpu.memory_space<vmem_shared>>
    tpu.enqueue_indirect_dma source(%dma_start3A_1824 : memref<512x128xf32, #tpu.memory_space<vmem_shared>>) target(%arg8 : memref<112x128xf32, #tpu.memory_space<vmem>>) offsets(%dma_start3A_1821 : memref<112xi32, #tpu.memory_space<vmem>>) semaphore(%arg13 : memref<!tpu.dma_semaphore, #tpu.memory_space<semaphore_mem>>)
    %dma_start3A_1825 = arith.constant 112 : i32
    %dma_start3A_1826 = tpu.memref_slice %arg7[%dma_start3A_1825] : memref<3136xi32, #tpu.memory_space<vmem>> -> memref<112xi32, #tpu.memory_space<vmem>>
    %dma_start3A_1827 = arith.constant 0 : i32
    %dma_start3A_1828 = arith.constant 0 : i32
    %dma_start3A_1829 = tpu.memref_slice %arg6[%dma_start3A_1827, %dma_start3A_1828] : memref<512x128xf32, #tpu.memory_space<vmem_shared>> -> memref<512x128xf32, #tpu.memory_space<vmem_shared>>
    tpu.enqueue_indirect_dma source(%dma_start3A_1829 : memref<512x128xf32, #tpu.memory_space<vmem_shared>>) target(%arg9 : memref<112x128xf32, #tpu.memory_space<vmem>>) offsets(%dma_start3A_1826 : memref<112xi32, #tpu.memory_space<vmem>>) semaphore(%arg14 : memref<!tpu.dma_semaphore, #tpu.memory_space<semaphore_mem>>)
    %dma_start3A_1830 = arith.constant 224 : i32
    %dma_start3A_1831 = tpu.memref_slice %arg7[%dma_start3A_1830] : memref<3136xi32, #tpu.memory_space<vmem>> -> memref<112xi32, #tpu.memory_space<vmem>>
    %dma_start3A_1832 = arith.constant 0 : i32
    %dma_start3A_1833 = arith.constant 0 : i32
    %dma_start3A_1834 = tpu.memref_slice %arg6[%dma_start3A_1832, %dma_start3A_1833] : memref<512x128xf32, #tpu.memory_space<vmem_shared>> -> memref<512x128xf32, #tpu.memory_space<vmem_shared>>
    tpu.enqueue_indirect_dma source(%dma_start3A_1834 : memref<512x128xf32, #tpu.memory_space<vmem_shared>>) target(%arg10 : memref<112x128xf32, #tpu.memory_space<vmem>>) offsets(%dma_start3A_1831 : memref<112xi32, #tpu.memory_space<vmem>>) semaphore(%arg15 : memref<!tpu.dma_semaphore, #tpu.memory_space<semaphore_mem>>)
    %dma_start3A_1835 = arith.constant 336 : i32
    %dma_start3A_1836 = tpu.memref_slice %arg7[%dma_start3A_1835] : memref<3136xi32, #tpu.memory_space<vmem>> -> memref<112xi32, #tpu.memory_space<vmem>>
    %dma_start3A_1837 = arith.constant 0 : i32
    %dma_start3A_1838 = arith.constant 0 : i32
    %dma_start3A_1839 = tpu.memref_slice %arg6[%dma_start3A_1837, %dma_start3A_1838] : memref<512x128xf32, #tpu.memory_space<vmem_shared>> -> memref<512x128xf32, #tpu.memory_space<vmem_shared>>
    tpu.enqueue_indirect_dma source(%dma_start3A_1839 : memref<512x128xf32, #tpu.memory_space<vmem_shared>>) target(%arg11 : memref<112x128xf32, #tpu.memory_space<vmem>>) offsets(%dma_start3A_1836 : memref<112xi32, #tpu.memory_space<vmem>>) semaphore(%arg16 : memref<!tpu.dma_semaphore, #tpu.memory_space<semaphore_mem>>)
    %dma_wait3A_1840 = arith.constant 0 : i32
    %dma_wait3A_1841 = tpu.memref_slice %arg7[%dma_wait3A_1840] : memref<3136xi32, #tpu.memory_space<vmem>> -> memref<112xi32, #tpu.memory_space<vmem>>
    %dma_wait3A_1842 = arith.constant 0 : i32
    %dma_wait3A_1843 = arith.constant 0 : i32
    %dma_wait3A_1844 = tpu.memref_slice %arg6[%dma_wait3A_1842, %dma_wait3A_1843] : memref<512x128xf32, #tpu.memory_space<vmem_shared>> -> memref<512x128xf32, #tpu.memory_space<vmem_shared>>
    tpu.wait_indirect_dma semaphore(%arg13 : memref<!tpu.dma_semaphore, #tpu.memory_space<semaphore_mem>>) src(%dma_wait3A_1844 : memref<512x128xf32, #tpu.memory_space<vmem_shared>>) dst(%arg8 : memref<112x128xf32, #tpu.memory_space<vmem>>)
    %add3A_1845 = arith.constant 0 : i32
    %add3A_1846 = arith.addi %mul3A_2, %add3A_1845 : i32
    %dma_start3A_1847 = arith.constant 0 : i32
    %dma_start3A_1848 = tpu.memref_slice %arg4[%add3A_1846, %dma_start3A_1847] : memref<100000x128xf32, #tpu.memory_space<hbm>> -> memref<112x128xf32, #tpu.memory_space<hbm>>
    %dma_start3A_1849 = arith.constant 0 : i32
    %dma_start3A_1850 = tpu.memref_slice %arg4[%add3A_1846, %dma_start3A_1849] : memref<100000x128xf32, #tpu.memory_space<hbm>> -> memref<112x128xf32, #tpu.memory_space<hbm>>
    tpu.enqueue_dma source(%arg8 : memref<112x128xf32, #tpu.memory_space<vmem>>) target(%dma_start3A_1850 : memref<112x128xf32, #tpu.memory_space<hbm>>) target_semaphore(%arg17 : memref<!tpu.dma_semaphore, #tpu.memory_space<semaphore_mem>>)
    %dma_wait3A_1851 = arith.constant 112 : i32
    %dma_wait3A_1852 = tpu.memref_slice %arg7[%dma_wait3A_1851] : memref<3136xi32, #tpu.memory_space<vmem>> -> memref<112xi32, #tpu.memory_space<vmem>>
    %dma_wait3A_1853 = arith.constant 0 : i32
    %dma_wait3A_1854 = arith.constant 0 : i32
    %dma_wait3A_1855 = tpu.memref_slice %arg6[%dma_wait3A_1853, %dma_wait3A_1854] : memref<512x128xf32, #tpu.memory_space<vmem_shared>> -> memref<512x128xf32, #tpu.memory_space<vmem_shared>>
    tpu.wait_indirect_dma semaphore(%arg14 : memref<!tpu.dma_semaphore, #tpu.memory_space<semaphore_mem>>) src(%dma_wait3A_1855 : memref<512x128xf32, #tpu.memory_space<vmem_shared>>) dst(%arg9 : memref<112x128xf32, #tpu.memory_space<vmem>>)
    %add3A_1856 = arith.constant 112 : i32
    %add3A_1857 = arith.addi %mul3A_2, %add3A_1856 : i32
    %dma_start3A_1858 = arith.constant 0 : i32
    %dma_start3A_1859 = tpu.memref_slice %arg4[%add3A_1857, %dma_start3A_1858] : memref<100000x128xf32, #tpu.memory_space<hbm>> -> memref<112x128xf32, #tpu.memory_space<hbm>>
    %dma_start3A_1860 = arith.constant 0 : i32
    %dma_start3A_1861 = tpu.memref_slice %arg4[%add3A_1857, %dma_start3A_1860] : memref<100000x128xf32, #tpu.memory_space<hbm>> -> memref<112x128xf32, #tpu.memory_space<hbm>>
    tpu.enqueue_dma source(%arg9 : memref<112x128xf32, #tpu.memory_space<vmem>>) target(%dma_start3A_1861 : memref<112x128xf32, #tpu.memory_space<hbm>>) target_semaphore(%arg18 : memref<!tpu.dma_semaphore, #tpu.memory_space<semaphore_mem>>)
    %dma_wait3A_1862 = arith.constant 224 : i32
    %dma_wait3A_1863 = tpu.memref_slice %arg7[%dma_wait3A_1862] : memref<3136xi32, #tpu.memory_space<vmem>> -> memref<112xi32, #tpu.memory_space<vmem>>
    %dma_wait3A_1864 = arith.constant 0 : i32
    %dma_wait3A_1865 = arith.constant 0 : i32
    %dma_wait3A_1866 = tpu.memref_slice %arg6[%dma_wait3A_1864, %dma_wait3A_1865] : memref<512x128xf32, #tpu.memory_space<vmem_shared>> -> memref<512x128xf32, #tpu.memory_space<vmem_shared>>
    tpu.wait_indirect_dma semaphore(%arg15 : memref<!tpu.dma_semaphore, #tpu.memory_space<semaphore_mem>>) src(%dma_wait3A_1866 : memref<512x128xf32, #tpu.memory_space<vmem_shared>>) dst(%arg10 : memref<112x128xf32, #tpu.memory_space<vmem>>)
    %add3A_1867 = arith.constant 224 : i32
    %add3A_1868 = arith.addi %mul3A_2, %add3A_1867 : i32
    %dma_start3A_1869 = arith.constant 0 : i32
    %dma_start3A_1870 = tpu.memref_slice %arg4[%add3A_1868, %dma_start3A_1869] : memref<100000x128xf32, #tpu.memory_space<hbm>> -> memref<112x128xf32, #tpu.memory_space<hbm>>
    %dma_start3A_1871 = arith.constant 0 : i32
    %dma_start3A_1872 = tpu.memref_slice %arg4[%add3A_1868, %dma_start3A_1871] : memref<100000x128xf32, #tpu.memory_space<hbm>> -> memref<112x128xf32, #tpu.memory_space<hbm>>
    tpu.enqueue_dma source(%arg10 : memref<112x128xf32, #tpu.memory_space<vmem>>) target(%dma_start3A_1872 : memref<112x128xf32, #tpu.memory_space<hbm>>) target_semaphore(%arg19 : memref<!tpu.dma_semaphore, #tpu.memory_space<semaphore_mem>>)
    %dma_wait3A_1873 = arith.constant 336 : i32
    %dma_wait3A_1874 = tpu.memref_slice %arg7[%dma_wait3A_1873] : memref<3136xi32, #tpu.memory_space<vmem>> -> memref<112xi32, #tpu.memory_space<vmem>>
    %dma_wait3A_1875 = arith.constant 0 : i32
    %dma_wait3A_1876 = arith.constant 0 : i32
    %dma_wait3A_1877 = tpu.memref_slice %arg6[%dma_wait3A_1875, %dma_wait3A_1876] : memref<512x128xf32, #tpu.memory_space<vmem_shared>> -> memref<512x128xf32, #tpu.memory_space<vmem_shared>>
    tpu.wait_indirect_dma semaphore(%arg16 : memref<!tpu.dma_semaphore, #tpu.memory_space<semaphore_mem>>) src(%dma_wait3A_1877 : memref<512x128xf32, #tpu.memory_space<vmem_shared>>) dst(%arg11 : memref<112x128xf32, #tpu.memory_space<vmem>>)
    %add3A_1878 = arith.constant 336 : i32
    %add3A_1879 = arith.addi %mul3A_2, %add3A_1878 : i32
    %dma_start3A_1880 = arith.constant 0 : i32
    %dma_start3A_1881 = tpu.memref_slice %arg4[%add3A_1879, %dma_start3A_1880] : memref<100000x128xf32, #tpu.memory_space<hbm>> -> memref<112x128xf32, #tpu.memory_space<hbm>>
    %dma_start3A_1882 = arith.constant 0 : i32
    %dma_start3A_1883 = tpu.memref_slice %arg4[%add3A_1879, %dma_start3A_1882] : memref<100000x128xf32, #tpu.memory_space<hbm>> -> memref<112x128xf32, #tpu.memory_space<hbm>>
    tpu.enqueue_dma source(%arg11 : memref<112x128xf32, #tpu.memory_space<vmem>>) target(%dma_start3A_1883 : memref<112x128xf32, #tpu.memory_space<hbm>>) target_semaphore(%arg20 : memref<!tpu.dma_semaphore, #tpu.memory_space<semaphore_mem>>)
    %jit3A = arith.constant 6 : i32
    %jit3A_1884 = arith.constant 7 : i32
    %select_n3A = arith.select %eq3A_3, %jit3A, %jit3A_1884 : i32
    %sub3A = arith.constant 1 : i32
    %sub3A_1885 = arith.subi %select_n3A, %sub3A : i32
    %sub3A_1886 = arith.constant 1 : i32
    %sub3A_1887 = arith.constant 1 : i32
    %sub3A_1888 = arith.subi %sub3A_1886, %sub3A_1887 : i32
    %add3A_1889 = arith.addi %sub3A_1885, %sub3A_1888 : i32
    %div3A = arith.constant 1 : i32
    %div3A_1890 = arith.divsi %add3A_1889, %div3A : i32
    %while3A = arith.constant 1 : i32
    %while3A_1891 = arith.constant 1 : i32
    %while3A_1892 = arith.constant 0 : i32
    %while3A_1893 = arith.subi %div3A_1890, %while3A_1892 : i32
    %while3A_1894 = arith.addi %while3A_1892, %while3A_1893 : i32
    %while3A_1895 = arith.constant 1 : i32
    %while3A_1896 = arith.divsi %while3A_1893, %while3A_1895 : i32
    %while3A_1897 = arith.muli %while3A_1896, %while3A_1895 : i32
    %while3A_1898 = arith.addi %while3A_1892, %while3A_1897 : i32
    %while3A_1899 = arith.constant 1 : i32
    scf.for %while3A_1909 = %while3A_1892 to %while3A_1898 step %while3A_1899  : i32 {
      %mul3A_1910 = arith.muli %while3A_1909, %while3A : i32
      %add3A_1911 = arith.addi %while3A_1891, %mul3A_1910 : i32
      %mul3A_1912 = arith.constant 4 : i32
      %mul3A_1913 = arith.muli %add3A_1911, %mul3A_1912 : i32
      %mul3A_1914 = arith.constant 112 : i32
      %mul3A_1915 = arith.muli %mul3A_1913, %mul3A_1914 : i32
      %dma_wait3A_1916 = arith.constant 0 : i32
      %dma_wait3A_1917 = arith.constant 0 : i32
      %dma_wait3A_1918 = tpu.memref_slice %arg4[%dma_wait3A_1916, %dma_wait3A_1917] : memref<100000x128xf32, #tpu.memory_space<hbm>> -> memref<112x128xf32, #tpu.memory_space<hbm>>
      %dma_wait3A_1919 = arith.constant 0 : i32
      %dma_wait3A_1920 = arith.constant 0 : i32
      %dma_wait3A_1921 = tpu.memref_slice %arg4[%dma_wait3A_1919, %dma_wait3A_1920] : memref<100000x128xf32, #tpu.memory_space<hbm>> -> memref<112x128xf32, #tpu.memory_space<hbm>>
      tpu.wait_dma2 semaphore(%arg17 : memref<!tpu.dma_semaphore, #tpu.memory_space<semaphore_mem>>) src(%arg8 : memref<112x128xf32, #tpu.memory_space<vmem>>) dst(%dma_wait3A_1921 : memref<112x128xf32, #tpu.memory_space<hbm>>)
      %add3A_1922 = arith.constant 0 : i32
      %add3A_1923 = arith.addi %mul3A_1915, %add3A_1922 : i32
      %dma_start3A_1924 = tpu.memref_slice %arg7[%add3A_1923] : memref<3136xi32, #tpu.memory_space<vmem>> -> memref<112xi32, #tpu.memory_space<vmem>>
      %dma_start3A_1925 = arith.constant 0 : i32
      %dma_start3A_1926 = arith.constant 0 : i32
      %dma_start3A_1927 = tpu.memref_slice %arg6[%dma_start3A_1925, %dma_start3A_1926] : memref<512x128xf32, #tpu.memory_space<vmem_shared>> -> memref<512x128xf32, #tpu.memory_space<vmem_shared>>
      tpu.enqueue_indirect_dma source(%dma_start3A_1927 : memref<512x128xf32, #tpu.memory_space<vmem_shared>>) target(%arg8 : memref<112x128xf32, #tpu.memory_space<vmem>>) offsets(%dma_start3A_1924 : memref<112xi32, #tpu.memory_space<vmem>>) semaphore(%arg13 : memref<!tpu.dma_semaphore, #tpu.memory_space<semaphore_mem>>)
      %dma_wait3A_1928 = arith.constant 0 : i32
      %dma_wait3A_1929 = arith.constant 0 : i32
      %dma_wait3A_1930 = tpu.memref_slice %arg4[%dma_wait3A_1928, %dma_wait3A_1929] : memref<100000x128xf32, #tpu.memory_space<hbm>> -> memref<112x128xf32, #tpu.memory_space<hbm>>
      %dma_wait3A_1931 = arith.constant 0 : i32
      %dma_wait3A_1932 = arith.constant 0 : i32
      %dma_wait3A_1933 = tpu.memref_slice %arg4[%dma_wait3A_1931, %dma_wait3A_1932] : memref<100000x128xf32, #tpu.memory_space<hbm>> -> memref<112x128xf32, #tpu.memory_space<hbm>>
      tpu.wait_dma2 semaphore(%arg18 : memref<!tpu.dma_semaphore, #tpu.memory_space<semaphore_mem>>) src(%arg8 : memref<112x128xf32, #tpu.memory_space<vmem>>) dst(%dma_wait3A_1933 : memref<112x128xf32, #tpu.memory_space<hbm>>)
      %add3A_1934 = arith.constant 112 : i32
      %add3A_1935 = arith.addi %mul3A_1915, %add3A_1934 : i32
      %dma_start3A_1936 = tpu.memref_slice %arg7[%add3A_1935] : memref<3136xi32, #tpu.memory_space<vmem>> -> memref<112xi32, #tpu.memory_space<vmem>>
      %dma_start3A_1937 = arith.constant 0 : i32
      %dma_start3A_1938 = arith.constant 0 : i32
      %dma_start3A_1939 = tpu.memref_slice %arg6[%dma_start3A_1937, %dma_start3A_1938] : memref<512x128xf32, #tpu.memory_space<vmem_shared>> -> memref<512x128xf32, #tpu.memory_space<vmem_shared>>
      tpu.enqueue_indirect_dma source(%dma_start3A_1939 : memref<512x128xf32, #tpu.memory_space<vmem_shared>>) target(%arg9 : memref<112x128xf32, #tpu.memory_space<vmem>>) offsets(%dma_start3A_1936 : memref<112xi32, #tpu.memory_space<vmem>>) semaphore(%arg14 : memref<!tpu.dma_semaphore, #tpu.memory_space<semaphore_mem>>)
      %dma_wait3A_1940 = arith.constant 0 : i32
      %dma_wait3A_1941 = arith.constant 0 : i32
      %dma_wait3A_1942 = tpu.memref_slice %arg4[%dma_wait3A_1940, %dma_wait3A_1941] : memref<100000x128xf32, #tpu.memory_space<hbm>> -> memref<112x128xf32, #tpu.memory_space<hbm>>
      %dma_wait3A_1943 = arith.constant 0 : i32
      %dma_wait3A_1944 = arith.constant 0 : i32
      %dma_wait3A_1945 = tpu.memref_slice %arg4[%dma_wait3A_1943, %dma_wait3A_1944] : memref<100000x128xf32, #tpu.memory_space<hbm>> -> memref<112x128xf32, #tpu.memory_space<hbm>>
      tpu.wait_dma2 semaphore(%arg19 : memref<!tpu.dma_semaphore, #tpu.memory_space<semaphore_mem>>) src(%arg8 : memref<112x128xf32, #tpu.memory_space<vmem>>) dst(%dma_wait3A_1945 : memref<112x128xf32, #tpu.memory_space<hbm>>)
      %add3A_1946 = arith.constant 224 : i32
      %add3A_1947 = arith.addi %mul3A_1915, %add3A_1946 : i32
      %dma_start3A_1948 = tpu.memref_slice %arg7[%add3A_1947] : memref<3136xi32, #tpu.memory_space<vmem>> -> memref<112xi32, #tpu.memory_space<vmem>>
      %dma_start3A_1949 = arith.constant 0 : i32
      %dma_start3A_1950 = arith.constant 0 : i32
      %dma_start3A_1951 = tpu.memref_slice %arg6[%dma_start3A_1949, %dma_start3A_1950] : memref<512x128xf32, #tpu.memory_space<vmem_shared>> -> memref<512x128xf32, #tpu.memory_space<vmem_shared>>
      tpu.enqueue_indirect_dma source(%dma_start3A_1951 : memref<512x128xf32, #tpu.memory_space<vmem_shared>>) target(%arg10 : memref<112x128xf32, #tpu.memory_space<vmem>>) offsets(%dma_start3A_1948 : memref<112xi32, #tpu.memory_space<vmem>>) semaphore(%arg15 : memref<!tpu.dma_semaphore, #tpu.memory_space<semaphore_mem>>)
      %dma_wait3A_1952 = arith.constant 0 : i32
      %dma_wait3A_1953 = arith.constant 0 : i32
      %dma_wait3A_1954 = tpu.memref_slice %arg4[%dma_wait3A_1952, %dma_wait3A_1953] : memref<100000x128xf32, #tpu.memory_space<hbm>> -> memref<112x128xf32, #tpu.memory_space<hbm>>
      %dma_wait3A_1955 = arith.constant 0 : i32
      %dma_wait3A_1956 = arith.constant 0 : i32
      %dma_wait3A_1957 = tpu.memref_slice %arg4[%dma_wait3A_1955, %dma_wait3A_1956] : memref<100000x128xf32, #tpu.memory_space<hbm>> -> memref<112x128xf32, #tpu.memory_space<hbm>>
      tpu.wait_dma2 semaphore(%arg20 : memref<!tpu.dma_semaphore, #tpu.memory_space<semaphore_mem>>) src(%arg8 : memref<112x128xf32, #tpu.memory_space<vmem>>) dst(%dma_wait3A_1957 : memref<112x128xf32, #tpu.memory_space<hbm>>)
      %add3A_1958 = arith.constant 336 : i32
      %add3A_1959 = arith.addi %mul3A_1915, %add3A_1958 : i32
      %dma_start3A_1960 = tpu.memref_slice %arg7[%add3A_1959] : memref<3136xi32, #tpu.memory_space<vmem>> -> memref<112xi32, #tpu.memory_space<vmem>>
      %dma_start3A_1961 = arith.constant 0 : i32
      %dma_start3A_1962 = arith.constant 0 : i32
      %dma_start3A_1963 = tpu.memref_slice %arg6[%dma_start3A_1961, %dma_start3A_1962] : memref<512x128xf32, #tpu.memory_space<vmem_shared>> -> memref<512x128xf32, #tpu.memory_space<vmem_shared>>
      tpu.enqueue_indirect_dma source(%dma_start3A_1963 : memref<512x128xf32, #tpu.memory_space<vmem_shared>>) target(%arg11 : memref<112x128xf32, #tpu.memory_space<vmem>>) offsets(%dma_start3A_1960 : memref<112xi32, #tpu.memory_space<vmem>>) semaphore(%arg16 : memref<!tpu.dma_semaphore, #tpu.memory_space<semaphore_mem>>)
      %dma_wait3A_1964 = tpu.memref_slice %arg7[%add3A_1923] : memref<3136xi32, #tpu.memory_space<vmem>> -> memref<112xi32, #tpu.memory_space<vmem>>
      %dma_wait3A_1965 = arith.constant 0 : i32
      %dma_wait3A_1966 = arith.constant 0 : i32
      %dma_wait3A_1967 = tpu.memref_slice %arg6[%dma_wait3A_1965, %dma_wait3A_1966] : memref<512x128xf32, #tpu.memory_space<vmem_shared>> -> memref<512x128xf32, #tpu.memory_space<vmem_shared>>
      tpu.wait_indirect_dma semaphore(%arg13 : memref<!tpu.dma_semaphore, #tpu.memory_space<semaphore_mem>>) src(%dma_wait3A_1967 : memref<512x128xf32, #tpu.memory_space<vmem_shared>>) dst(%arg8 : memref<112x128xf32, #tpu.memory_space<vmem>>)
      %add3A_1968 = arith.addi %mul3A_2, %mul3A_1915 : i32
      %add3A_1969 = arith.constant 0 : i32
      %add3A_1970 = arith.addi %add3A_1968, %add3A_1969 : i32
      %dma_start3A_1971 = arith.constant 0 : i32
      %dma_start3A_1972 = tpu.memref_slice %arg4[%add3A_1970, %dma_start3A_1971] : memref<100000x128xf32, #tpu.memory_space<hbm>> -> memref<112x128xf32, #tpu.memory_space<hbm>>
      %dma_start3A_1973 = arith.constant 0 : i32
      %dma_start3A_1974 = tpu.memref_slice %arg4[%add3A_1970, %dma_start3A_1973] : memref<100000x128xf32, #tpu.memory_space<hbm>> -> memref<112x128xf32, #tpu.memory_space<hbm>>
      tpu.enqueue_dma source(%arg8 : memref<112x128xf32, #tpu.memory_space<vmem>>) target(%dma_start3A_1974 : memref<112x128xf32, #tpu.memory_space<hbm>>) target_semaphore(%arg17 : memref<!tpu.dma_semaphore, #tpu.memory_space<semaphore_mem>>)
      %dma_wait3A_1975 = tpu.memref_slice %arg7[%add3A_1935] : memref<3136xi32, #tpu.memory_space<vmem>> -> memref<112xi32, #tpu.memory_space<vmem>>
      %dma_wait3A_1976 = arith.constant 0 : i32
      %dma_wait3A_1977 = arith.constant 0 : i32
      %dma_wait3A_1978 = tpu.memref_slice %arg6[%dma_wait3A_1976, %dma_wait3A_1977] : memref<512x128xf32, #tpu.memory_space<vmem_shared>> -> memref<512x128xf32, #tpu.memory_space<vmem_shared>>
      tpu.wait_indirect_dma semaphore(%arg14 : memref<!tpu.dma_semaphore, #tpu.memory_space<semaphore_mem>>) src(%dma_wait3A_1978 : memref<512x128xf32, #tpu.memory_space<vmem_shared>>) dst(%arg9 : memref<112x128xf32, #tpu.memory_space<vmem>>)
      %add3A_1979 = arith.addi %mul3A_2, %mul3A_1915 : i32
      %add3A_1980 = arith.constant 112 : i32
      %add3A_1981 = arith.addi %add3A_1979, %add3A_1980 : i32
      %dma_start3A_1982 = arith.constant 0 : i32
      %dma_start3A_1983 = tpu.memref_slice %arg4[%add3A_1981, %dma_start3A_1982] : memref<100000x128xf32, #tpu.memory_space<hbm>> -> memref<112x128xf32, #tpu.memory_space<hbm>>
      %dma_start3A_1984 = arith.constant 0 : i32
      %dma_start3A_1985 = tpu.memref_slice %arg4[%add3A_1981, %dma_start3A_1984] : memref<100000x128xf32, #tpu.memory_space<hbm>> -> memref<112x128xf32, #tpu.memory_space<hbm>>
      tpu.enqueue_dma source(%arg9 : memref<112x128xf32, #tpu.memory_space<vmem>>) target(%dma_start3A_1985 : memref<112x128xf32, #tpu.memory_space<hbm>>) target_semaphore(%arg18 : memref<!tpu.dma_semaphore, #tpu.memory_space<semaphore_mem>>)
      %dma_wait3A_1986 = tpu.memref_slice %arg7[%add3A_1947] : memref<3136xi32, #tpu.memory_space<vmem>> -> memref<112xi32, #tpu.memory_space<vmem>>
      %dma_wait3A_1987 = arith.constant 0 : i32
      %dma_wait3A_1988 = arith.constant 0 : i32
      %dma_wait3A_1989 = tpu.memref_slice %arg6[%dma_wait3A_1987, %dma_wait3A_1988] : memref<512x128xf32, #tpu.memory_space<vmem_shared>> -> memref<512x128xf32, #tpu.memory_space<vmem_shared>>
      tpu.wait_indirect_dma semaphore(%arg15 : memref<!tpu.dma_semaphore, #tpu.memory_space<semaphore_mem>>) src(%dma_wait3A_1989 : memref<512x128xf32, #tpu.memory_space<vmem_shared>>) dst(%arg10 : memref<112x128xf32, #tpu.memory_space<vmem>>)
      %add3A_1990 = arith.addi %mul3A_2, %mul3A_1915 : i32
      %add3A_1991 = arith.constant 224 : i32
      %add3A_1992 = arith.addi %add3A_1990, %add3A_1991 : i32
      %dma_start3A_1993 = arith.constant 0 : i32
      %dma_start3A_1994 = tpu.memref_slice %arg4[%add3A_1992, %dma_start3A_1993] : memref<100000x128xf32, #tpu.memory_space<hbm>> -> memref<112x128xf32, #tpu.memory_space<hbm>>
      %dma_start3A_1995 = arith.constant 0 : i32
      %dma_start3A_1996 = tpu.memref_slice %arg4[%add3A_1992, %dma_start3A_1995] : memref<100000x128xf32, #tpu.memory_space<hbm>> -> memref<112x128xf32, #tpu.memory_space<hbm>>
      tpu.enqueue_dma source(%arg10 : memref<112x128xf32, #tpu.memory_space<vmem>>) target(%dma_start3A_1996 : memref<112x128xf32, #tpu.memory_space<hbm>>) target_semaphore(%arg19 : memref<!tpu.dma_semaphore, #tpu.memory_space<semaphore_mem>>)
      %dma_wait3A_1997 = tpu.memref_slice %arg7[%add3A_1959] : memref<3136xi32, #tpu.memory_space<vmem>> -> memref<112xi32, #tpu.memory_space<vmem>>
      %dma_wait3A_1998 = arith.constant 0 : i32
      %dma_wait3A_1999 = arith.constant 0 : i32
      %dma_wait3A_2000 = tpu.memref_slice %arg6[%dma_wait3A_1998, %dma_wait3A_1999] : memref<512x128xf32, #tpu.memory_space<vmem_shared>> -> memref<512x128xf32, #tpu.memory_space<vmem_shared>>
      tpu.wait_indirect_dma semaphore(%arg16 : memref<!tpu.dma_semaphore, #tpu.memory_space<semaphore_mem>>) src(%dma_wait3A_2000 : memref<512x128xf32, #tpu.memory_space<vmem_shared>>) dst(%arg11 : memref<112x128xf32, #tpu.memory_space<vmem>>)
      %add3A_2001 = arith.addi %mul3A_2, %mul3A_1915 : i32
      %add3A_2002 = arith.constant 336 : i32
      %add3A_2003 = arith.addi %add3A_2001, %add3A_2002 : i32
      %dma_start3A_2004 = arith.constant 0 : i32
      %dma_start3A_2005 = tpu.memref_slice %arg4[%add3A_2003, %dma_start3A_2004] : memref<100000x128xf32, #tpu.memory_space<hbm>> -> memref<112x128xf32, #tpu.memory_space<hbm>>
      %dma_start3A_2006 = arith.constant 0 : i32
      %dma_start3A_2007 = tpu.memref_slice %arg4[%add3A_2003, %dma_start3A_2006] : memref<100000x128xf32, #tpu.memory_space<hbm>> -> memref<112x128xf32, #tpu.memory_space<hbm>>
      tpu.enqueue_dma source(%arg11 : memref<112x128xf32, #tpu.memory_space<vmem>>) target(%dma_start3A_2007 : memref<112x128xf32, #tpu.memory_space<hbm>>) target_semaphore(%arg20 : memref<!tpu.dma_semaphore, #tpu.memory_space<semaphore_mem>>)
    }
    %while3A_1900 = arith.constant 1 : i32
    scf.for %while3A_1909 = %while3A_1898 to %while3A_1894 step %while3A_1900  : i32 {
      %mul3A_1910 = arith.muli %while3A_1909, %while3A : i32
      %add3A_1911 = arith.addi %while3A_1891, %mul3A_1910 : i32
      %mul3A_1912 = arith.constant 4 : i32
      %mul3A_1913 = arith.muli %add3A_1911, %mul3A_1912 : i32
      %mul3A_1914 = arith.constant 112 : i32
      %mul3A_1915 = arith.muli %mul3A_1913, %mul3A_1914 : i32
      %dma_wait3A_1916 = arith.constant 0 : i32
      %dma_wait3A_1917 = arith.constant 0 : i32
      %dma_wait3A_1918 = tpu.memref_slice %arg4[%dma_wait3A_1916, %dma_wait3A_1917] : memref<100000x128xf32, #tpu.memory_space<hbm>> -> memref<112x128xf32, #tpu.memory_space<hbm>>
      %dma_wait3A_1919 = arith.constant 0 : i32
      %dma_wait3A_1920 = arith.constant 0 : i32
      %dma_wait3A_1921 = tpu.memref_slice %arg4[%dma_wait3A_1919, %dma_wait3A_1920] : memref<100000x128xf32, #tpu.memory_space<hbm>> -> memref<112x128xf32, #tpu.memory_space<hbm>>
      tpu.wait_dma2 semaphore(%arg17 : memref<!tpu.dma_semaphore, #tpu.memory_space<semaphore_mem>>) src(%arg8 : memref<112x128xf32, #tpu.memory_space<vmem>>) dst(%dma_wait3A_1921 : memref<112x128xf32, #tpu.memory_space<hbm>>)
      %add3A_1922 = arith.constant 0 : i32
      %add3A_1923 = arith.addi %mul3A_1915, %add3A_1922 : i32
      %dma_start3A_1924 = tpu.memref_slice %arg7[%add3A_1923] : memref<3136xi32, #tpu.memory_space<vmem>> -> memref<112xi32, #tpu.memory_space<vmem>>
      %dma_start3A_1925 = arith.constant 0 : i32
      %dma_start3A_1926 = arith.constant 0 : i32
      %dma_start3A_1927 = tpu.memref_slice %arg6[%dma_start3A_1925, %dma_start3A_1926] : memref<512x128xf32, #tpu.memory_space<vmem_shared>> -> memref<512x128xf32, #tpu.memory_space<vmem_shared>>
      tpu.enqueue_indirect_dma source(%dma_start3A_1927 : memref<512x128xf32, #tpu.memory_space<vmem_shared>>) target(%arg8 : memref<112x128xf32, #tpu.memory_space<vmem>>) offsets(%dma_start3A_1924 : memref<112xi32, #tpu.memory_space<vmem>>) semaphore(%arg13 : memref<!tpu.dma_semaphore, #tpu.memory_space<semaphore_mem>>)
      %dma_wait3A_1928 = arith.constant 0 : i32
      %dma_wait3A_1929 = arith.constant 0 : i32
      %dma_wait3A_1930 = tpu.memref_slice %arg4[%dma_wait3A_1928, %dma_wait3A_1929] : memref<100000x128xf32, #tpu.memory_space<hbm>> -> memref<112x128xf32, #tpu.memory_space<hbm>>
      %dma_wait3A_1931 = arith.constant 0 : i32
      %dma_wait3A_1932 = arith.constant 0 : i32
      %dma_wait3A_1933 = tpu.memref_slice %arg4[%dma_wait3A_1931, %dma_wait3A_1932] : memref<100000x128xf32, #tpu.memory_space<hbm>> -> memref<112x128xf32, #tpu.memory_space<hbm>>
      tpu.wait_dma2 semaphore(%arg18 : memref<!tpu.dma_semaphore, #tpu.memory_space<semaphore_mem>>) src(%arg8 : memref<112x128xf32, #tpu.memory_space<vmem>>) dst(%dma_wait3A_1933 : memref<112x128xf32, #tpu.memory_space<hbm>>)
      %add3A_1934 = arith.constant 112 : i32
      %add3A_1935 = arith.addi %mul3A_1915, %add3A_1934 : i32
      %dma_start3A_1936 = tpu.memref_slice %arg7[%add3A_1935] : memref<3136xi32, #tpu.memory_space<vmem>> -> memref<112xi32, #tpu.memory_space<vmem>>
      %dma_start3A_1937 = arith.constant 0 : i32
      %dma_start3A_1938 = arith.constant 0 : i32
      %dma_start3A_1939 = tpu.memref_slice %arg6[%dma_start3A_1937, %dma_start3A_1938] : memref<512x128xf32, #tpu.memory_space<vmem_shared>> -> memref<512x128xf32, #tpu.memory_space<vmem_shared>>
      tpu.enqueue_indirect_dma source(%dma_start3A_1939 : memref<512x128xf32, #tpu.memory_space<vmem_shared>>) target(%arg9 : memref<112x128xf32, #tpu.memory_space<vmem>>) offsets(%dma_start3A_1936 : memref<112xi32, #tpu.memory_space<vmem>>) semaphore(%arg14 : memref<!tpu.dma_semaphore, #tpu.memory_space<semaphore_mem>>)
      %dma_wait3A_1940 = arith.constant 0 : i32
      %dma_wait3A_1941 = arith.constant 0 : i32
      %dma_wait3A_1942 = tpu.memref_slice %arg4[%dma_wait3A_1940, %dma_wait3A_1941] : memref<100000x128xf32, #tpu.memory_space<hbm>> -> memref<112x128xf32, #tpu.memory_space<hbm>>
      %dma_wait3A_1943 = arith.constant 0 : i32
      %dma_wait3A_1944 = arith.constant 0 : i32
      %dma_wait3A_1945 = tpu.memref_slice %arg4[%dma_wait3A_1943, %dma_wait3A_1944] : memref<100000x128xf32, #tpu.memory_space<hbm>> -> memref<112x128xf32, #tpu.memory_space<hbm>>
      tpu.wait_dma2 semaphore(%arg19 : memref<!tpu.dma_semaphore, #tpu.memory_space<semaphore_mem>>) src(%arg8 : memref<112x128xf32, #tpu.memory_space<vmem>>) dst(%dma_wait3A_1945 : memref<112x128xf32, #tpu.memory_space<hbm>>)
      %add3A_1946 = arith.constant 224 : i32
      %add3A_1947 = arith.addi %mul3A_1915, %add3A_1946 : i32
      %dma_start3A_1948 = tpu.memref_slice %arg7[%add3A_1947] : memref<3136xi32, #tpu.memory_space<vmem>> -> memref<112xi32, #tpu.memory_space<vmem>>
      %dma_start3A_1949 = arith.constant 0 : i32
      %dma_start3A_1950 = arith.constant 0 : i32
      %dma_start3A_1951 = tpu.memref_slice %arg6[%dma_start3A_1949, %dma_start3A_1950] : memref<512x128xf32, #tpu.memory_space<vmem_shared>> -> memref<512x128xf32, #tpu.memory_space<vmem_shared>>
      tpu.enqueue_indirect_dma source(%dma_start3A_1951 : memref<512x128xf32, #tpu.memory_space<vmem_shared>>) target(%arg10 : memref<112x128xf32, #tpu.memory_space<vmem>>) offsets(%dma_start3A_1948 : memref<112xi32, #tpu.memory_space<vmem>>) semaphore(%arg15 : memref<!tpu.dma_semaphore, #tpu.memory_space<semaphore_mem>>)
      %dma_wait3A_1952 = arith.constant 0 : i32
      %dma_wait3A_1953 = arith.constant 0 : i32
      %dma_wait3A_1954 = tpu.memref_slice %arg4[%dma_wait3A_1952, %dma_wait3A_1953] : memref<100000x128xf32, #tpu.memory_space<hbm>> -> memref<112x128xf32, #tpu.memory_space<hbm>>
      %dma_wait3A_1955 = arith.constant 0 : i32
      %dma_wait3A_1956 = arith.constant 0 : i32
      %dma_wait3A_1957 = tpu.memref_slice %arg4[%dma_wait3A_1955, %dma_wait3A_1956] : memref<100000x128xf32, #tpu.memory_space<hbm>> -> memref<112x128xf32, #tpu.memory_space<hbm>>
      tpu.wait_dma2 semaphore(%arg20 : memref<!tpu.dma_semaphore, #tpu.memory_space<semaphore_mem>>) src(%arg8 : memref<112x128xf32, #tpu.memory_space<vmem>>) dst(%dma_wait3A_1957 : memref<112x128xf32, #tpu.memory_space<hbm>>)
      %add3A_1958 = arith.constant 336 : i32
      %add3A_1959 = arith.addi %mul3A_1915, %add3A_1958 : i32
      %dma_start3A_1960 = tpu.memref_slice %arg7[%add3A_1959] : memref<3136xi32, #tpu.memory_space<vmem>> -> memref<112xi32, #tpu.memory_space<vmem>>
      %dma_start3A_1961 = arith.constant 0 : i32
      %dma_start3A_1962 = arith.constant 0 : i32
      %dma_start3A_1963 = tpu.memref_slice %arg6[%dma_start3A_1961, %dma_start3A_1962] : memref<512x128xf32, #tpu.memory_space<vmem_shared>> -> memref<512x128xf32, #tpu.memory_space<vmem_shared>>
      tpu.enqueue_indirect_dma source(%dma_start3A_1963 : memref<512x128xf32, #tpu.memory_space<vmem_shared>>) target(%arg11 : memref<112x128xf32, #tpu.memory_space<vmem>>) offsets(%dma_start3A_1960 : memref<112xi32, #tpu.memory_space<vmem>>) semaphore(%arg16 : memref<!tpu.dma_semaphore, #tpu.memory_space<semaphore_mem>>)
      %dma_wait3A_1964 = tpu.memref_slice %arg7[%add3A_1923] : memref<3136xi32, #tpu.memory_space<vmem>> -> memref<112xi32, #tpu.memory_space<vmem>>
      %dma_wait3A_1965 = arith.constant 0 : i32
      %dma_wait3A_1966 = arith.constant 0 : i32
      %dma_wait3A_1967 = tpu.memref_slice %arg6[%dma_wait3A_1965, %dma_wait3A_1966] : memref<512x128xf32, #tpu.memory_space<vmem_shared>> -> memref<512x128xf32, #tpu.memory_space<vmem_shared>>
      tpu.wait_indirect_dma semaphore(%arg13 : memref<!tpu.dma_semaphore, #tpu.memory_space<semaphore_mem>>) src(%dma_wait3A_1967 : memref<512x128xf32, #tpu.memory_space<vmem_shared>>) dst(%arg8 : memref<112x128xf32, #tpu.memory_space<vmem>>)
      %add3A_1968 = arith.addi %mul3A_2, %mul3A_1915 : i32
      %add3A_1969 = arith.constant 0 : i32
      %add3A_1970 = arith.addi %add3A_1968, %add3A_1969 : i32
      %dma_start3A_1971 = arith.constant 0 : i32
      %dma_start3A_1972 = tpu.memref_slice %arg4[%add3A_1970, %dma_start3A_1971] : memref<100000x128xf32, #tpu.memory_space<hbm>> -> memref<112x128xf32, #tpu.memory_space<hbm>>
      %dma_start3A_1973 = arith.constant 0 : i32
      %dma_start3A_1974 = tpu.memref_slice %arg4[%add3A_1970, %dma_start3A_1973] : memref<100000x128xf32, #tpu.memory_space<hbm>> -> memref<112x128xf32, #tpu.memory_space<hbm>>
      tpu.enqueue_dma source(%arg8 : memref<112x128xf32, #tpu.memory_space<vmem>>) target(%dma_start3A_1974 : memref<112x128xf32, #tpu.memory_space<hbm>>) target_semaphore(%arg17 : memref<!tpu.dma_semaphore, #tpu.memory_space<semaphore_mem>>)
      %dma_wait3A_1975 = tpu.memref_slice %arg7[%add3A_1935] : memref<3136xi32, #tpu.memory_space<vmem>> -> memref<112xi32, #tpu.memory_space<vmem>>
      %dma_wait3A_1976 = arith.constant 0 : i32
      %dma_wait3A_1977 = arith.constant 0 : i32
      %dma_wait3A_1978 = tpu.memref_slice %arg6[%dma_wait3A_1976, %dma_wait3A_1977] : memref<512x128xf32, #tpu.memory_space<vmem_shared>> -> memref<512x128xf32, #tpu.memory_space<vmem_shared>>
      tpu.wait_indirect_dma semaphore(%arg14 : memref<!tpu.dma_semaphore, #tpu.memory_space<semaphore_mem>>) src(%dma_wait3A_1978 : memref<512x128xf32, #tpu.memory_space<vmem_shared>>) dst(%arg9 : memref<112x128xf32, #tpu.memory_space<vmem>>)
      %add3A_1979 = arith.addi %mul3A_2, %mul3A_1915 : i32
      %add3A_1980 = arith.constant 112 : i32
      %add3A_1981 = arith.addi %add3A_1979, %add3A_1980 : i32
      %dma_start3A_1982 = arith.constant 0 : i32
      %dma_start3A_1983 = tpu.memref_slice %arg4[%add3A_1981, %dma_start3A_1982] : memref<100000x128xf32, #tpu.memory_space<hbm>> -> memref<112x128xf32, #tpu.memory_space<hbm>>
      %dma_start3A_1984 = arith.constant 0 : i32
      %dma_start3A_1985 = tpu.memref_slice %arg4[%add3A_1981, %dma_start3A_1984] : memref<100000x128xf32, #tpu.memory_space<hbm>> -> memref<112x128xf32, #tpu.memory_space<hbm>>
      tpu.enqueue_dma source(%arg9 : memref<112x128xf32, #tpu.memory_space<vmem>>) target(%dma_start3A_1985 : memref<112x128xf32, #tpu.memory_space<hbm>>) target_semaphore(%arg18 : memref<!tpu.dma_semaphore, #tpu.memory_space<semaphore_mem>>)
      %dma_wait3A_1986 = tpu.memref_slice %arg7[%add3A_1947] : memref<3136xi32, #tpu.memory_space<vmem>> -> memref<112xi32, #tpu.memory_space<vmem>>
      %dma_wait3A_1987 = arith.constant 0 : i32
      %dma_wait3A_1988 = arith.constant 0 : i32
      %dma_wait3A_1989 = tpu.memref_slice %arg6[%dma_wait3A_1987, %dma_wait3A_1988] : memref<512x128xf32, #tpu.memory_space<vmem_shared>> -> memref<512x128xf32, #tpu.memory_space<vmem_shared>>
      tpu.wait_indirect_dma semaphore(%arg15 : memref<!tpu.dma_semaphore, #tpu.memory_space<semaphore_mem>>) src(%dma_wait3A_1989 : memref<512x128xf32, #tpu.memory_space<vmem_shared>>) dst(%arg10 : memref<112x128xf32, #tpu.memory_space<vmem>>)
      %add3A_1990 = arith.addi %mul3A_2, %mul3A_1915 : i32
      %add3A_1991 = arith.constant 224 : i32
      %add3A_1992 = arith.addi %add3A_1990, %add3A_1991 : i32
      %dma_start3A_1993 = arith.constant 0 : i32
      %dma_start3A_1994 = tpu.memref_slice %arg4[%add3A_1992, %dma_start3A_1993] : memref<100000x128xf32, #tpu.memory_space<hbm>> -> memref<112x128xf32, #tpu.memory_space<hbm>>
      %dma_start3A_1995 = arith.constant 0 : i32
      %dma_start3A_1996 = tpu.memref_slice %arg4[%add3A_1992, %dma_start3A_1995] : memref<100000x128xf32, #tpu.memory_space<hbm>> -> memref<112x128xf32, #tpu.memory_space<hbm>>
      tpu.enqueue_dma source(%arg10 : memref<112x128xf32, #tpu.memory_space<vmem>>) target(%dma_start3A_1996 : memref<112x128xf32, #tpu.memory_space<hbm>>) target_semaphore(%arg19 : memref<!tpu.dma_semaphore, #tpu.memory_space<semaphore_mem>>)
      %dma_wait3A_1997 = tpu.memref_slice %arg7[%add3A_1959] : memref<3136xi32, #tpu.memory_space<vmem>> -> memref<112xi32, #tpu.memory_space<vmem>>
      %dma_wait3A_1998 = arith.constant 0 : i32
      %dma_wait3A_1999 = arith.constant 0 : i32
      %dma_wait3A_2000 = tpu.memref_slice %arg6[%dma_wait3A_1998, %dma_wait3A_1999] : memref<512x128xf32, #tpu.memory_space<vmem_shared>> -> memref<512x128xf32, #tpu.memory_space<vmem_shared>>
      tpu.wait_indirect_dma semaphore(%arg16 : memref<!tpu.dma_semaphore, #tpu.memory_space<semaphore_mem>>) src(%dma_wait3A_2000 : memref<512x128xf32, #tpu.memory_space<vmem_shared>>) dst(%arg11 : memref<112x128xf32, #tpu.memory_space<vmem>>)
      %add3A_2001 = arith.addi %mul3A_2, %mul3A_1915 : i32
      %add3A_2002 = arith.constant 336 : i32
      %add3A_2003 = arith.addi %add3A_2001, %add3A_2002 : i32
      %dma_start3A_2004 = arith.constant 0 : i32
      %dma_start3A_2005 = tpu.memref_slice %arg4[%add3A_2003, %dma_start3A_2004] : memref<100000x128xf32, #tpu.memory_space<hbm>> -> memref<112x128xf32, #tpu.memory_space<hbm>>
      %dma_start3A_2006 = arith.constant 0 : i32
      %dma_start3A_2007 = tpu.memref_slice %arg4[%add3A_2003, %dma_start3A_2006] : memref<100000x128xf32, #tpu.memory_space<hbm>> -> memref<112x128xf32, #tpu.memory_space<hbm>>
      tpu.enqueue_dma source(%arg11 : memref<112x128xf32, #tpu.memory_space<vmem>>) target(%dma_start3A_2007 : memref<112x128xf32, #tpu.memory_space<hbm>>) target_semaphore(%arg20 : memref<!tpu.dma_semaphore, #tpu.memory_space<semaphore_mem>>)
    }
    %not3A_1901 = arith.constant true
    %not3A_1902 = arith.xori %eq3A_3, %not3A_1901 : i1
    %convert_element_type3A_1903 = arith.extui %not3A_1902 : i1 to i32
    %cond3A_1904 = arith.constant 0 : i32
    %cond3A_1905 = arith.cmpi ne, %convert_element_type3A_1903, %cond3A_1904 : i32
    scf.if %cond3A_1905 {
      %dma_wait3A_1909 = arith.constant 0 : i32
      %dma_wait3A_1910 = arith.constant 0 : i32
      %dma_wait3A_1911 = tpu.memref_slice %arg4[%dma_wait3A_1909, %dma_wait3A_1910] : memref<100000x128xf32, #tpu.memory_space<hbm>> -> memref<112x128xf32, #tpu.memory_space<hbm>>
      %dma_wait3A_1912 = arith.constant 0 : i32
      %dma_wait3A_1913 = arith.constant 0 : i32
      %dma_wait3A_1914 = tpu.memref_slice %arg4[%dma_wait3A_1912, %dma_wait3A_1913] : memref<100000x128xf32, #tpu.memory_space<hbm>> -> memref<112x128xf32, #tpu.memory_space<hbm>>
      tpu.wait_dma2 semaphore(%arg17 : memref<!tpu.dma_semaphore, #tpu.memory_space<semaphore_mem>>) src(%arg8 : memref<112x128xf32, #tpu.memory_space<vmem>>) dst(%dma_wait3A_1914 : memref<112x128xf32, #tpu.memory_space<hbm>>)
      %dma_wait3A_1915 = arith.constant 0 : i32
      %dma_wait3A_1916 = arith.constant 0 : i32
      %dma_wait3A_1917 = tpu.memref_slice %arg4[%dma_wait3A_1915, %dma_wait3A_1916] : memref<100000x128xf32, #tpu.memory_space<hbm>> -> memref<112x128xf32, #tpu.memory_space<hbm>>
      %dma_wait3A_1918 = arith.constant 0 : i32
      %dma_wait3A_1919 = arith.constant 0 : i32
      %dma_wait3A_1920 = tpu.memref_slice %arg4[%dma_wait3A_1918, %dma_wait3A_1919] : memref<100000x128xf32, #tpu.memory_space<hbm>> -> memref<112x128xf32, #tpu.memory_space<hbm>>
      tpu.wait_dma2 semaphore(%arg18 : memref<!tpu.dma_semaphore, #tpu.memory_space<semaphore_mem>>) src(%arg8 : memref<112x128xf32, #tpu.memory_space<vmem>>) dst(%dma_wait3A_1920 : memref<112x128xf32, #tpu.memory_space<hbm>>)
      %dma_wait3A_1921 = arith.constant 0 : i32
      %dma_wait3A_1922 = arith.constant 0 : i32
      %dma_wait3A_1923 = tpu.memref_slice %arg4[%dma_wait3A_1921, %dma_wait3A_1922] : memref<100000x128xf32, #tpu.memory_space<hbm>> -> memref<112x128xf32, #tpu.memory_space<hbm>>
      %dma_wait3A_1924 = arith.constant 0 : i32
      %dma_wait3A_1925 = arith.constant 0 : i32
      %dma_wait3A_1926 = tpu.memref_slice %arg4[%dma_wait3A_1924, %dma_wait3A_1925] : memref<100000x128xf32, #tpu.memory_space<hbm>> -> memref<112x128xf32, #tpu.memory_space<hbm>>
      tpu.wait_dma2 semaphore(%arg19 : memref<!tpu.dma_semaphore, #tpu.memory_space<semaphore_mem>>) src(%arg8 : memref<112x128xf32, #tpu.memory_space<vmem>>) dst(%dma_wait3A_1926 : memref<112x128xf32, #tpu.memory_space<hbm>>)
      %dma_wait3A_1927 = arith.constant 0 : i32
      %dma_wait3A_1928 = arith.constant 0 : i32
      %dma_wait3A_1929 = tpu.memref_slice %arg4[%dma_wait3A_1927, %dma_wait3A_1928] : memref<100000x128xf32, #tpu.memory_space<hbm>> -> memref<112x128xf32, #tpu.memory_space<hbm>>
      %dma_wait3A_1930 = arith.constant 0 : i32
      %dma_wait3A_1931 = arith.constant 0 : i32
      %dma_wait3A_1932 = tpu.memref_slice %arg4[%dma_wait3A_1930, %dma_wait3A_1931] : memref<100000x128xf32, #tpu.memory_space<hbm>> -> memref<112x128xf32, #tpu.memory_space<hbm>>
      tpu.wait_dma2 semaphore(%arg20 : memref<!tpu.dma_semaphore, #tpu.memory_space<semaphore_mem>>) src(%arg8 : memref<112x128xf32, #tpu.memory_space<vmem>>) dst(%dma_wait3A_1932 : memref<112x128xf32, #tpu.memory_space<hbm>>)
    } else {
    }
    %convert_element_type3A_1906 = arith.extui %eq3A_3 : i1 to i32
    %cond3A_1907 = arith.constant 0 : i32
    %cond3A_1908 = arith.cmpi ne, %convert_element_type3A_1906, %cond3A_1907 : i32
    scf.if %cond3A_1908 {
      %dma_wait3A_1909 = arith.constant 0 : i32
      %dma_wait3A_1910 = arith.constant 0 : i32
      %dma_wait3A_1911 = tpu.memref_slice %arg4[%dma_wait3A_1909, %dma_wait3A_1910] : memref<100000x128xf32, #tpu.memory_space<hbm>> -> memref<112x128xf32, #tpu.memory_space<hbm>>
      %dma_wait3A_1912 = arith.constant 0 : i32
      %dma_wait3A_1913 = arith.constant 0 : i32
      %dma_wait3A_1914 = tpu.memref_slice %arg4[%dma_wait3A_1912, %dma_wait3A_1913] : memref<100000x128xf32, #tpu.memory_space<hbm>> -> memref<112x128xf32, #tpu.memory_space<hbm>>
      tpu.wait_dma2 semaphore(%arg17 : memref<!tpu.dma_semaphore, #tpu.memory_space<semaphore_mem>>) src(%arg8 : memref<112x128xf32, #tpu.memory_space<vmem>>) dst(%dma_wait3A_1914 : memref<112x128xf32, #tpu.memory_space<hbm>>)
      %dma_start3A_1915 = arith.constant 0 : i32
      %dma_start3A_1916 = arith.constant 0 : i32
      %dma_start3A_1917 = tpu.memref_slice %arg8[%dma_start3A_1915, %dma_start3A_1916] : memref<112x128xf32, #tpu.memory_space<vmem>> -> memref<96x128xf32, #tpu.memory_space<vmem>>
      %dma_start3A_1918 = arith.constant 2784 : i32
      %dma_start3A_1919 = tpu.memref_slice %arg7[%dma_start3A_1918] : memref<3136xi32, #tpu.memory_space<vmem>> -> memref<96xi32, #tpu.memory_space<vmem>>
      %dma_start3A_1920 = arith.constant 0 : i32
      %dma_start3A_1921 = arith.constant 0 : i32
      %dma_start3A_1922 = tpu.memref_slice %arg6[%dma_start3A_1920, %dma_start3A_1921] : memref<512x128xf32, #tpu.memory_space<vmem_shared>> -> memref<512x128xf32, #tpu.memory_space<vmem_shared>>
      tpu.enqueue_indirect_dma source(%dma_start3A_1922 : memref<512x128xf32, #tpu.memory_space<vmem_shared>>) target(%dma_start3A_1917 : memref<96x128xf32, #tpu.memory_space<vmem>>) offsets(%dma_start3A_1919 : memref<96xi32, #tpu.memory_space<vmem>>) semaphore(%arg13 : memref<!tpu.dma_semaphore, #tpu.memory_space<semaphore_mem>>)
      %dma_wait3A_1923 = arith.constant 0 : i32
      %dma_wait3A_1924 = arith.constant 0 : i32
      %dma_wait3A_1925 = tpu.memref_slice %arg8[%dma_wait3A_1923, %dma_wait3A_1924] : memref<112x128xf32, #tpu.memory_space<vmem>> -> memref<96x128xf32, #tpu.memory_space<vmem>>
      %dma_wait3A_1926 = arith.constant 2784 : i32
      %dma_wait3A_1927 = tpu.memref_slice %arg7[%dma_wait3A_1926] : memref<3136xi32, #tpu.memory_space<vmem>> -> memref<96xi32, #tpu.memory_space<vmem>>
      %dma_wait3A_1928 = arith.constant 0 : i32
      %dma_wait3A_1929 = arith.constant 0 : i32
      %dma_wait3A_1930 = tpu.memref_slice %arg6[%dma_wait3A_1928, %dma_wait3A_1929] : memref<512x128xf32, #tpu.memory_space<vmem_shared>> -> memref<512x128xf32, #tpu.memory_space<vmem_shared>>
      tpu.wait_indirect_dma semaphore(%arg13 : memref<!tpu.dma_semaphore, #tpu.memory_space<semaphore_mem>>) src(%dma_wait3A_1930 : memref<512x128xf32, #tpu.memory_space<vmem_shared>>) dst(%dma_wait3A_1925 : memref<96x128xf32, #tpu.memory_space<vmem>>)
      %dma_start3A_1931 = arith.constant 0 : i32
      %dma_start3A_1932 = arith.constant 0 : i32
      %dma_start3A_1933 = tpu.memref_slice %arg8[%dma_start3A_1931, %dma_start3A_1932] : memref<112x128xf32, #tpu.memory_space<vmem>> -> memref<96x128xf32, #tpu.memory_space<vmem>>
      %dma_start3A_1934 = arith.constant 99904 : i32
      %dma_start3A_1935 = arith.constant 0 : i32
      %dma_start3A_1936 = tpu.memref_slice %arg4[%dma_start3A_1934, %dma_start3A_1935] : memref<100000x128xf32, #tpu.memory_space<hbm>> -> memref<96x128xf32, #tpu.memory_space<hbm>>
      %dma_start3A_1937 = arith.constant 99904 : i32
      %dma_start3A_1938 = arith.constant 0 : i32
      %dma_start3A_1939 = tpu.memref_slice %arg4[%dma_start3A_1937, %dma_start3A_1938] : memref<100000x128xf32, #tpu.memory_space<hbm>> -> memref<96x128xf32, #tpu.memory_space<hbm>>
      %dma_start3A_1940 = arith.constant 0 : i32
      %dma_start3A_1941 = arith.constant 0 : i32
      %dma_start3A_1942 = tpu.memref_slice %arg8[%dma_start3A_1940, %dma_start3A_1941] : memref<112x128xf32, #tpu.memory_space<vmem>> -> memref<96x128xf32, #tpu.memory_space<vmem>>
      tpu.enqueue_dma source(%dma_start3A_1942 : memref<96x128xf32, #tpu.memory_space<vmem>>) target(%dma_start3A_1939 : memref<96x128xf32, #tpu.memory_space<hbm>>) target_semaphore(%arg21 : memref<!tpu.dma_semaphore, #tpu.memory_space<semaphore_mem>>)
      %dma_wait3A_1943 = arith.constant 0 : i32
      %dma_wait3A_1944 = arith.constant 0 : i32
      %dma_wait3A_1945 = tpu.memref_slice %arg8[%dma_wait3A_1943, %dma_wait3A_1944] : memref<112x128xf32, #tpu.memory_space<vmem>> -> memref<96x128xf32, #tpu.memory_space<vmem>>
      %dma_wait3A_1946 = arith.constant 99904 : i32
      %dma_wait3A_1947 = arith.constant 0 : i32
      %dma_wait3A_1948 = tpu.memref_slice %arg4[%dma_wait3A_1946, %dma_wait3A_1947] : memref<100000x128xf32, #tpu.memory_space<hbm>> -> memref<96x128xf32, #tpu.memory_space<hbm>>
      %dma_wait3A_1949 = arith.constant 99904 : i32
      %dma_wait3A_1950 = arith.constant 0 : i32
      %dma_wait3A_1951 = tpu.memref_slice %arg4[%dma_wait3A_1949, %dma_wait3A_1950] : memref<100000x128xf32, #tpu.memory_space<hbm>> -> memref<96x128xf32, #tpu.memory_space<hbm>>
      %dma_wait3A_1952 = arith.constant 0 : i32
      %dma_wait3A_1953 = arith.constant 0 : i32
      %dma_wait3A_1954 = tpu.memref_slice %arg8[%dma_wait3A_1952, %dma_wait3A_1953] : memref<112x128xf32, #tpu.memory_space<vmem>> -> memref<96x128xf32, #tpu.memory_space<vmem>>
      tpu.wait_dma2 semaphore(%arg21 : memref<!tpu.dma_semaphore, #tpu.memory_space<semaphore_mem>>) src(%dma_wait3A_1954 : memref<96x128xf32, #tpu.memory_space<vmem>>) dst(%dma_wait3A_1951 : memref<96x128xf32, #tpu.memory_space<hbm>>)
      %dma_wait3A_1955 = arith.constant 0 : i32
      %dma_wait3A_1956 = arith.constant 0 : i32
      %dma_wait3A_1957 = tpu.memref_slice %arg4[%dma_wait3A_1955, %dma_wait3A_1956] : memref<100000x128xf32, #tpu.memory_space<hbm>> -> memref<112x128xf32, #tpu.memory_space<hbm>>
      %dma_wait3A_1958 = arith.constant 0 : i32
      %dma_wait3A_1959 = arith.constant 0 : i32
      %dma_wait3A_1960 = tpu.memref_slice %arg4[%dma_wait3A_1958, %dma_wait3A_1959] : memref<100000x128xf32, #tpu.memory_space<hbm>> -> memref<112x128xf32, #tpu.memory_space<hbm>>
      tpu.wait_dma2 semaphore(%arg18 : memref<!tpu.dma_semaphore, #tpu.memory_space<semaphore_mem>>) src(%arg8 : memref<112x128xf32, #tpu.memory_space<vmem>>) dst(%dma_wait3A_1960 : memref<112x128xf32, #tpu.memory_space<hbm>>)
      %dma_wait3A_1961 = arith.constant 0 : i32
      %dma_wait3A_1962 = arith.constant 0 : i32
      %dma_wait3A_1963 = tpu.memref_slice %arg4[%dma_wait3A_1961, %dma_wait3A_1962] : memref<100000x128xf32, #tpu.memory_space<hbm>> -> memref<112x128xf32, #tpu.memory_space<hbm>>
      %dma_wait3A_1964 = arith.constant 0 : i32
      %dma_wait3A_1965 = arith.constant 0 : i32
      %dma_wait3A_1966 = tpu.memref_slice %arg4[%dma_wait3A_1964, %dma_wait3A_1965] : memref<100000x128xf32, #tpu.memory_space<hbm>> -> memref<112x128xf32, #tpu.memory_space<hbm>>
      tpu.wait_dma2 semaphore(%arg19 : memref<!tpu.dma_semaphore, #tpu.memory_space<semaphore_mem>>) src(%arg8 : memref<112x128xf32, #tpu.memory_space<vmem>>) dst(%dma_wait3A_1966 : memref<112x128xf32, #tpu.memory_space<hbm>>)
      %dma_wait3A_1967 = arith.constant 0 : i32
      %dma_wait3A_1968 = arith.constant 0 : i32
      %dma_wait3A_1969 = tpu.memref_slice %arg4[%dma_wait3A_1967, %dma_wait3A_1968] : memref<100000x128xf32, #tpu.memory_space<hbm>> -> memref<112x128xf32, #tpu.memory_space<hbm>>
      %dma_wait3A_1970 = arith.constant 0 : i32
      %dma_wait3A_1971 = arith.constant 0 : i32
      %dma_wait3A_1972 = tpu.memref_slice %arg4[%dma_wait3A_1970, %dma_wait3A_1971] : memref<100000x128xf32, #tpu.memory_space<hbm>> -> memref<112x128xf32, #tpu.memory_space<hbm>>
      tpu.wait_dma2 semaphore(%arg20 : memref<!tpu.dma_semaphore, #tpu.memory_space<semaphore_mem>>) src(%arg8 : memref<112x128xf32, #tpu.memory_space<vmem>>) dst(%dma_wait3A_1972 : memref<112x128xf32, #tpu.memory_space<hbm>>)
    } else {
    }
    return
  }
}

</mosaic_0001>

<sc_bundles>
// kernel: _run.3.cloned.1.call-start
scs
__scs_entry_jumppad:
0x0: {  	(pc) =	sbr.rel $0x88, $3  }
0x1: {  	(tag) =	ssettag $0x0;
	lr =	simm.s32 $0x1  }
0x2: {  	[smem:$0x3F9F] =	sst lr;
	_ =	strace $0xD0000000  }
0x3: {  	_ = 	snop  }
0x4: {  	_ = 	snop  }
0x5: {  	_ = 	snop  }
0x6: {  	_ = 	snop  }
0x7: {  	_ = 	snop  }
__scs_overlays_trampoline_lowered:
0x8: {  	[smem:$0x3FAE] =	sst s0  }
0x9: {  	[smem:$0x3FAF] =	sst s1  }
0xa: {  	[smem:$0x3FB0] =	sst s2  }
0xb: {  	[smem:$0x3FB1] =	sst s3  }
0xc: {  	[smem:$0x3FB2] =	sst s4  }
0xd: {  	[smem:$0x3FB3] =	sst s5  }
0xe: {  	[smem:$0x3FB4] =	sst s6  }
0xf: {  	[smem:$0x3FB5] =	sst s7  }
0x10: {  	[smem:$0x3FB6] =	sst s8  }
0x11: {  	[smem:$0x3FB7] =	sst s9;
	s0 =	simm.s32 @!p0 $0x0  }
0x12: {  	s1 =	sld [smem:$0x3F9D];
	s0 =	simm.s32 @p0 $0x1  }
0x13: {  	[smem:$0x3FB8] =	sst s0;
	s0 =	simm.s32 @!p1 $0x0  }
0x14: {  	s2 =	sld [smem:$0x3F9C];
	s0 =	simm.s32 @p1 $0x1  }
0x15: {  	[smem:$0x3FB9] =	sst s0;
	s0 =	simm.s32 @!p2 $0x0  }
0x16: {  	s3 =	sld [smem:$0x3FDB];
	s0 =	simm.s32 @p2 $0x1  }
0x17: {  	s4 =	simm.s32 $0x1BF5;
	[smem:$0x3FBB] =	sst s0  }
0x18: {  	s0 =	sld [smem:$0x3F9E];
	_ =	swait.ge [sflag:s4], $0x0  }
0x19: {  	s7 =	sld [smem:$0x3F9F]  }
0x1a: {  	s8 =	sadd.s32 $0xFFFFE003, lr  }
0x1b: {  	s9 =	sadd.s32 $0xFFFFFEF7, lr;
	s5 =	simm.s32 $0xFFFFFFFF;
	p2 =	slt.u32 s8, $0xFFFFF086  }
0x1c: {  	p1 =	slt.u32 s9, $0xF7A;
	s5 =	simm.s32 @!p2 $0x0  }
0x1d: {  	s5 =	simm.s32 @p1 $0x1;
	p0 =	seq.s32 s7, s2  }
0x1e: {  	s7 =	smul.u32 @!p0 $0xF7A, s2;
	p2 =	seq.s32 @!p0 s5, $0x0  }
0x1f: {  	s9 =	smul.u32 $0xF7A, s1;
	s8 =	simm.s32 @!p0 $0x1BF5;
	p2 =	por !p2, p0  }
0x20: {  	[sflag:s8] =	ssyncset.s32 @!p0 $0xFFFFF086;
	s6 =	sadd.s32 @!p0 s3, s7;
	s7 =	simm.s32 @!p0 $0x108  }
0x21: {  	s3 =	sadd.s32 s3, s9;
	s6 =	sadd.s32 @!p0 $0x88, s6;
	s7 =	simm.s32 @p2 $0x1082  }
0x22: {  	[simem:s7], [sflag:s8] =	dma.local @!p0 [hbm:s6], $0xF7A  }
0x23: {  	s9 =	sor.u32 $0xD0000000, s2;
	s6 =	simm.s32 $0x108;
	_ =	swait.ge @!p0 [sflag:s8], $0x0  }
0x24: {  	s3 =	sadd.s32 $0x88, s3;
	s6 =	simm.s32 @!p1 $0x1082;
	[sflag:s4] =	ssyncset.s32 $0xFFFFF086  }
0x25: {  	[simem:s6], [sflag:s4] =	dma.local [hbm:s3], $0xF7A  }
0x26: {  	[smem:$0x3F9F] =	sst s1;
	(tag) =	ssettag s2;
	_ =	strace s9  }
0x27: {  	s1 =	sld [smem:$0x3FAF]  }
0x28: {  	s2 =	sld [smem:$0x3FB0]  }
0x29: {  	s4 =	sld [smem:$0x3FB2]  }
0x2a: {  	p0 =	seq.s32 s5, $0x0;
	s5 =	sld [smem:$0x3FB3]  }
0x2b: {  	s6 =	sld [smem:$0x3FB4]  }
0x2c: {  	s7 =	sld [smem:$0x3FB5]  }
0x2d: {  	s3 =	simm.s32 $0x108;
	s8 =	sld [smem:$0x3FB6]  }
0x2e: {  	s3 =	simm.s32 @!p0 $0x1082;
	s9 =	sld [smem:$0x3FB7]  }
0x2f: {  	lr =	sadd.s32 s0, s3;
	s0 =	sld [smem:$0x3FAE]  }
0x30: {  	s3 =	sld [smem:$0x3FB1]  }
0x31: {  	[smem:$0x3FBA] =	sst s10  }
0x32: {  	s10 =	sld [smem:$0x3FB8];
	_ =	sdelay $0x3  }
0x33: {  	p0 =	seq.s32 s10, $0x1;
	s10 =	sld [smem:$0x3FBA];
	_ =	sdelay $0x3  }
0x34: {  	[smem:$0x3FBA] =	sst s10  }
0x35: {  	s10 =	sld [smem:$0x3FB9];
	_ =	sdelay $0x3  }
0x36: {  	p1 =	seq.s32 s10, $0x1;
	s10 =	sld [smem:$0x3FBA];
	_ =	sdelay $0x3  }
0x37: {  	[smem:$0x3FBA] =	sst s10  }
0x38: {  	s10 =	sld [smem:$0x3FBB]  }
0x39: {  	_ = 	snop;
	(pc) =	sbr.ind lr, $3  }
0x3a: {  	_ = 	snop  }
0x3b: {  	_ = 	snop  }
0x3c: {  	p2 =	seq.s32 s10, $0x1;
	s10 =	sld [smem:$0x3FBA]  }
0x3d: {  	_ =	shalt  }
0x3e: {  	_ =	shalt  }
0x3f: {  	_ =	shalt  }
0x40: {  	_ =	shalt  }
0x41: {  	_ =	shalt  }
0x42: {  	_ =	shalt  }
0x43: {  	_ =	shalt  }
0x44: {  	_ =	shalt  }
0x45: {  	_ =	shalt  }
0x46: {  	_ =	shalt  }
0x47: {  	_ =	shalt  }
0x48: {  	_ =	shalt  }
0x49: {  	_ =	shalt  }
0x4a: {  	_ =	shalt  }
0x4b: {  	_ =	shalt  }
0x4c: {  	_ =	shalt  }
0x4d: {  	_ =	shalt  }
0x4e: {  	_ =	shalt  }
0x4f: {  	_ =	shalt  }
0x50: {  	_ =	shalt  }
0x51: {  	_ =	shalt  }
0x52: {  	_ =	shalt  }
0x53: {  	_ =	shalt  }
0x54: {  	_ =	shalt  }
0x55: {  	_ =	shalt  }
0x56: {  	_ =	shalt  }
0x57: {  	_ =	shalt  }
0x58: {  	_ =	shalt  }
0x59: {  	_ =	shalt  }
0x5a: {  	_ =	shalt  }
0x5b: {  	_ =	shalt  }
0x5c: {  	_ =	shalt  }
0x5d: {  	_ =	shalt  }
0x5e: {  	_ =	shalt  }
0x5f: {  	_ =	shalt  }
0x60: {  	_ =	shalt  }
0x61: {  	_ =	shalt  }
0x62: {  	_ =	shalt  }
0x63: {  	_ =	shalt  }
0x64: {  	_ =	shalt  }
0x65: {  	_ =	shalt  }
0x66: {  	_ =	shalt  }
0x67: {  	_ =	shalt  }
0x68: {  	_ =	shalt  }
0x69: {  	_ =	shalt  }
0x6a: {  	_ =	shalt  }
0x6b: {  	_ =	shalt  }
0x6c: {  	_ =	shalt  }
0x6d: {  	_ =	shalt  }
0x6e: {  	_ =	shalt  }
0x6f: {  	_ =	shalt  }
0x70: {  	_ =	shalt  }
0x71: {  	_ =	shalt  }
0x72: {  	_ =	shalt  }
0x73: {  	_ =	shalt  }
0x74: {  	_ =	shalt  }
0x75: {  	_ =	shalt  }
0x76: {  	_ =	shalt  }
0x77: {  	_ =	shalt  }
0x78: {  	_ =	shalt  }
0x79: {  	_ =	shalt  }
0x7a: {  	_ =	shalt  }
0x7b: {  	_ =	shalt  }
0x7c: {  	_ =	shalt  }
0x7d: {  	_ =	shalt  }
0x7e: {  	_ =	shalt  }
0x7f: {  	_ =	shalt  }
0x80: {  	_ =	shalt  }
0x81: {  	_ =	shalt  }
0x82: {  	_ =	shalt  }
0x83: {  	_ =	shalt  }
0x84: {  	_ =	shalt  }
0x85: {  	_ =	shalt  }
0x86: {  	_ =	shalt  }
0x87: {  	_ =	shalt  }
.Lfunc_end0:
.L_simem_size_0:
called_computation_lowered:
.L_overlay_start_0:
0x88: {  	s2 =	sld [smem:$0x3FD9]  }
0x89: {  	s3 =	sld [smem:$0x3FFE];
	_ =	sdelay $0x1  }
0x8a: {  	s1 =	srdreg.scid  }
0x8b: {  	s0 =	sand.u32 $0x1, s1  }
0x8c: {  	s18 =	sshll.u32 s0, $0xA;
	s2 =	sadd.s32 s3, s2  }
0x8d: {  	s2 =	sadd.s32 s2, s18  }
0x8e: {  	[smem:$0x3FC6] =	sst s2  }
0x8f: {  	_ = 	snop  }
0x90: {  	s2 =	sld [smem:$0x3FC9]  }
0x91: {  	s19 =	sld [smem:$0x3FC8]  }
0x92: {  	s4 =	sld [smem:$0x3FD0];
	(tm) =	ssettm $0x1  }
0x93: {  	s5 =	sld [smem:$0x3FFB];
	_ =	sdelay $0x3  }
0x94: {  	_ =	strace s5  }
0x95: {  	s5 =	sld [smem:$0x3FFC];
	_ =	sdelay $0x3  }
0x96: {  	_ =	strace s5  }
0x97: {  	s5 =	sld [smem:$0x3FFD];
	_ =	sdelay $0x3  }
0x98: {  	_ =	strace s5  }
0x99: {  	_ =	strace $0x8FFFFFFF  }
0x9a: {  	s20 =	sld [smem:$0x3FDB];
	_ =	sdelay $0x1  }
0x9b: {  	s6 =	simm.s32 $_scs_section_size  }
0x9c: {  	s7 =	simm.s32 $_size__tile_overlayer_lowered;
	s8 =	simm.s32 $_tile_overlayer_lowered  }
0x9d: {  	s23 =	simm.s32 $0x1BFF;
	s22 =	sshll.u32 s8, $0x1;
	s5 =	sadd.s32 s6, s20  }
0x9e: {  	s9 =	simm.s32 $0x0;
	s21 =	sshll.u32 s7, $0x1;
	s7 =	sadd.s32 s22, s5  }
0x9f: {  	[timem:s9], [sflag:s23] =	dma.local [hbm:s7], s21  }
0xa0: {  	_ =	swait.ge [sflag:s23], s21  }
0xa1: {  	s6 =	ssub.s32 $0x0, s21;
	[sflag:s23] =	ssyncset.done $0x0  }
0xa2: {  	[sflag:s23] =	ssyncadd.s32 s6;
	_ =	sdelay $0x1  }
0xa3: {  	s24 =	simm.s32 $0x1B8B  }
0xa4: {  	_ =	swait.ge [sflag:s24], $0x1  }
0xa5: {  	[sflag:s24] =	ssyncset.done $0x0  }
0xa6: {  	s25 =	simm.s32 $0x1B8E;
	[sflag:s24] =	ssyncadd.s32 $0xFFFFFFFF  }
0xa7: {  	s26 =	simm.s32 $execute0_lowered;
	[smem:$0x3FD2] =	sst s25  }
0xa8: {  	s6 =	sshll.u32 s26, $0x1;
	_ =	strace $0x80000046;
	[dreg:$0x1] =	wrdreg $0xFFFFFFFF  }
0xa9: {  	s28 =	simm.s32 $_size_execute0_lowered;
	s5 =	sadd.s32 s5, s6;
	[dreg:$0x0] =	wrdreg $0x0  }
0xaa: {  	s6 =	sshll.u32 s28, $0x1;
	[dreg:$0x2] =	wrdreg s5  }
0xab: {  	[dreg:$0x3] =	wrdreg s6  }
0xac: {  	[dreg:$0x4] =	wrdreg $0xC0  }
0xad: {  	_ =	task [dreg:s9], $0x5FFFF  }
0xae: {  	[dreg:$0x1] =	wrdreg $0xFFFFFFFF  }
0xaf: {  	[dreg:$0x0] =	wrdreg $0x60  }
0xb0: {  	[dreg:$0x2] =	wrdreg s2  }
0xb1: {  	[dreg:$0x3] =	wrdreg s19  }
0xb2: {  	[dreg:$0x4] =	wrdreg s4  }
0xb3: {  	[dreg:$0x5] =	wrdreg $0x10000  }
0xb4: {  	[dreg:$0x6] =	wrdreg $0x9  }
0xb5: {  	_ =	task.clear_ibuf [dreg:s9], $0x7FFFF;
	_ =	strace $0x90000046  }
0xb6: {  	s29 =	simm.s32 $0x9;
	_ =	strace $0x80000048  }
0xb7: {  	_ =	swait.ge [sflag:s29], $0x1  }
0xb8: {  	[sflag:s29] =	ssyncadd.s32 $0xFFFFFFFF  }
0xb9: {  	_ =	strace $0x90000048  }
0xba: {  	_ =	sfence  }
0xbb: {  	s30 =	sld [smem:$0x0];
	_ =	sdelay $0x2  }
0xbc: {  	s31 =	sshll.u32 s1, $0xD;
	s1 =	sshrl.u32 s1, $0x2  }
0xbd: {  	s3 =	sand.u32 $0x4000, s31;
	s1 =	sadd.s32 s1, s30  }
0xbe: {  	s0 =	sor.u32 s3, s0;
	s1 =	sshll.u32 s1, $0x11  }
0xbf: {  	s0 =	sor.u32 s1, s0  }
0xc0: {  	s0 =	sadd.s32 $0x8F2B, s0  }
0xc1: {  	[sflag:s0] =	ssyncadd.remote.s32 $0x1  }
0xc2: {  	_ =	sfence.sel $0xFFFF  }
0xc3: {  	[dreg:$0x0] =	wrdreg $0xFFFFFFFF;
	(pc) =	sbr.abs _section_cstart, $3  }
0xc4: {  	[dreg:$0x1] =	wrdreg $0xFFFFFFFF  }
0xc5: {  	_ =	task.clear_ibuf [dreg:s9], $0x2FFFF;
	_ =	strace $0x9FFFFFFF  }
0xc6: {  	(tm) =	ssettm $0x7FFFFFFF  }
0xc7: {  	_ =	shalt  }
tec
execute0_lowered:
.L_overlay_start_1:
0x0: {  	(tag) =	ssettag $0x1  }
0x1: {  	s0 =	rddreg [dreg:$0x0]  }
0x2: {  	s1 =	rddreg [dreg:$0x1]  }
0x3: {  	s4 =	rddreg [dreg:$0x2]  }
0x4: {  	s2 =	rddreg [dreg:$0x3];
	s3 =	srdreg.scid  }
0x5: {  	s11 =	stileid.u32;
	s28 =	simm.s32 $0x9C80;
	s30 =	simm.s32 $0xD480  }
0x6: {  	s31 =	simm.s32 $0x2;
	s29 =	simm.s32 $0x8;
	s5 =	sand.u32 $0x1, s3  }
0x7: {  	s6 =	sshll.u32 s11, $0x1;
	s3 =	simm.s32 $0x0;
	s15 =	smul.u32 $0x18800, s11  }
0x8: {  	s26 =	sshll.u32 s11, $0x9;
	s14 =	sadd.s32 $0x2F78, s0;
	s18 =	smul.u32 $0xC4000, s11  }
0x9: {  	s16 =	sshll.u32 s11, $0xC;
	s21 =	sadd.s32 $0x186400, s4;
	s17 =	smul.u32 $0xC400, s5  }
0xa: {  	s7 =	ssub.s32 $0x2, s5;
	s6 =	sor.u32 s5, s6;
	s5 =	smul.u32 $0x62000, s5  }
0xb: {  	[smem:$0x7FF] =	sst s3;
	s1 =	sadd.s32 s1, s26;
	s9 =	smul.u32 $0xC40, s6  }
0xc: {  	_ =	strace $0x80000047;
	s10 =	smul.u32 $0xC400, s6;
	[dreg:$0x5] =	wrdreg s1  }
0xd: {  	s8 =	sshrl.u32 s7, $0x1;
	s13 =	smul.u32 $0x62000, s6;
	[dreg:$0x7] =	wrdreg s14  }
0xe: {  	[dreg:$0xe] =	wrdreg s21;
	p0 =	seq.s32 s6, $0x1F;
	s21 =	simm.s32 $0x70  }
0xf: {  	p1 =	sne.s32 s6, $0x1F;
	s7 =	ssub.s32 s7, s8;
	s8 =	sadd.s32 s16, s2  }
0x10: {  	s22 =	sadd.s32 s5, s18;
	s5 =	simm.s32 $0x0;
	s9 =	sshrl.u32 s9, $0x3  }
0x11: {  	s1 =	sshrl.u32 s13, $0x3;
	[dreg:$0x9] =	wrdreg s8;
	s10 =	sadd.s32 s4, s10  }
0x12: {  	s23 =	smax.u32 s7, $0x1;
	s24 =	sadd.s32 $0x18800, s22;
	[dreg:$0xa] =	wrdreg s10  }
0x13: {  	s25 =	sadd.s32 $0x15000, s22;
	s12 =	sadd.s32 s0, s9;
	[dreg:$0xf] =	wrdreg s23  }
0x14: {  	s0 =	sadd.s32 $0x30C8, s0;
	s1 =	sadd.s32 s4, s1;
	[dreg:$0x6] =	wrdreg s12  }
0x15: {  	s26 =	sshrl.u32 s25, $0x3;
	[dreg:$0x8] =	wrdreg s0;
	s19 =	sadd.s32 $0x700, s1  }
0x16: {  	s23 =	simm.s32 $0x2C80;
	s20 =	sadd.s32 $0xE00, s1;
	[dreg:$0xb] =	wrdreg s19  }
0x17: {  	s1 =	sadd.s32 $0x1500, s1;
	s0 =	sadd.s32 s15, s4;
	[dreg:$0xc] =	wrdreg s20  }
0x18: {  	s25 =	simm.s32 $0x6480;
	[dreg:$0xd] =	wrdreg s1;
	s0 =	sadd.s32 s17, s0  }
0x19: {  	s1 =	sadd.s32 $0x11800, s22;
	s17 =	sadd.s32 s26, s4;
	s19 =	simm.s32 $0x1  }
0x1a: {  	s20 =	simm.s32 $0xB;
	s22 =	simm.s32 $0x5;
	s26 =	simm.s32 $0x7  }
0x1b: {  	s15 =	sadd.s32 $0x1C00, s0;
	s0 =	sshrl.u32 s24, $0x3;
	s1 =	sshrl.u32 s1, $0x3  }
0x1c: {  	s24 =	simm.s32 $0x6;
	s12 =	sadd.s32 s0, s4;
	s18 =	sadd.s32 s1, s4  }
0x1d: {  	s0 =	simm.s32 $0x3;
	s1 =	simm.s32 $0x4;
	s4 =	simm.s32 $0x9  }
.LBB2_1:
0x1e: {  	s6 =	rddreg [dreg:$0x5]  }
0x1f: {  	[tilespmem:s3], [sflag:$0x1] =	stream.linear.gather [hbm4b:s6+s3], $0x1000, $0x38;
	[tilespmem:$0x10C80] =	vst v63  }
0x20: {  	s7 =	simm.s32 @p0 $0x2000;
	s8 =	rddreg [dreg:$0x7];
	s6 =	simm.s32 @p0 $0x0  }
0x21: {  	[tilespmem:s7], [sflag:$0xB] =	stream.linear.gather @p0 [hbm4b:s8+s6], $0xAE0, $0x38;
	[tilespmem:$0x10C80] =	vst v63  }
0x22: {  	s7 =	simm.s32 @p0 $0xB  }
0x23: {  	_ =	swait.ge @p0 [sflag:s7], $0xAE0  }
0x24: {  	[sflag:s7] =	ssyncset.done @p0 $0x0  }
0x25: {  	s8 =	simm.s32 @p0 $0x2AE0;
	s9 =	rddreg [dreg:$0x8];
	[sflag:s7] =	ssyncadd.s32 @p0 $0xFFFFF520  }
0x26: {  	[tilespmem:s8], [sflag:$0xB] =	stream.linear.gather @p0 [hbm4b:s9+s6], $0x60, $0x38;
	[tilespmem:$0x10C80] =	vst v63  }
0x27: {  	_ =	swait.ge @p0 [sflag:s7], $0x60  }
0x28: {  	s6 =	simm.s32 @!p0 $0x0;
	[sflag:s7] =	ssyncset.done @p0 $0x0  }
0x29: {  	s8 =	rddreg [dreg:$0x6];
	[sflag:s7] =	ssyncadd.s32 @p0 $0xFFFFFFA0;
	s7 =	simm.s32 @!p0 $0x2000  }
0x2a: {  	[tilespmem:s7], [sflag:$0xB] =	stream.linear.gather @!p0 [hbm4b:s8+s6], $0xC40, $0x38;
	[tilespmem:$0x10C80] =	vst v63  }
0x2b: {  	s6 =	simm.s32 @!p0 $0xB  }
0x2c: {  	_ =	swait.ge @!p0 [sflag:s6], $0xC40  }
0x2d: {  	[sflag:s6] =	ssyncset.done @!p0 $0x0  }
0x2e: {  	[sflag:s6] =	ssyncadd.s32 @!p0 $0xFFFFF3C0  }
0x2f: {  	_ =	swait.ge [sflag:s19], $0x1000  }
0x30: {  	[sflag:s19] =	ssyncset.done $0x0  }
0x31: {  	s16 =	rddreg [dreg:$0x9];
	[sflag:s19] =	ssyncadd.s32 $0xFFFFF000  }
0x32: {  	[spmem:s16] =	stream.linear.scatter [tilespmem:s3], [sflag:$0xB], $0x1000, $0x38;
	[tilespmem:$0x10C80] =	vst v63  }
0x33: {  	_ =	swait.ge [sflag:s20], $0x1000  }
0x34: {  	[sflag:s20] =	ssyncset.done $0x0  }
0x35: {  	[sflag:s20] =	ssyncadd.s32 $0xFFFFF000  }
0x36: {  	v0 =	vld [tilespmem:$0x2000]  }
0x37: {  	v1 =	vld [tilespmem:$0x2010]  }
0x38: {  	v2 =	vld [tilespmem:$0x2020]  }
0x39: {  	v3 =	vld [tilespmem:$0x2030]  }
0x3a: {  	v4 =	vld [tilespmem:$0x2040]  }
0x3b: {  	v5 =	vld [tilespmem:$0x2050];
	vm0 =	vgt.s32 v0, $0x0  }
0x3c: {  	v6 =	vld [tilespmem:$0x2060];
	vm5 =	vgt.s32 v1, $0x0;
	v0 =	vnsel vm0, $0x0, v0  }
0x3d: {  	v7 =	vld [tilespmem:$0x2070];
	vm6 =	vgt.s32 v2, $0x0;
	v1 =	vnsel vm5, $0x0, v1;
	v0 =	vmin.u32 v0, $0x1FF  }
0x3e: {  	v36 =	vld [tilespmem:$0x2080];
	vm7 =	vgt.s32 v3, $0x0;
	v35 =	vnsel vm6, $0x0, v2;
	v34 =	vmin.u32 v1, $0x1FF;
	[tilespmem:$0x2000] =	vst v0  }
0x3f: {  	v39 =	vld [tilespmem:$0x2090];
	vm8 =	vgt.s32 v4, $0x0;
	v38 =	vnsel vm7, $0x0, v3;
	v37 =	vmin.u32 v35, $0x1FF;
	[tilespmem:$0x2010] =	vst v34  }
0x40: {  	v42 =	vld [tilespmem:$0x20A0];
	vm9 =	vgt.s32 v5, $0x0;
	v41 =	vnsel vm8, $0x0, v4;
	v40 =	vmin.u32 v38, $0x1FF;
	[tilespmem:$0x2020] =	vst v37  }
0x41: {  	v45 =	vld [tilespmem:$0x20B0];
	vm10 =	vgt.s32 v6, $0x0;
	v44 =	vnsel vm9, $0x0, v5;
	v43 =	vmin.u32 v41, $0x1FF;
	[tilespmem:$0x2030] =	vst v40  }
0x42: {  	v48 =	vld [tilespmem:$0x20C0];
	vm11 =	vgt.s32 v7, $0x0;
	v47 =	vnsel vm10, $0x0, v6;
	v46 =	vmin.u32 v44, $0x1FF;
	[tilespmem:$0x2040] =	vst v43  }
0x43: {  	v51 =	vld [tilespmem:$0x20D0];
	vm12 =	vgt.s32 v36, $0x0;
	v50 =	vnsel vm11, $0x0, v7;
	v49 =	vmin.u32 v47, $0x1FF;
	[tilespmem:$0x2050] =	vst v46  }
0x44: {  	v54 =	vld [tilespmem:$0x20E0];
	vm13 =	vgt.s32 v39, $0x0;
	v53 =	vnsel vm12, $0x0, v36;
	v52 =	vmin.u32 v50, $0x1FF;
	[tilespmem:$0x2060] =	vst v49  }
0x45: {  	v57 =	vld [tilespmem:$0x20F0];
	vm14 =	vgt.s32 v42, $0x0;
	v56 =	vnsel vm13, $0x0, v39;
	v55 =	vmin.u32 v53, $0x1FF;
	[tilespmem:$0x2070] =	vst v52  }
0x46: {  	v60 =	vld [tilespmem:$0x2100];
	vm15 =	vgt.s32 v45, $0x0;
	v59 =	vnsel vm14, $0x0, v42;
	v58 =	vmin.u32 v56, $0x1FF;
	[tilespmem:$0x2080] =	vst v55  }
0x47: {  	v63 =	vld [tilespmem:$0x2110];
	vm4 =	vgt.s32 v48, $0x0;
	v62 =	vnsel vm15, $0x0, v45;
	v61 =	vmin.u32 v59, $0x1FF;
	[tilespmem:$0x2090] =	vst v58  }
0x48: {  	v11 =	vld [tilespmem:$0x2120];
	v10 =	vnsel vm4, $0x0, v48;
	vm5 =	vgt.s32 v51, $0x0;
	v9 =	vmin.u32 v62, $0x1FF;
	[tilespmem:$0x20A0] =	vst v61  }
0x49: {  	v14 =	vld [tilespmem:$0x2130];
	vm6 =	vgt.s32 v54, $0x0;
	v12 =	vmin.u32 v10, $0x1FF;
	v13 =	vnsel vm5, $0x0, v51;
	[tilespmem:$0x20B0] =	vst v9  }
0x4a: {  	v17 =	vld [tilespmem:$0x2140];
	vm7 =	vgt.s32 v57, $0x0;
	v16 =	vnsel vm6, $0x0, v54;
	[tilespmem:$0x20C0] =	vst v12;
	v15 =	vmin.u32 v13, $0x1FF  }
0x4b: {  	v20 =	vld [tilespmem:$0x2150];
	vm8 =	vgt.s32 v60, $0x0;
	v19 =	vnsel vm7, $0x0, v57;
	v18 =	vmin.u32 v16, $0x1FF;
	[tilespmem:$0x20D0] =	vst v15  }
0x4c: {  	v23 =	vld [tilespmem:$0x2160];
	vm9 =	vgt.s32 v63, $0x0;
	v22 =	vnsel vm8, $0x0, v60;
	v21 =	vmin.u32 v19, $0x1FF;
	[tilespmem:$0x20E0] =	vst v18  }
0x4d: {  	v26 =	vld [tilespmem:$0x2170];
	vm10 =	vgt.s32 v11, $0x0;
	v25 =	vnsel vm9, $0x0, v63;
	v24 =	vmin.u32 v22, $0x1FF;
	[tilespmem:$0x20F0] =	vst v21  }
0x4e: {  	v29 =	vld [tilespmem:$0x2180];
	vm11 =	vgt.s32 v14, $0x0;
	v28 =	vnsel vm10, $0x0, v11;
	v27 =	vmin.u32 v25, $0x1FF;
	[tilespmem:$0x2100] =	vst v24  }
0x4f: {  	v32 =	vld [tilespmem:$0x2190];
	vm12 =	vgt.s32 v17, $0x0;
	v31 =	vnsel vm11, $0x0, v14;
	v30 =	vmin.u32 v28, $0x1FF;
	[tilespmem:$0x2110] =	vst v27  }
0x50: {  	vm13 =	vgt.s32 v20, $0x0;
	v35 =	vld [tilespmem:$0x21A0];
	v33 =	vmin.u32 v31, $0x1FF;
	v34 =	vnsel vm12, $0x0, v17;
	[tilespmem:$0x2120] =	vst v30  }
0x51: {  	vm14 =	vgt.s32 v23, $0x0;
	v38 =	vld [tilespmem:$0x21B0];
	v37 =	vnsel vm13, $0x0, v20;
	[tilespmem:$0x2130] =	vst v33;
	v36 =	vmin.u32 v34, $0x1FF  }
0x52: {  	vm15 =	vgt.s32 v26, $0x0;
	v41 =	vld [tilespmem:$0x21C0];
	v40 =	vnsel vm14, $0x0, v23;
	v39 =	vmin.u32 v37, $0x1FF;
	[tilespmem:$0x2140] =	vst v36  }
0x53: {  	vm4 =	vgt.s32 v29, $0x0;
	v44 =	vld [tilespmem:$0x21D0];
	v43 =	vnsel vm15, $0x0, v26;
	v42 =	vmin.u32 v40, $0x1FF;
	[tilespmem:$0x2150] =	vst v39  }
0x54: {  	vm5 =	vgt.s32 v32, $0x0;
	v47 =	vld [tilespmem:$0x21E0];
	v46 =	vnsel vm4, $0x0, v29;
	v45 =	vmin.u32 v43, $0x1FF;
	[tilespmem:$0x2160] =	vst v42  }
0x55: {  	v50 =	vld [tilespmem:$0x21F0];
	v49 =	vnsel vm5, $0x0, v32;
	v48 =	vmin.u32 v46, $0x1FF;
	[tilespmem:$0x2170] =	vst v45;
	vm6 =	vgt.s32 v35, $0x0  }
0x56: {  	v53 =	vld [tilespmem:$0x2200];
	v51 =	vmin.u32 v49, $0x1FF;
	[tilespmem:$0x2180] =	vst v48;
	vm7 =	vgt.s32 v38, $0x0;
	v52 =	vnsel vm6, $0x0, v35  }
0x57: {  	v56 =	vld [tilespmem:$0x2210];
	[tilespmem:$0x2190] =	vst v51;
	vm8 =	vgt.s32 v41, $0x0;
	v55 =	vnsel vm7, $0x0, v38;
	v54 =	vmin.u32 v52, $0x1FF  }
0x58: {  	v59 =	vld [tilespmem:$0x2220];
	vm9 =	vgt.s32 v44, $0x0;
	v58 =	vnsel vm8, $0x0, v41;
	v57 =	vmin.u32 v55, $0x1FF;
	[tilespmem:$0x21A0] =	vst v54  }
0x59: {  	v62 =	vld [tilespmem:$0x2230];
	vm10 =	vgt.s32 v47, $0x0;
	v61 =	vnsel vm9, $0x0, v44;
	v60 =	vmin.u32 v58, $0x1FF;
	[tilespmem:$0x21B0] =	vst v57  }
0x5a: {  	v10 =	vld [tilespmem:$0x2240];
	vm11 =	vgt.s32 v50, $0x0;
	v9 =	vnsel vm10, $0x0, v47;
	v63 =	vmin.u32 v61, $0x1FF;
	[tilespmem:$0x21C0] =	vst v60  }
0x5b: {  	v13 =	vld [tilespmem:$0x2250];
	vm12 =	vgt.s32 v53, $0x0;
	v12 =	vnsel vm11, $0x0, v50;
	v11 =	vmin.u32 v9, $0x1FF;
	[tilespmem:$0x21D0] =	vst v63  }
0x5c: {  	v16 =	vld [tilespmem:$0x2260];
	vm13 =	vgt.s32 v56, $0x0;
	v15 =	vnsel vm12, $0x0, v53;
	v14 =	vmin.u32 v12, $0x1FF;
	[tilespmem:$0x21E0] =	vst v11  }
0x5d: {  	v19 =	vld [tilespmem:$0x2270];
	vm14 =	vgt.s32 v59, $0x0;
	v18 =	vnsel vm13, $0x0, v56;
	v17 =	vmin.u32 v15, $0x1FF;
	[tilespmem:$0x21F0] =	vst v14  }
0x5e: {  	v22 =	vld [tilespmem:$0x2280];
	vm15 =	vgt.s32 v62, $0x0;
	v21 =	vnsel vm14, $0x0, v59;
	v20 =	vmin.u32 v18, $0x1FF;
	[tilespmem:$0x2200] =	vst v17  }
0x5f: {  	v25 =	vld [tilespmem:$0x2290];
	vm4 =	vgt.s32 v10, $0x0;
	v24 =	vnsel vm15, $0x0, v62;
	v23 =	vmin.u32 v21, $0x1FF;
	[tilespmem:$0x2210] =	vst v20  }
0x60: {  	v28 =	vld [tilespmem:$0x22A0];
	v27 =	vnsel vm4, $0x0, v10;
	vm5 =	vgt.s32 v13, $0x0;
	v26 =	vmin.u32 v24, $0x1FF;
	[tilespmem:$0x2220] =	vst v23  }
0x61: {  	v31 =	vld [tilespmem:$0x22B0];
	vm6 =	vgt.s32 v16, $0x0;
	v29 =	vmin.u32 v27, $0x1FF;
	v30 =	vnsel vm5, $0x0, v13;
	[tilespmem:$0x2230] =	vst v26  }
0x62: {  	v34 =	vld [tilespmem:$0x22C0];
	vm7 =	vgt.s32 v19, $0x0;
	v33 =	vnsel vm6, $0x0, v16;
	[tilespmem:$0x2240] =	vst v29;
	v32 =	vmin.u32 v30, $0x1FF  }
0x63: {  	v37 =	vld [tilespmem:$0x22D0];
	vm8 =	vgt.s32 v22, $0x0;
	v36 =	vnsel vm7, $0x0, v19;
	v35 =	vmin.u32 v33, $0x1FF;
	[tilespmem:$0x2250] =	vst v32  }
0x64: {  	v40 =	vld [tilespmem:$0x22E0];
	vm9 =	vgt.s32 v25, $0x0;
	v39 =	vnsel vm8, $0x0, v22;
	v38 =	vmin.u32 v36, $0x1FF;
	[tilespmem:$0x2260] =	vst v35  }
0x65: {  	v43 =	vld [tilespmem:$0x22F0];
	vm10 =	vgt.s32 v28, $0x0;
	v42 =	vnsel vm9, $0x0, v25;
	v41 =	vmin.u32 v39, $0x1FF;
	[tilespmem:$0x2270] =	vst v38  }
0x66: {  	v46 =	vld [tilespmem:$0x2300];
	vm11 =	vgt.s32 v31, $0x0;
	v45 =	vnsel vm10, $0x0, v28;
	v44 =	vmin.u32 v42, $0x1FF;
	[tilespmem:$0x2280] =	vst v41  }
0x67: {  	v49 =	vld [tilespmem:$0x2310];
	v48 =	vnsel vm11, $0x0, v31;
	vm12 =	vgt.s32 v34, $0x0;
	v47 =	vmin.u32 v45, $0x1FF;
	[tilespmem:$0x2290] =	vst v44  }
0x68: {  	vm13 =	vgt.s32 v37, $0x0;
	v52 =	vld [tilespmem:$0x2320];
	v50 =	vmin.u32 v48, $0x1FF;
	v51 =	vnsel vm12, $0x0, v34;
	[tilespmem:$0x22A0] =	vst v47  }
0x69: {  	vm14 =	vgt.s32 v40, $0x0;
	v55 =	vld [tilespmem:$0x2330];
	v54 =	vnsel vm13, $0x0, v37;
	[tilespmem:$0x22B0] =	vst v50;
	v53 =	vmin.u32 v51, $0x1FF  }
0x6a: {  	vm15 =	vgt.s32 v43, $0x0;
	v58 =	vld [tilespmem:$0x2340];
	v57 =	vnsel vm14, $0x0, v40;
	v56 =	vmin.u32 v54, $0x1FF;
	[tilespmem:$0x22C0] =	vst v53  }
0x6b: {  	vm4 =	vgt.s32 v46, $0x0;
	v61 =	vld [tilespmem:$0x2350];
	v60 =	vnsel vm15, $0x0, v43;
	v59 =	vmin.u32 v57, $0x1FF;
	[tilespmem:$0x22D0] =	vst v56  }
0x6c: {  	vm5 =	vgt.s32 v49, $0x0;
	v9 =	vld [tilespmem:$0x2360];
	v63 =	vnsel vm4, $0x0, v46;
	v62 =	vmin.u32 v60, $0x1FF;
	[tilespmem:$0x22E0] =	vst v59  }
0x6d: {  	v12 =	vld [tilespmem:$0x2370];
	v11 =	vnsel vm5, $0x0, v49;
	v10 =	vmin.u32 v63, $0x1FF;
	[tilespmem:$0x22F0] =	vst v62;
	vm6 =	vgt.s32 v52, $0x0  }
0x6e: {  	v15 =	vld [tilespmem:$0x2380];
	v13 =	vmin.u32 v11, $0x1FF;
	[tilespmem:$0x2300] =	vst v10;
	vm7 =	vgt.s32 v55, $0x0;
	v14 =	vnsel vm6, $0x0, v52  }
0x6f: {  	v18 =	vld [tilespmem:$0x2390];
	[tilespmem:$0x2310] =	vst v13;
	vm8 =	vgt.s32 v58, $0x0;
	v17 =	vnsel vm7, $0x0, v55;
	v16 =	vmin.u32 v14, $0x1FF  }
0x70: {  	v21 =	vld [tilespmem:$0x23A0];
	vm9 =	vgt.s32 v61, $0x0;
	v20 =	vnsel vm8, $0x0, v58;
	v19 =	vmin.u32 v17, $0x1FF;
	[tilespmem:$0x2320] =	vst v16  }
0x71: {  	v24 =	vld [tilespmem:$0x23B0];
	vm10 =	vgt.s32 v9, $0x0;
	v23 =	vnsel vm9, $0x0, v61;
	v22 =	vmin.u32 v20, $0x1FF;
	[tilespmem:$0x2330] =	vst v19  }
0x72: {  	v27 =	vld [tilespmem:$0x23C0];
	vm11 =	vgt.s32 v12, $0x0;
	v26 =	vnsel vm10, $0x0, v9;
	v25 =	vmin.u32 v23, $0x1FF;
	[tilespmem:$0x2340] =	vst v22  }
0x73: {  	v30 =	vld [tilespmem:$0x23D0];
	vm12 =	vgt.s32 v15, $0x0;
	v29 =	vnsel vm11, $0x0, v12;
	v28 =	vmin.u32 v26, $0x1FF;
	[tilespmem:$0x2350] =	vst v25  }
0x74: {  	v33 =	vld [tilespmem:$0x23E0];
	vm13 =	vgt.s32 v18, $0x0;
	v32 =	vnsel vm12, $0x0, v15;
	v31 =	vmin.u32 v29, $0x1FF;
	[tilespmem:$0x2360] =	vst v28  }
0x75: {  	v36 =	vld [tilespmem:$0x23F0];
	vm14 =	vgt.s32 v21, $0x0;
	v35 =	vnsel vm13, $0x0, v18;
	v34 =	vmin.u32 v32, $0x1FF;
	[tilespmem:$0x2370] =	vst v31  }
0x76: {  	v39 =	vld [tilespmem:$0x2400];
	vm15 =	vgt.s32 v24, $0x0;
	v38 =	vnsel vm14, $0x0, v21;
	v37 =	vmin.u32 v35, $0x1FF;
	[tilespmem:$0x2380] =	vst v34  }
0x77: {  	v42 =	vld [tilespmem:$0x2410];
	vm4 =	vgt.s32 v27, $0x0;
	v41 =	vnsel vm15, $0x0, v24;
	v40 =	vmin.u32 v38, $0x1FF;
	[tilespmem:$0x2390] =	vst v37  }
0x78: {  	v45 =	vld [tilespmem:$0x2420];
	v44 =	vnsel vm4, $0x0, v27;
	vm5 =	vgt.s32 v30, $0x0;
	v43 =	vmin.u32 v41, $0x1FF;
	[tilespmem:$0x23A0] =	vst v40  }
0x79: {  	v48 =	vld [tilespmem:$0x2430];
	vm6 =	vgt.s32 v33, $0x0;
	v46 =	vmin.u32 v44, $0x1FF;
	v47 =	vnsel vm5, $0x0, v30;
	[tilespmem:$0x23B0] =	vst v43  }
0x7a: {  	v51 =	vld [tilespmem:$0x2440];
	vm7 =	vgt.s32 v36, $0x0;
	v50 =	vnsel vm6, $0x0, v33;
	[tilespmem:$0x23C0] =	vst v46;
	v49 =	vmin.u32 v47, $0x1FF  }
0x7b: {  	v54 =	vld [tilespmem:$0x2450];
	vm8 =	vgt.s32 v39, $0x0;
	v53 =	vnsel vm7, $0x0, v36;
	v52 =	vmin.u32 v50, $0x1FF;
	[tilespmem:$0x23D0] =	vst v49  }
0x7c: {  	v57 =	vld [tilespmem:$0x2460];
	vm9 =	vgt.s32 v42, $0x0;
	v56 =	vnsel vm8, $0x0, v39;
	v55 =	vmin.u32 v53, $0x1FF;
	[tilespmem:$0x23E0] =	vst v52  }
0x7d: {  	v60 =	vld [tilespmem:$0x2470];
	vm10 =	vgt.s32 v45, $0x0;
	v59 =	vnsel vm9, $0x0, v42;
	v58 =	vmin.u32 v56, $0x1FF;
	[tilespmem:$0x23F0] =	vst v55  }
0x7e: {  	v63 =	vld [tilespmem:$0x2480];
	vm11 =	vgt.s32 v48, $0x0;
	v62 =	vnsel vm10, $0x0, v45;
	v61 =	vmin.u32 v59, $0x1FF;
	[tilespmem:$0x2400] =	vst v58  }
0x7f: {  	v11 =	vld [tilespmem:$0x2490];
	v10 =	vnsel vm11, $0x0, v48;
	vm12 =	vgt.s32 v51, $0x0;
	v9 =	vmin.u32 v62, $0x1FF;
	[tilespmem:$0x2410] =	vst v61  }
0x80: {  	vm13 =	vgt.s32 v54, $0x0;
	v14 =	vld [tilespmem:$0x24A0];
	v12 =	vmin.u32 v10, $0x1FF;
	v13 =	vnsel vm12, $0x0, v51;
	[tilespmem:$0x2420] =	vst v9  }
0x81: {  	vm14 =	vgt.s32 v57, $0x0;
	v17 =	vld [tilespmem:$0x24B0];
	v16 =	vnsel vm13, $0x0, v54;
	[tilespmem:$0x2430] =	vst v12;
	v15 =	vmin.u32 v13, $0x1FF  }
0x82: {  	vm15 =	vgt.s32 v60, $0x0;
	v20 =	vld [tilespmem:$0x24C0];
	v19 =	vnsel vm14, $0x0, v57;
	v18 =	vmin.u32 v16, $0x1FF;
	[tilespmem:$0x2440] =	vst v15  }
0x83: {  	vm4 =	vgt.s32 v63, $0x0;
	v23 =	vld [tilespmem:$0x24D0];
	v22 =	vnsel vm15, $0x0, v60;
	v21 =	vmin.u32 v19, $0x1FF;
	[tilespmem:$0x2450] =	vst v18  }
0x84: {  	vm5 =	vgt.s32 v11, $0x0;
	v26 =	vld [tilespmem:$0x24E0];
	v25 =	vnsel vm4, $0x0, v63;
	v24 =	vmin.u32 v22, $0x1FF;
	[tilespmem:$0x2460] =	vst v21  }
0x85: {  	v29 =	vld [tilespmem:$0x24F0];
	v28 =	vnsel vm5, $0x0, v11;
	v27 =	vmin.u32 v25, $0x1FF;
	[tilespmem:$0x2470] =	vst v24;
	vm6 =	vgt.s32 v14, $0x0  }
0x86: {  	v32 =	vld [tilespmem:$0x2500];
	v30 =	vmin.u32 v28, $0x1FF;
	[tilespmem:$0x2480] =	vst v27;
	vm7 =	vgt.s32 v17, $0x0;
	v31 =	vnsel vm6, $0x0, v14  }
0x87: {  	v35 =	vld [tilespmem:$0x2510];
	[tilespmem:$0x2490] =	vst v30;
	vm8 =	vgt.s32 v20, $0x0;
	v34 =	vnsel vm7, $0x0, v17;
	v33 =	vmin.u32 v31, $0x1FF  }
0x88: {  	v38 =	vld [tilespmem:$0x2520];
	vm9 =	vgt.s32 v23, $0x0;
	v37 =	vnsel vm8, $0x0, v20;
	v36 =	vmin.u32 v34, $0x1FF;
	[tilespmem:$0x24A0] =	vst v33  }
0x89: {  	v41 =	vld [tilespmem:$0x2530];
	vm10 =	vgt.s32 v26, $0x0;
	v40 =	vnsel vm9, $0x0, v23;
	v39 =	vmin.u32 v37, $0x1FF;
	[tilespmem:$0x24B0] =	vst v36  }
0x8a: {  	v44 =	vld [tilespmem:$0x2540];
	vm11 =	vgt.s32 v29, $0x0;
	v43 =	vnsel vm10, $0x0, v26;
	v42 =	vmin.u32 v40, $0x1FF;
	[tilespmem:$0x24C0] =	vst v39  }
0x8b: {  	v47 =	vld [tilespmem:$0x2550];
	vm12 =	vgt.s32 v32, $0x0;
	v46 =	vnsel vm11, $0x0, v29;
	v45 =	vmin.u32 v43, $0x1FF;
	[tilespmem:$0x24D0] =	vst v42  }
0x8c: {  	v50 =	vld [tilespmem:$0x2560];
	vm13 =	vgt.s32 v35, $0x0;
	v49 =	vnsel vm12, $0x0, v32;
	v48 =	vmin.u32 v46, $0x1FF;
	[tilespmem:$0x24E0] =	vst v45  }
0x8d: {  	v53 =	vld [tilespmem:$0x2570];
	vm14 =	vgt.s32 v38, $0x0;
	v52 =	vnsel vm13, $0x0, v35;
	v51 =	vmin.u32 v49, $0x1FF;
	[tilespmem:$0x24F0] =	vst v48  }
0x8e: {  	v56 =	vld [tilespmem:$0x2580];
	vm15 =	vgt.s32 v41, $0x0;
	v55 =	vnsel vm14, $0x0, v38;
	v54 =	vmin.u32 v52, $0x1FF;
	[tilespmem:$0x2500] =	vst v51  }
0x8f: {  	v59 =	vld [tilespmem:$0x2590];
	vm4 =	vgt.s32 v44, $0x0;
	v58 =	vnsel vm15, $0x0, v41;
	v57 =	vmin.u32 v55, $0x1FF;
	[tilespmem:$0x2510] =	vst v54  }
0x90: {  	v62 =	vld [tilespmem:$0x25A0];
	v61 =	vnsel vm4, $0x0, v44;
	vm5 =	vgt.s32 v47, $0x0;
	v60 =	vmin.u32 v58, $0x1FF;
	[tilespmem:$0x2520] =	vst v57  }
0x91: {  	v10 =	vld [tilespmem:$0x25B0];
	vm6 =	vgt.s32 v50, $0x0;
	v63 =	vmin.u32 v61, $0x1FF;
	v9 =	vnsel vm5, $0x0, v47;
	[tilespmem:$0x2530] =	vst v60  }
0x92: {  	v13 =	vld [tilespmem:$0x25C0];
	vm7 =	vgt.s32 v53, $0x0;
	v12 =	vnsel vm6, $0x0, v50;
	[tilespmem:$0x2540] =	vst v63;
	v11 =	vmin.u32 v9, $0x1FF  }
0x93: {  	v16 =	vld [tilespmem:$0x25D0];
	vm8 =	vgt.s32 v56, $0x0;
	v15 =	vnsel vm7, $0x0, v53;
	v14 =	vmin.u32 v12, $0x1FF;
	[tilespmem:$0x2550] =	vst v11  }
0x94: {  	v19 =	vld [tilespmem:$0x25E0];
	vm9 =	vgt.s32 v59, $0x0;
	v18 =	vnsel vm8, $0x0, v56;
	v17 =	vmin.u32 v15, $0x1FF;
	[tilespmem:$0x2560] =	vst v14  }
0x95: {  	v22 =	vld [tilespmem:$0x25F0];
	vm10 =	vgt.s32 v62, $0x0;
	v21 =	vnsel vm9, $0x0, v59;
	v20 =	vmin.u32 v18, $0x1FF;
	[tilespmem:$0x2570] =	vst v17  }
0x96: {  	v25 =	vld [tilespmem:$0x2600];
	vm11 =	vgt.s32 v10, $0x0;
	v24 =	vnsel vm10, $0x0, v62;
	v23 =	vmin.u32 v21, $0x1FF;
	[tilespmem:$0x2580] =	vst v20  }
0x97: {  	v28 =	vld [tilespmem:$0x2610];
	v27 =	vnsel vm11, $0x0, v10;
	vm12 =	vgt.s32 v13, $0x0;
	v26 =	vmin.u32 v24, $0x1FF;
	[tilespmem:$0x2590] =	vst v23  }
0x98: {  	vm13 =	vgt.s32 v16, $0x0;
	v31 =	vld [tilespmem:$0x2620];
	v29 =	vmin.u32 v27, $0x1FF;
	v30 =	vnsel vm12, $0x0, v13;
	[tilespmem:$0x25A0] =	vst v26  }
0x99: {  	vm14 =	vgt.s32 v19, $0x0;
	v34 =	vld [tilespmem:$0x2630];
	v33 =	vnsel vm13, $0x0, v16;
	[tilespmem:$0x25B0] =	vst v29;
	v32 =	vmin.u32 v30, $0x1FF  }
0x9a: {  	vm15 =	vgt.s32 v22, $0x0;
	v37 =	vld [tilespmem:$0x2640];
	v36 =	vnsel vm14, $0x0, v19;
	v35 =	vmin.u32 v33, $0x1FF;
	[tilespmem:$0x25C0] =	vst v32  }
0x9b: {  	vm4 =	vgt.s32 v25, $0x0;
	v40 =	vld [tilespmem:$0x2650];
	v39 =	vnsel vm15, $0x0, v22;
	v38 =	vmin.u32 v36, $0x1FF;
	[tilespmem:$0x25D0] =	vst v35  }
0x9c: {  	vm5 =	vgt.s32 v28, $0x0;
	v43 =	vld [tilespmem:$0x2660];
	v42 =	vnsel vm4, $0x0, v25;
	v41 =	vmin.u32 v39, $0x1FF;
	[tilespmem:$0x25E0] =	vst v38  }
0x9d: {  	v46 =	vld [tilespmem:$0x2670];
	v45 =	vnsel vm5, $0x0, v28;
	v44 =	vmin.u32 v42, $0x1FF;
	[tilespmem:$0x25F0] =	vst v41;
	vm6 =	vgt.s32 v31, $0x0  }
0x9e: {  	v49 =	vld [tilespmem:$0x2680];
	v47 =	vmin.u32 v45, $0x1FF;
	[tilespmem:$0x2600] =	vst v44;
	vm7 =	vgt.s32 v34, $0x0;
	v48 =	vnsel vm6, $0x0, v31  }
0x9f: {  	v52 =	vld [tilespmem:$0x2690];
	[tilespmem:$0x2610] =	vst v47;
	vm8 =	vgt.s32 v37, $0x0;
	v51 =	vnsel vm7, $0x0, v34;
	v50 =	vmin.u32 v48, $0x1FF  }
0xa0: {  	v55 =	vld [tilespmem:$0x26A0];
	vm9 =	vgt.s32 v40, $0x0;
	v54 =	vnsel vm8, $0x0, v37;
	v53 =	vmin.u32 v51, $0x1FF;
	[tilespmem:$0x2620] =	vst v50  }
0xa1: {  	v58 =	vld [tilespmem:$0x26B0];
	vm10 =	vgt.s32 v43, $0x0;
	v57 =	vnsel vm9, $0x0, v40;
	v56 =	vmin.u32 v54, $0x1FF;
	[tilespmem:$0x2630] =	vst v53  }
0xa2: {  	v61 =	vld [tilespmem:$0x26C0];
	vm11 =	vgt.s32 v46, $0x0;
	v60 =	vnsel vm10, $0x0, v43;
	v59 =	vmin.u32 v57, $0x1FF;
	[tilespmem:$0x2640] =	vst v56  }
0xa3: {  	v9 =	vld [tilespmem:$0x26D0];
	vm12 =	vgt.s32 v49, $0x0;
	v63 =	vnsel vm11, $0x0, v46;
	v62 =	vmin.u32 v60, $0x1FF;
	[tilespmem:$0x2650] =	vst v59  }
0xa4: {  	v12 =	vld [tilespmem:$0x26E0];
	vm13 =	vgt.s32 v52, $0x0;
	v11 =	vnsel vm12, $0x0, v49;
	v10 =	vmin.u32 v63, $0x1FF;
	[tilespmem:$0x2660] =	vst v62  }
0xa5: {  	v15 =	vld [tilespmem:$0x26F0];
	vm14 =	vgt.s32 v55, $0x0;
	v14 =	vnsel vm13, $0x0, v52;
	v13 =	vmin.u32 v11, $0x1FF;
	[tilespmem:$0x2670] =	vst v10  }
0xa6: {  	v18 =	vld [tilespmem:$0x2700];
	vm15 =	vgt.s32 v58, $0x0;
	v17 =	vnsel vm14, $0x0, v55;
	v16 =	vmin.u32 v14, $0x1FF;
	[tilespmem:$0x2680] =	vst v13  }
0xa7: {  	v21 =	vld [tilespmem:$0x2710];
	vm4 =	vgt.s32 v61, $0x0;
	v20 =	vnsel vm15, $0x0, v58;
	v19 =	vmin.u32 v17, $0x1FF;
	[tilespmem:$0x2690] =	vst v16  }
0xa8: {  	v24 =	vld [tilespmem:$0x2720];
	v23 =	vnsel vm4, $0x0, v61;
	vm5 =	vgt.s32 v9, $0x0;
	v22 =	vmin.u32 v20, $0x1FF;
	[tilespmem:$0x26A0] =	vst v19  }
0xa9: {  	v27 =	vld [tilespmem:$0x2730];
	vm6 =	vgt.s32 v12, $0x0;
	v25 =	vmin.u32 v23, $0x1FF;
	v26 =	vnsel vm5, $0x0, v9;
	[tilespmem:$0x26B0] =	vst v22  }
0xaa: {  	v30 =	vld [tilespmem:$0x2740];
	vm7 =	vgt.s32 v15, $0x0;
	v29 =	vnsel vm6, $0x0, v12;
	[tilespmem:$0x26C0] =	vst v25;
	v28 =	vmin.u32 v26, $0x1FF  }
0xab: {  	v33 =	vld [tilespmem:$0x2750];
	vm8 =	vgt.s32 v18, $0x0;
	v32 =	vnsel vm7, $0x0, v15;
	v31 =	vmin.u32 v29, $0x1FF;
	[tilespmem:$0x26D0] =	vst v28  }
0xac: {  	v36 =	vld [tilespmem:$0x2760];
	vm9 =	vgt.s32 v21, $0x0;
	v35 =	vnsel vm8, $0x0, v18;
	v34 =	vmin.u32 v32, $0x1FF;
	[tilespmem:$0x26E0] =	vst v31  }
0xad: {  	v39 =	vld [tilespmem:$0x2770];
	vm10 =	vgt.s32 v24, $0x0;
	v38 =	vnsel vm9, $0x0, v21;
	v37 =	vmin.u32 v35, $0x1FF;
	[tilespmem:$0x26F0] =	vst v34  }
0xae: {  	v42 =	vld [tilespmem:$0x2780];
	vm11 =	vgt.s32 v27, $0x0;
	v41 =	vnsel vm10, $0x0, v24;
	v40 =	vmin.u32 v38, $0x1FF;
	[tilespmem:$0x2700] =	vst v37  }
0xaf: {  	v45 =	vld [tilespmem:$0x2790];
	v44 =	vnsel vm11, $0x0, v27;
	vm12 =	vgt.s32 v30, $0x0;
	v43 =	vmin.u32 v41, $0x1FF;
	[tilespmem:$0x2710] =	vst v40  }
0xb0: {  	vm13 =	vgt.s32 v33, $0x0;
	v48 =	vld [tilespmem:$0x27A0];
	v46 =	vmin.u32 v44, $0x1FF;
	v47 =	vnsel vm12, $0x0, v30;
	[tilespmem:$0x2720] =	vst v43  }
0xb1: {  	vm14 =	vgt.s32 v36, $0x0;
	v51 =	vld [tilespmem:$0x27B0];
	v50 =	vnsel vm13, $0x0, v33;
	[tilespmem:$0x2730] =	vst v46;
	v49 =	vmin.u32 v47, $0x1FF  }
0xb2: {  	vm15 =	vgt.s32 v39, $0x0;
	v54 =	vld [tilespmem:$0x27C0];
	v53 =	vnsel vm14, $0x0, v36;
	v52 =	vmin.u32 v50, $0x1FF;
	[tilespmem:$0x2740] =	vst v49  }
0xb3: {  	vm4 =	vgt.s32 v42, $0x0;
	v57 =	vld [tilespmem:$0x27D0];
	v56 =	vnsel vm15, $0x0, v39;
	v55 =	vmin.u32 v53, $0x1FF;
	[tilespmem:$0x2750] =	vst v52  }
0xb4: {  	vm5 =	vgt.s32 v45, $0x0;
	v60 =	vld [tilespmem:$0x27E0];
	v59 =	vnsel vm4, $0x0, v42;
	v58 =	vmin.u32 v56, $0x1FF;
	[tilespmem:$0x2760] =	vst v55  }
0xb5: {  	v63 =	vld [tilespmem:$0x27F0];
	v62 =	vnsel vm5, $0x0, v45;
	v61 =	vmin.u32 v59, $0x1FF;
	[tilespmem:$0x2770] =	vst v58;
	vm6 =	vgt.s32 v48, $0x0  }
0xb6: {  	v11 =	vld [tilespmem:$0x2800];
	v9 =	vmin.u32 v62, $0x1FF;
	[tilespmem:$0x2780] =	vst v61;
	vm7 =	vgt.s32 v51, $0x0;
	v10 =	vnsel vm6, $0x0, v48  }
0xb7: {  	v14 =	vld [tilespmem:$0x2810];
	[tilespmem:$0x2790] =	vst v9;
	vm8 =	vgt.s32 v54, $0x0;
	v13 =	vnsel vm7, $0x0, v51;
	v12 =	vmin.u32 v10, $0x1FF  }
0xb8: {  	v17 =	vld [tilespmem:$0x2820];
	vm9 =	vgt.s32 v57, $0x0;
	v16 =	vnsel vm8, $0x0, v54;
	v15 =	vmin.u32 v13, $0x1FF;
	[tilespmem:$0x27A0] =	vst v12  }
0xb9: {  	v20 =	vld [tilespmem:$0x2830];
	vm10 =	vgt.s32 v60, $0x0;
	v19 =	vnsel vm9, $0x0, v57;
	v18 =	vmin.u32 v16, $0x1FF;
	[tilespmem:$0x27B0] =	vst v15  }
0xba: {  	v23 =	vld [tilespmem:$0x2840];
	vm11 =	vgt.s32 v63, $0x0;
	v22 =	vnsel vm10, $0x0, v60;
	v21 =	vmin.u32 v19, $0x1FF;
	[tilespmem:$0x27C0] =	vst v18  }
0xbb: {  	v26 =	vld [tilespmem:$0x2850];
	vm12 =	vgt.s32 v11, $0x0;
	v25 =	vnsel vm11, $0x0, v63;
	v24 =	vmin.u32 v22, $0x1FF;
	[tilespmem:$0x27D0] =	vst v21  }
0xbc: {  	v29 =	vld [tilespmem:$0x2860];
	vm13 =	vgt.s32 v14, $0x0;
	v28 =	vnsel vm12, $0x0, v11;
	v27 =	vmin.u32 v25, $0x1FF;
	[tilespmem:$0x27E0] =	vst v24  }
0xbd: {  	v32 =	vld [tilespmem:$0x2870];
	vm14 =	vgt.s32 v17, $0x0;
	v31 =	vnsel vm13, $0x0, v14;
	v30 =	vmin.u32 v28, $0x1FF;
	[tilespmem:$0x27F0] =	vst v27  }
0xbe: {  	v35 =	vld [tilespmem:$0x2880];
	vm15 =	vgt.s32 v20, $0x0;
	v34 =	vnsel vm14, $0x0, v17;
	v33 =	vmin.u32 v31, $0x1FF;
	[tilespmem:$0x2800] =	vst v30  }
0xbf: {  	v38 =	vld [tilespmem:$0x2890];
	vm4 =	vgt.s32 v23, $0x0;
	v37 =	vnsel vm15, $0x0, v20;
	v36 =	vmin.u32 v34, $0x1FF;
	[tilespmem:$0x2810] =	vst v33  }
0xc0: {  	v41 =	vld [tilespmem:$0x28A0];
	v40 =	vnsel vm4, $0x0, v23;
	vm5 =	vgt.s32 v26, $0x0;
	v39 =	vmin.u32 v37, $0x1FF;
	[tilespmem:$0x2820] =	vst v36  }
0xc1: {  	v44 =	vld [tilespmem:$0x28B0];
	vm6 =	vgt.s32 v29, $0x0;
	v42 =	vmin.u32 v40, $0x1FF;
	v43 =	vnsel vm5, $0x0, v26;
	[tilespmem:$0x2830] =	vst v39  }
0xc2: {  	v47 =	vld [tilespmem:$0x28C0];
	vm7 =	vgt.s32 v32, $0x0;
	v46 =	vnsel vm6, $0x0, v29;
	[tilespmem:$0x2840] =	vst v42;
	v45 =	vmin.u32 v43, $0x1FF  }
0xc3: {  	v50 =	vld [tilespmem:$0x28D0];
	vm8 =	vgt.s32 v35, $0x0;
	v49 =	vnsel vm7, $0x0, v32;
	v48 =	vmin.u32 v46, $0x1FF;
	[tilespmem:$0x2850] =	vst v45  }
0xc4: {  	v53 =	vld [tilespmem:$0x28E0];
	vm9 =	vgt.s32 v38, $0x0;
	v52 =	vnsel vm8, $0x0, v35;
	v51 =	vmin.u32 v49, $0x1FF;
	[tilespmem:$0x2860] =	vst v48  }
0xc5: {  	v56 =	vld [tilespmem:$0x28F0];
	vm10 =	vgt.s32 v41, $0x0;
	v55 =	vnsel vm9, $0x0, v38;
	v54 =	vmin.u32 v52, $0x1FF;
	[tilespmem:$0x2870] =	vst v51  }
0xc6: {  	v59 =	vld [tilespmem:$0x2900];
	vm11 =	vgt.s32 v44, $0x0;
	v58 =	vnsel vm10, $0x0, v41;
	v57 =	vmin.u32 v55, $0x1FF;
	[tilespmem:$0x2880] =	vst v54  }
0xc7: {  	v62 =	vld [tilespmem:$0x2910];
	v61 =	vnsel vm11, $0x0, v44;
	vm12 =	vgt.s32 v47, $0x0;
	v60 =	vmin.u32 v58, $0x1FF;
	[tilespmem:$0x2890] =	vst v57  }
0xc8: {  	v9 =	vld [tilespmem:$0x2920];
	vm13 =	vgt.s32 v50, $0x0;
	v63 =	vmin.u32 v61, $0x1FF;
	v8 =	vnsel vm12, $0x0, v47;
	[tilespmem:$0x28A0] =	vst v60  }
0xc9: {  	vm14 =	vgt.s32 v53, $0x0;
	v11 =	vnsel vm13, $0x0, v50;
	v12 =	vld [tilespmem:$0x2930];
	[tilespmem:$0x28B0] =	vst v63;
	v10 =	vmin.u32 v8, $0x1FF  }
0xca: {  	vm15 =	vgt.s32 v56, $0x0;
	v14 =	vnsel vm14, $0x0, v53;
	v15 =	vld [tilespmem:$0x2940];
	v13 =	vmin.u32 v11, $0x1FF;
	[tilespmem:$0x28C0] =	vst v10  }
0xcb: {  	vm4 =	vgt.s32 v59, $0x0;
	v17 =	vnsel vm15, $0x0, v56;
	v18 =	vld [tilespmem:$0x2950];
	v16 =	vmin.u32 v14, $0x1FF;
	[tilespmem:$0x28D0] =	vst v13  }
0xcc: {  	vm5 =	vgt.s32 v62, $0x0;
	v20 =	vnsel vm4, $0x0, v59;
	v21 =	vld [tilespmem:$0x2960];
	v19 =	vmin.u32 v17, $0x1FF;
	[tilespmem:$0x28E0] =	vst v16  }
0xcd: {  	v23 =	vnsel vm5, $0x0, v62;
	vm6 =	vgt.s32 v9, $0x0;
	v24 =	vld [tilespmem:$0x2970];
	v22 =	vmin.u32 v20, $0x1FF;
	[tilespmem:$0x28F0] =	vst v19  }
0xce: {  	v27 =	vld [tilespmem:$0x2980];
	v25 =	vmin.u32 v23, $0x1FF;
	v26 =	vnsel vm6, $0x0, v9;
	[tilespmem:$0x2900] =	vst v22;
	vm7 =	vgt.s32 v12, $0x0  }
0xcf: {  	v30 =	vld [tilespmem:$0x2990];
	[tilespmem:$0x2910] =	vst v25;
	v28 =	vmin.u32 v26, $0x1FF;
	vm8 =	vgt.s32 v15, $0x0;
	v29 =	vnsel vm7, $0x0, v12  }
0xd0: {  	v33 =	vld [tilespmem:$0x29A0];
	[tilespmem:$0x2920] =	vst v28;
	vm9 =	vgt.s32 v18, $0x0;
	v32 =	vnsel vm8, $0x0, v15;
	v31 =	vmin.u32 v29, $0x1FF  }
0xd1: {  	v36 =	vld [tilespmem:$0x29B0];
	vm10 =	vgt.s32 v21, $0x0;
	v35 =	vnsel vm9, $0x0, v18;
	v34 =	vmin.u32 v32, $0x1FF;
	[tilespmem:$0x2930] =	vst v31  }
0xd2: {  	v39 =	vld [tilespmem:$0x29C0];
	vm11 =	vgt.s32 v24, $0x0;
	v38 =	vnsel vm10, $0x0, v21;
	v37 =	vmin.u32 v35, $0x1FF;
	[tilespmem:$0x2940] =	vst v34  }
0xd3: {  	v42 =	vld [tilespmem:$0x29D0];
	vm12 =	vgt.s32 v27, $0x0;
	v41 =	vnsel vm11, $0x0, v24;
	v40 =	vmin.u32 v38, $0x1FF;
	[tilespmem:$0x2950] =	vst v37  }
0xd4: {  	v45 =	vld [tilespmem:$0x29E0];
	vm13 =	vgt.s32 v30, $0x0;
	v44 =	vnsel vm12, $0x0, v27;
	v43 =	vmin.u32 v41, $0x1FF;
	[tilespmem:$0x2960] =	vst v40  }
0xd5: {  	v48 =	vld [tilespmem:$0x29F0];
	vm14 =	vgt.s32 v33, $0x0;
	v47 =	vnsel vm13, $0x0, v30;
	v46 =	vmin.u32 v44, $0x1FF;
	[tilespmem:$0x2970] =	vst v43  }
0xd6: {  	v51 =	vld [tilespmem:$0x2A00];
	vm15 =	vgt.s32 v36, $0x0;
	v50 =	vnsel vm14, $0x0, v33;
	v49 =	vmin.u32 v47, $0x1FF;
	[tilespmem:$0x2980] =	vst v46  }
0xd7: {  	v54 =	vld [tilespmem:$0x2A10];
	vm4 =	vgt.s32 v39, $0x0;
	v53 =	vnsel vm15, $0x0, v36;
	v52 =	vmin.u32 v50, $0x1FF;
	[tilespmem:$0x2990] =	vst v49  }
0xd8: {  	v57 =	vld [tilespmem:$0x2A20];
	vm5 =	vgt.s32 v42, $0x0;
	v56 =	vnsel vm4, $0x0, v39;
	v55 =	vmin.u32 v53, $0x1FF;
	[tilespmem:$0x29A0] =	vst v52  }
0xd9: {  	v60 =	vld [tilespmem:$0x2A30];
	v59 =	vnsel vm5, $0x0, v42;
	vm6 =	vgt.s32 v45, $0x0;
	v58 =	vmin.u32 v56, $0x1FF;
	[tilespmem:$0x29B0] =	vst v55  }
0xda: {  	v63 =	vld [tilespmem:$0x2A40];
	vm7 =	vgt.s32 v48, $0x0;
	v61 =	vmin.u32 v59, $0x1FF;
	v62 =	vnsel vm6, $0x0, v45;
	[tilespmem:$0x29C0] =	vst v58  }
0xdb: {  	v10 =	vld [tilespmem:$0x2A50];
	vm8 =	vgt.s32 v51, $0x0;
	v9 =	vnsel vm7, $0x0, v48;
	[tilespmem:$0x29D0] =	vst v61;
	v8 =	vmin.u32 v62, $0x1FF  }
0xdc: {  	v13 =	vld [tilespmem:$0x2A60];
	vm9 =	vgt.s32 v54, $0x0;
	v12 =	vnsel vm8, $0x0, v51;
	v11 =	vmin.u32 v9, $0x1FF;
	[tilespmem:$0x29E0] =	vst v8  }
0xdd: {  	v16 =	vld [tilespmem:$0x2A70];
	vm10 =	vgt.s32 v57, $0x0;
	v15 =	vnsel vm9, $0x0, v54;
	v14 =	vmin.u32 v12, $0x1FF;
	[tilespmem:$0x29F0] =	vst v11  }
0xde: {  	v19 =	vld [tilespmem:$0x2A80];
	vm11 =	vgt.s32 v60, $0x0;
	v18 =	vnsel vm10, $0x0, v57;
	v17 =	vmin.u32 v15, $0x1FF;
	[tilespmem:$0x2A00] =	vst v14  }
0xdf: {  	v22 =	vld [tilespmem:$0x2A90];
	vm12 =	vgt.s32 v63, $0x0;
	v21 =	vnsel vm11, $0x0, v60;
	v20 =	vmin.u32 v18, $0x1FF;
	[tilespmem:$0x2A10] =	vst v17  }
0xe0: {  	v25 =	vld [tilespmem:$0x2AA0];
	v24 =	vnsel vm12, $0x0, v63;
	vm13 =	vgt.s32 v10, $0x0;
	v23 =	vmin.u32 v21, $0x1FF;
	[tilespmem:$0x2A20] =	vst v20  }
0xe1: {  	v28 =	vld [tilespmem:$0x2AB0];
	vm14 =	vgt.s32 v13, $0x0;
	v26 =	vmin.u32 v24, $0x1FF;
	v27 =	vnsel vm13, $0x0, v10;
	[tilespmem:$0x2A30] =	vst v23  }
0xe2: {  	vm15 =	vgt.s32 v16, $0x0;
	v30 =	vnsel vm14, $0x0, v13;
	v31 =	vld [tilespmem:$0x2AC0];
	[tilespmem:$0x2A40] =	vst v26;
	v29 =	vmin.u32 v27, $0x1FF  }
0xe3: {  	vm4 =	vgt.s32 v19, $0x0;
	v33 =	vnsel vm15, $0x0, v16;
	v34 =	vld [tilespmem:$0x2AD0];
	v32 =	vmin.u32 v30, $0x1FF;
	[tilespmem:$0x2A50] =	vst v29  }
0xe4: {  	vm5 =	vgt.s32 v22, $0x0;
	v36 =	vnsel vm4, $0x0, v19;
	v37 =	vld [tilespmem:$0x2AE0];
	v35 =	vmin.u32 v33, $0x1FF;
	[tilespmem:$0x2A60] =	vst v32  }
0xe5: {  	vm6 =	vgt.s32 v25, $0x0;
	v39 =	vnsel vm5, $0x0, v22;
	v40 =	vld [tilespmem:$0x2AF0];
	v38 =	vmin.u32 v36, $0x1FF;
	[tilespmem:$0x2A70] =	vst v35  }
0xe6: {  	v42 =	vnsel vm6, $0x0, v25;
	vm7 =	vgt.s32 v28, $0x0;
	v43 =	vld [tilespmem:$0x2B00];
	v41 =	vmin.u32 v39, $0x1FF;
	[tilespmem:$0x2A80] =	vst v38  }
0xe7: {  	v46 =	vld [tilespmem:$0x2B10];
	v44 =	vmin.u32 v42, $0x1FF;
	v45 =	vnsel vm7, $0x0, v28;
	[tilespmem:$0x2A90] =	vst v41;
	vm8 =	vgt.s32 v31, $0x0  }
0xe8: {  	v49 =	vld [tilespmem:$0x2B20];
	[tilespmem:$0x2AA0] =	vst v44;
	v47 =	vmin.u32 v45, $0x1FF;
	vm9 =	vgt.s32 v34, $0x0;
	v48 =	vnsel vm8, $0x0, v31  }
0xe9: {  	v52 =	vld [tilespmem:$0x2B30];
	[tilespmem:$0x2AB0] =	vst v47;
	vm10 =	vgt.s32 v37, $0x0;
	v51 =	vnsel vm9, $0x0, v34;
	v50 =	vmin.u32 v48, $0x1FF  }
0xea: {  	vm11 =	vgt.s32 v40, $0x0;
	v54 =	vnsel vm10, $0x0, v37;
	v53 =	vmin.u32 v51, $0x1FF;
	[tilespmem:$0x2AC0] =	vst v50  }
0xeb: {  	vm12 =	vgt.s32 v43, $0x0;
	v56 =	vnsel vm11, $0x0, v40;
	v55 =	vmin.u32 v54, $0x1FF;
	[tilespmem:$0x2AD0] =	vst v53  }
0xec: {  	vm13 =	vgt.s32 v46, $0x0;
	v58 =	vnsel vm12, $0x0, v43;
	v57 =	vmin.u32 v56, $0x1FF;
	[tilespmem:$0x2AE0] =	vst v55  }
.Ltmp0:
0xed: {  	vm14 =	vgt.s32 v49, $0x0;
	v60 =	vnsel vm13, $0x0, v46;
	v59 =	vmin.u32 v58, $0x1FF;
	[tilespmem:$0x2AF0] =	vst v57;
	(pc) =	sbr.rel @p0 .LBB2_3-.Ltmp0, $4  }
0xee: {  	vm15 =	vgt.s32 v52, $0x0;
	v62 =	vnsel vm14, $0x0, v49;
	v61 =	vmin.u32 v60, $0x1FF;
	[tilespmem:$0x2B00] =	vst v59  }
0xef: {  	v63 =	vnsel vm15, $0x0, v52;
	v1 =	vmin.u32 v62, $0x1FF;
	[tilespmem:$0x2B10] =	vst v61  }
0xf0: {  	v0 =	vmin.u32 v63, $0x1FF;
	[tilespmem:$0x2B20] =	vst v1  }
0xf1: {  	s6 =	simm.s32 $0x5;
	[tilespmem:$0x2B30] =	vst v0  }
0xf2: {  	v0 =	vld [tilespmem:$0x2B40]  }
0xf3: {  	v1 =	vld [tilespmem:$0x2B50]  }
0xf4: {  	v2 =	vld [tilespmem:$0x2B60]  }
0xf5: {  	v3 =	vld [tilespmem:$0x2B70]  }
0xf6: {  	v4 =	vld [tilespmem:$0x2B80]  }
0xf7: {  	v5 =	vld [tilespmem:$0x2B90];
	vm0 =	vgt.s32 v0, $0x0  }
0xf8: {  	v6 =	vld [tilespmem:$0x2BA0];
	vm13 =	vgt.s32 v1, $0x0;
	v0 =	vnsel vm0, $0x0, v0  }
0xf9: {  	v7 =	vld [tilespmem:$0x2BB0];
	vm14 =	vgt.s32 v2, $0x0;
	v1 =	vnsel vm13, $0x0, v1;
	v0 =	vmin.u32 v0, $0x1FF  }
0xfa: {  	v31 =	vld [tilespmem:$0x2BC0];
	vm15 =	vgt.s32 v3, $0x0;
	v30 =	vnsel vm14, $0x0, v2;
	v29 =	vmin.u32 v1, $0x1FF;
	[tilespmem:$0x2B40] =	vst v0  }
0xfb: {  	v34 =	vld [tilespmem:$0x2BD0];
	vm4 =	vgt.s32 v4, $0x0;
	v33 =	vnsel vm15, $0x0, v3;
	v32 =	vmin.u32 v30, $0x1FF;
	[tilespmem:$0x2B50] =	vst v29  }
0xfc: {  	v37 =	vld [tilespmem:$0x2BE0];
	vm5 =	vgt.s32 v5, $0x0;
	v36 =	vnsel vm4, $0x0, v4;
	v35 =	vmin.u32 v33, $0x1FF;
	[tilespmem:$0x2B60] =	vst v32  }
0xfd: {  	v40 =	vld [tilespmem:$0x2BF0];
	vm6 =	vgt.s32 v6, $0x0;
	v39 =	vnsel vm5, $0x0, v5;
	v38 =	vmin.u32 v36, $0x1FF;
	[tilespmem:$0x2B70] =	vst v35  }
0xfe: {  	v43 =	vld [tilespmem:$0x2C00];
	vm7 =	vgt.s32 v7, $0x0;
	v42 =	vnsel vm6, $0x0, v6;
	v41 =	vmin.u32 v39, $0x1FF;
	[tilespmem:$0x2B80] =	vst v38  }
0xff: {  	v46 =	vld [tilespmem:$0x2C10];
	vm8 =	vgt.s32 v31, $0x0;
	v45 =	vnsel vm7, $0x0, v7;
	v44 =	vmin.u32 v42, $0x1FF;
	[tilespmem:$0x2B90] =	vst v41  }
0x100: {  	v49 =	vld [tilespmem:$0x2C20];
	vm9 =	vgt.s32 v34, $0x0;
	v48 =	vnsel vm8, $0x0, v31;
	v47 =	vmin.u32 v45, $0x1FF;
	[tilespmem:$0x2BA0] =	vst v44  }
0x101: {  	v52 =	vld [tilespmem:$0x2C30];
	vm10 =	vgt.s32 v37, $0x0;
	v51 =	vnsel vm9, $0x0, v34;
	v50 =	vmin.u32 v48, $0x1FF;
	[tilespmem:$0x2BB0] =	vst v47  }
0x102: {  	vm11 =	vgt.s32 v40, $0x0;
	v54 =	vnsel vm10, $0x0, v37;
	v53 =	vmin.u32 v51, $0x1FF;
	[tilespmem:$0x2BC0] =	vst v50  }
0x103: {  	vm12 =	vgt.s32 v43, $0x0;
	v56 =	vnsel vm11, $0x0, v40;
	v55 =	vmin.u32 v54, $0x1FF;
	[tilespmem:$0x2BD0] =	vst v53  }
0x104: {  	v58 =	vnsel vm12, $0x0, v43;
	vm13 =	vgt.s32 v46, $0x0;
	v57 =	vmin.u32 v56, $0x1FF;
	[tilespmem:$0x2BE0] =	vst v55  }
0x105: {  	vm14 =	vgt.s32 v49, $0x0;
	v59 =	vmin.u32 v58, $0x1FF;
	v60 =	vnsel vm13, $0x0, v46;
	[tilespmem:$0x2BF0] =	vst v57  }
0x106: {  	vm15 =	vgt.s32 v52, $0x0;
	v62 =	vnsel vm14, $0x0, v49;
	[tilespmem:$0x2C00] =	vst v59;
	v61 =	vmin.u32 v60, $0x1FF  }
0x107: {  	v63 =	vnsel vm15, $0x0, v52;
	v1 =	vmin.u32 v62, $0x1FF;
	[tilespmem:$0x2C10] =	vst v61  }
0x108: {  	v0 =	vmin.u32 v63, $0x1FF;
	[tilespmem:$0x2C20] =	vst v1  }
0x109: {  	s6 =	simm.s32 $0x6;
	[tilespmem:$0x2C30] =	vst v0  }
.LBB2_3:
0x10a: {  	[bflag:$0x0] =	sbarrier.arrive $0xFFFF;
	s7 =	simm.s32 $0x2000  }
0x10b: {  	[tilespmem:s23], [sflag:$0x2] =	stream.indirect.gather [spmem:s2], $0x80, s7, s21, $0xb8;
	[tilespmem:$0x10C80] =	vst v63  }
0x10c: {  	s10 =	simm.s32 $0x2070  }
0x10d: {  	[tilespmem:s25], [sflag:$0x3] =	stream.indirect.gather [spmem:s2], $0x80, s10, s21, $0xb8;
	[tilespmem:$0x10C80] =	vst v63  }
0x10e: {  	s11 =	simm.s32 $0x20E0  }
0x10f: {  	[tilespmem:s28], [sflag:$0x4] =	stream.indirect.gather [spmem:s2], $0x80, s11, s21, $0xb8;
	[tilespmem:$0x10C80] =	vst v63  }
0x110: {  	s13 =	simm.s32 $0x2150  }
0x111: {  	[tilespmem:s30], [sflag:$0x5] =	stream.indirect.gather [spmem:s2], $0x80, s13, s21, $0xb8;
	[tilespmem:$0x10C80] =	vst v63  }
0x112: {  	_ =	swait.ge [sflag:s31], $0x3800  }
0x113: {  	[sflag:s31] =	ssyncset.done $0x0  }
0x114: {  	s14 =	simm.s32 $0x0;
	s8 =	rddreg [dreg:$0xa];
	[sflag:s31] =	ssyncadd.s32 $0xFFFFC800  }
0x115: {  	[hbm4b:s8+s14] =	stream.linear.scatter [tilespmem:s23], [sflag:$0x6], $0x3800, $0x38;
	[tilespmem:$0x10C80] =	vst v63  }
0x116: {  	_ =	swait.ge [sflag:s0], $0x3800  }
0x117: {  	[sflag:s0] =	ssyncset.done $0x0  }
0x118: {  	s16 =	rddreg [dreg:$0xb];
	[sflag:s0] =	ssyncadd.s32 $0xFFFFC800  }
0x119: {  	[hbm4b:s16+s14] =	stream.linear.scatter [tilespmem:s25], [sflag:$0x7], $0x3800, $0x38;
	[tilespmem:$0x10C80] =	vst v63  }
0x11a: {  	_ =	swait.ge [sflag:s1], $0x3800  }
0x11b: {  	[sflag:s1] =	ssyncset.done $0x0  }
0x11c: {  	s9 =	rddreg [dreg:$0xc];
	[sflag:s1] =	ssyncadd.s32 $0xFFFFC800  }
0x11d: {  	[hbm4b:s9+s14] =	stream.linear.scatter [tilespmem:s28], [sflag:$0x8], $0x3800, $0x38;
	[tilespmem:$0x10C80] =	vst v63  }
0x11e: {  	_ =	swait.ge [sflag:s22], $0x3800  }
0x11f: {  	[sflag:s22] =	ssyncset.done $0x0  }
0x120: {  	s10 =	rddreg [dreg:$0xd];
	[sflag:s22] =	ssyncadd.s32 $0xFFFFC800  }
0x121: {  	[hbm4b:s10+s14] =	stream.linear.scatter [tilespmem:s30], [sflag:$0x9], $0x3800, $0x38;
	[tilespmem:$0x10C80] =	vst v63  }
0x122: {  	_ =	swait.ge [sflag:s24], $0x3800  }
0x123: {  	[sflag:s24] =	ssyncset.done $0x0  }
0x124: {  	s11 =	simm.s32 $0x21C0;
	[sflag:s24] =	ssyncadd.s32 $0xFFFFC800  }
0x125: {  	[tilespmem:s23], [sflag:$0x2] =	stream.indirect.gather [spmem:s2], $0x80, s11, s21, $0xb8;
	[tilespmem:$0x10C80] =	vst v63  }
0x126: {  	_ =	swait.ge [sflag:s26], $0x3800  }
0x127: {  	[sflag:s26] =	ssyncset.done $0x0  }
0x128: {  	s13 =	simm.s32 $0x2230;
	[sflag:s26] =	ssyncadd.s32 $0xFFFFC800  }
0x129: {  	[tilespmem:s25], [sflag:$0x3] =	stream.indirect.gather [spmem:s2], $0x80, s13, s21, $0xb8;
	[tilespmem:$0x10C80] =	vst v63  }
0x12a: {  	_ =	swait.ge [sflag:s29], $0x3800  }
0x12b: {  	[sflag:s29] =	ssyncset.done $0x0  }
0x12c: {  	s14 =	simm.s32 $0x22A0;
	[sflag:s29] =	ssyncadd.s32 $0xFFFFC800  }
0x12d: {  	[tilespmem:s28], [sflag:$0x4] =	stream.indirect.gather [spmem:s2], $0x80, s14, s21, $0xb8;
	[tilespmem:$0x10C80] =	vst v63  }
0x12e: {  	_ =	swait.ge [sflag:s4], $0x3800  }
0x12f: {  	[sflag:s4] =	ssyncset.done $0x0  }
0x130: {  	s16 =	simm.s32 $0x2310;
	[sflag:s4] =	ssyncadd.s32 $0xFFFFC800  }
0x131: {  	[tilespmem:s30], [sflag:$0x5] =	stream.indirect.gather [spmem:s2], $0x80, s16, s21, $0xb8;
	[tilespmem:$0x10C80] =	vst v63  }
0x132: {  	_ =	swait.ge [sflag:s31], $0x3800  }
0x133: {  	[sflag:s31] =	ssyncset.done $0x0  }
0x134: {  	[sflag:s31] =	ssyncadd.s32 $0xFFFFC800  }
0x135: {  	[hbm4b:s15+s3] =	stream.linear.scatter [tilespmem:s23], [sflag:$0x6], $0x3800, $0x38;
	[tilespmem:$0x10C80] =	vst v63  }
0x136: {  	_ =	swait.ge [sflag:s0], $0x3800  }
0x137: {  	[sflag:s0] =	ssyncset.done $0x0  }
0x138: {  	s6 =	smul.u32 $0x700, s6;
	[sflag:s0] =	ssyncadd.s32 $0xFFFFC800  }
0x139: {  	[hbm4b:s18+s3] =	stream.linear.scatter [tilespmem:s25], [sflag:$0x7], $0x3800, $0x38;
	[tilespmem:$0x10C80] =	vst v63  }
0x13a: {  	_ =	swait.ge [sflag:s1], $0x3800  }
0x13b: {  	p2 =	sne.s32 s6, $0x700;
	[sflag:s1] =	ssyncset.done $0x0  }
.Ltmp1:
0x13c: {  	[sflag:s1] =	ssyncadd.s32 $0xFFFFC800;
	(pc) =	sbr.rel @!p2 .LBB2_5-.Ltmp1, $4  }
0x13d: {  	[hbm4b:s17+s3] =	stream.linear.scatter [tilespmem:s28], [sflag:$0x8], $0x3800, $0x38;
	[tilespmem:$0x10C80] =	vst v63  }
0x13e: {  	s7 =	simm.s32 $0x700;
	s8 =	sadd.s32 $0x1C00, s17;
	_ =	swait.ge [sflag:s22], $0x3800  }
0x13f: {  	s9 =	sadd.s32 $0x1C00, s18;
	s10 =	sadd.s32 $0x1C00, s15;
	[sflag:s22] =	ssyncset.done $0x0  }
0x140: {  	s11 =	sadd.s32 $0x1C00, s12;
	s16 =	smov.u32 s12;
	[sflag:s22] =	ssyncadd.s32 $0xFFFFC800  }
.LBB2_4:
0x141: {  	[hbm4b:s16+s3] =	stream.linear.scatter [tilespmem:s30], [sflag:$0x9], $0x3800, $0x38;
	[tilespmem:$0x10C80] =	vst v63  }
0x142: {  	s16 =	smov.u32 s7;
	s7 =	sadd.s32 $0x700, s7;
	_ =	swait.ge [sflag:s24], $0x3800  }
0x143: {  	s13 =	sshra.s32 s16, $0x2;
	p2 =	sne.s32 s6, s7;
	[sflag:s24] =	ssyncset.done $0x0  }
0x144: {  	s16 =	smov.u32 s11;
	s14 =	sadd.s32 $0x21C0, s13;
	[sflag:s24] =	ssyncadd.s32 $0xFFFFC800  }
0x145: {  	[tilespmem:s23], [sflag:$0x2] =	stream.indirect.gather [spmem:s2], $0x80, s14, s21, $0xb8;
	[tilespmem:$0x10C80] =	vst v63  }
0x146: {  	_ =	swait.ge [sflag:s26], $0x3800  }
0x147: {  	[sflag:s26] =	ssyncset.done $0x0  }
0x148: {  	s14 =	sadd.s32 $0x2230, s13;
	[sflag:s26] =	ssyncadd.s32 $0xFFFFC800  }
0x149: {  	[tilespmem:s25], [sflag:$0x3] =	stream.indirect.gather [spmem:s2], $0x80, s14, s21, $0xb8;
	[tilespmem:$0x10C80] =	vst v63  }
0x14a: {  	_ =	swait.ge [sflag:s29], $0x3800  }
0x14b: {  	[sflag:s29] =	ssyncset.done $0x0  }
0x14c: {  	s14 =	sadd.s32 $0x22A0, s13;
	[sflag:s29] =	ssyncadd.s32 $0xFFFFC800  }
0x14d: {  	[tilespmem:s28], [sflag:$0x4] =	stream.indirect.gather [spmem:s2], $0x80, s14, s21, $0xb8;
	[tilespmem:$0x10C80] =	vst v63  }
0x14e: {  	_ =	swait.ge [sflag:s4], $0x3800  }
0x14f: {  	[sflag:s4] =	ssyncset.done $0x0  }
0x150: {  	s13 =	sadd.s32 $0x2310, s13;
	[sflag:s4] =	ssyncadd.s32 $0xFFFFC800  }
0x151: {  	[tilespmem:s30], [sflag:$0x5] =	stream.indirect.gather [spmem:s2], $0x80, s13, s21, $0xb8;
	[tilespmem:$0x10C80] =	vst v63  }
0x152: {  	_ =	swait.ge [sflag:s31], $0x3800  }
0x153: {  	[sflag:s31] =	ssyncset.done $0x0  }
0x154: {  	[sflag:s31] =	ssyncadd.s32 $0xFFFFC800  }
0x155: {  	[hbm4b:s10+s3] =	stream.linear.scatter [tilespmem:s23], [sflag:$0x6], $0x3800, $0x38;
	[tilespmem:$0x10C80] =	vst v63  }
0x156: {  	_ =	swait.ge [sflag:s0], $0x3800  }
0x157: {  	[sflag:s0] =	ssyncset.done $0x0  }
0x158: {  	[sflag:s0] =	ssyncadd.s32 $0xFFFFC800  }
0x159: {  	[hbm4b:s9+s3] =	stream.linear.scatter [tilespmem:s25], [sflag:$0x7], $0x3800, $0x38;
	[tilespmem:$0x10C80] =	vst v63  }
0x15a: {  	_ =	swait.ge [sflag:s1], $0x3800  }
0x15b: {  	[sflag:s1] =	ssyncset.done $0x0  }
.Ltmp2:
0x15c: {  	[sflag:s1] =	ssyncadd.s32 $0xFFFFC800;
	(pc) =	sbr.rel @p2 .LBB2_4-.Ltmp2, $4  }
0x15d: {  	[hbm4b:s8+s3] =	stream.linear.scatter [tilespmem:s28], [sflag:$0x8], $0x3800, $0x38;
	[tilespmem:$0x10C80] =	vst v63  }
0x15e: {  	_ =	swait.ge [sflag:s22], $0x3800  }
0x15f: {  	s9 =	sadd.s32 $0x1C00, s9;
	s8 =	sadd.s32 $0x1C00, s8;
	[sflag:s22] =	ssyncset.done $0x0  }
0x160: {  	s11 =	sadd.s32 $0x1C00, s11;
	s10 =	sadd.s32 $0x1C00, s10;
	[sflag:s22] =	ssyncadd.s32 $0xFFFFC800  }
.LBB2_5:
0x161: {  	[hbm4b:s16+s3] =	stream.linear.scatter [tilespmem:s30], [sflag:$0x9], $0x3800, $0x38;
	[tilespmem:$0x10C80] =	vst v63  }
0x162: {  	_ =	swait.ge [sflag:s24], $0x3800  }
0x163: {  	s6 =	simm.s32 @!p1 $0x60;
	[sflag:s24] =	ssyncset.done $0x0  }
0x164: {  	s7 =	simm.s32 @!p1 $0x2AE0;
	s8 =	simm.s32 @!p1 $0x2C80;
	[sflag:s24] =	ssyncadd.s32 $0xFFFFC800  }
0x165: {  	[tilespmem:s8], [sflag:$0x2] =	stream.indirect.gather @!p1 [spmem:s2], $0x80, s7, s6, $0xb8;
	[tilespmem:$0x10C80] =	vst v63  }
0x166: {  	s6 =	simm.s32 @!p1 $0x2  }
0x167: {  	_ =	swait.ge @!p1 [sflag:s6], $0x3000  }
0x168: {  	[sflag:s6] =	ssyncset.done @!p1 $0x0  }
0x169: {  	s7 =	rddreg [dreg:$0xe];
	[sflag:s6] =	ssyncadd.s32 @!p1 $0xFFFFD000;
	s6 =	simm.s32 @!p1 $0x0  }
0x16a: {  	[hbm4b:s7+s6] =	stream.linear.scatter @!p1 [tilespmem:s8], [sflag:$0xA], $0x3000, $0x38;
	[tilespmem:$0x10C80] =	vst v63  }
0x16b: {  	s6 =	simm.s32 @!p1 $0xA  }
0x16c: {  	_ =	swait.ge @!p1 [sflag:s6], $0x3000  }
0x16d: {  	[sflag:s6] =	ssyncset.done @!p1 $0x0  }
0x16e: {  	[sflag:s6] =	ssyncadd.s32 @!p1 $0xFFFFD000  }
0x16f: {  	_ =	swait.ge [sflag:s26], $0x3800  }
0x170: {  	[sflag:s26] =	ssyncset.done $0x0  }
0x171: {  	[sflag:s26] =	ssyncadd.s32 $0xFFFFC800  }
0x172: {  	_ =	swait.ge [sflag:s29], $0x3800  }
0x173: {  	[sflag:s29] =	ssyncset.done $0x0  }
0x174: {  	[sflag:s29] =	ssyncadd.s32 $0xFFFFC800  }
0x175: {  	_ =	swait.ge [sflag:s4], $0x3800  }
0x176: {  	s5 =	sadd.s32 $0x1, s5;
	s16 =	rddreg [dreg:$0xf]  }
0x177: {  	p2 =	sne.s32 s5, s16  }
.Ltmp3:
0x178: {  	_ = 	snop;
	(pc) =	sbr.rel @p2 .LBB2_1-.Ltmp3, $3  }
0x179: {  	_ =	sdelay $0x1  }
0x17a: {  	[sflag:s4] =	ssyncset.done $0x0  }
0x17b: {  	[sflag:s4] =	ssyncadd.s32 $0xFFFFC800  }
0x17c: {  	_ =	sfence.sel $0x180000  }
0x17d: {  	[bflag:$0x0] =	sbarrier.arrive $0xFFFF  }
0x17e: {  	_ =	strace $0x90000047  }
0x17f: {  	s0 =	stileid.u32;
	[bflag:$0x2] =	sbarrier.arrive $0xFFFF  }
0x180: {  	p0 =	sne.s32 s0, $0x0;
	s0 =	rddreg [dreg:$0x4]  }
0x181: {  	s0 =	sadd.s32 @!p0 $0x100000, s0  }
0x182: {  	[sflag:s0] =	ssyncadd.tile.s32 @!p0 $0x1;
	_ =	shalt  }
.Lfunc_end2:
_tile_overlayer_lowered:
.L_overlay_start_2:
0x183: {  	(tag) =	ssettag $0x2  }
0x184: {  	s0 =	rddreg [dreg:$0x0];
	s2 =	stileid.u32  }
0x185: {  	s1 =	rddreg [dreg:$0x1];
	p0 =	sne.s32 s2, $0x0  }
0x186: {  	s3 =	rddreg [dreg:$0x2];
	[bflag:$0x3] =	sbarrier.arrive $0xFFFF;
	s2 =	simm.s32 @!p0 $0x1C0B  }
0x187: {  	[timem:s3], [sflag:s2] =	dma.local @!p0 [hbm:s0], s1  }
0x188: {  	s0 =	simm.s32 @!p0 $0xB  }
0x189: {  	_ =	swait.ge @!p0 [sflag:s0], s1  }
0x18a: {  	s1 =	ssub.s32 @!p0 $0x0, s1;
	[sflag:s0] =	ssyncset.done @!p0 $0x0  }
0x18b: {  	[sflag:s0] =	ssyncadd.s32 @!p0 s1  }
0x18c: {  	[bflag:$0x3] =	sbarrier.arrive $0xFFFF  }
0x18d: {  	_ =	shalt  }

</sc_bundles>
